<compile_context>
chip_gen: v7x
topology: tpu7x:2x2x1
jax: 0.10.2.dev20260603
libtpu: 0.0.44.dev20260713+nightly
codegen_flags: <defaults>
</compile_context>

<pallas_src>
import functools

import jax
import jax.numpy as jnp
from jax import lax
from jax.experimental import pallas as pl
from jax.experimental.pallas import tpu as pltpu
from jax.experimental.pallas import tpu_sc as plsc

B, P, F, D = 16, 512, 2048, 512
NC, NS = 2, 16
NW = NC * NS
ROWS_PER_W = (B * F) // NW
CHUNK = 64
NCHUNK = ROWS_PER_W // CHUNK
FRAMES_PER_BATCH_TILE = F // (ROWS_PER_W)


@functools.partial(
    pl.kernel,
    out_type=jax.ShapeDtypeStruct((B * F, D), jnp.float32),
    mesh=plsc.VectorSubcoreMesh(core_axis_name="c", subcore_axis_name="s"),
    scratch_types=[
        pltpu.VMEM((NCHUNK, CHUNK), jnp.int32),
        pltpu.VMEM((CHUNK, D), jnp.float32),
        pltpu.VMEM((CHUNK, D), jnp.float32),
        pltpu.SemaphoreType.DMA,
        pltpu.SemaphoreType.DMA,
    ],
)
def _sc_gather(x_hbm, vi_hbm, out_hbm, idx_v, buf0, buf1, gsem, ssem):
    wid = lax.axis_index("s") * NC + lax.axis_index("c")
    base = wid * ROWS_PER_W

    pltpu.sync_copy(vi_hbm.at[wid], idx_v)

    off = (wid // (F // ROWS_PER_W)) * P
    for j in range(NCHUNK):
        for k in range(CHUNK // 16):
            sl = (j, pl.ds(k * 16, 16))
            idx_v[sl] = idx_v[sl] + off

    bufs = (buf0, buf1)

    def start_gather(j):
        return pltpu.async_copy(x_hbm.at[idx_v.at[j]], bufs[j % 2], gsem)

    def start_scatter(j):
        dst = out_hbm.at[pl.ds(base + j * CHUNK, CHUNK)]
        return pltpu.async_copy(bufs[j % 2], dst, ssem)

    gathers = [None] * NCHUNK
    scatters = [None] * NCHUNK
    gathers[0] = start_gather(0)
    for j in range(NCHUNK):
        if j + 1 < NCHUNK:
            if j >= 1:
                scatters[j - 1].wait()
            gathers[j + 1] = start_gather(j + 1)
        gathers[j].wait()
        scatters[j] = start_scatter(j)
    scatters[NCHUNK - 2].wait()
    scatters[NCHUNK - 1].wait()


def _mask_body(vi_ref, o_ref):
    o_ref[...] = vi_ref[...] != (P - 1)


def kernel(x, durations, val_ind):
    del durations
    table = x.reshape(B * P, D)
    vi = val_ind.reshape(NW, NCHUNK, CHUNK)
    out = _sc_gather(table, vi)
    tgt_mask = pl.pallas_call(
        _mask_body,
        out_shape=jax.ShapeDtypeStruct((B, F), jnp.bool_),
    )(val_ind)
    return out.reshape(B, F, D), tgt_mask[..., None]

# --- scband reference (transcript-rebuilt; emitter-appended) ---
"""Pipeline reference for scband-length-regulator-12086037971108 (READ-ONLY COPY).

The authoritative reference and input builder live on the scoring server;
editing this copy changes nothing except your own understanding.
"""

import jax, jax.numpy as jnp
import numpy as np


def setup_inputs(seed: int = 0) -> dict:
    key = jax.random.key(seed)
    k1, k2, k3 = jax.random.split(key, 3)
    B, P, F, D = 16, 512, 2048, 512
    x = jax.random.normal(k1, (B, P, D), dtype=jnp.float32)
    durations = jax.random.randint(k2, (B, P), 0, 5, dtype=jnp.int32)
    val_ind = jnp.sort(jax.random.randint(k3, (B, F), 0, P, dtype=jnp.int32), axis=-1)
    return {"x": x, "durations": durations, "val_ind": val_ind}


def reference(x, durations, val_ind):
    # LengthRegulator.forward with val_ind provided (skips the data-dependent
    # duration-clipping python loop, as in the original when val_ind is not None).
    B, P, D = x.shape
    # ind = val_ind + MAX_PHONES * arange(BATCH_SIZE).unsqueeze(1)
    ind = val_ind + (P * jnp.arange(B, dtype=val_ind.dtype))[:, None]
    val = x.reshape((-1, D))
    # torch.nn.functional.embedding(ind, val) == gather rows of val by ind
    out = jnp.take(val, ind, axis=0)
    tgt_mask = (val_ind != P - 1)[..., None]
    return out, tgt_mask

if __name__ == "__main__":
    import jax
    _d = setup_inputs()
    print(jax.jit(kernel)(*tuple(_d.values())))

</pallas_src>

<mosaic_0001>
#map = affine_map<(d0, d1) -> (0, 0)>
#map1 = affine_map<(d0, d1) -> (0, 0, 0)>
module attributes {stable_mosaic.version = 14 : i64} {
  func.func @_sc_gather(%arg0: i32, %arg1: i32, %arg2: memref<8192x512xf32, #tpu.memory_space<hbm>>, %arg3: memref<32x16x64xi32, #tpu.memory_space<hbm>>, %arg4: memref<32768x512xf32, #tpu.memory_space<hbm>>, %arg5: memref<16x64xi32, #tpu.memory_space<vmem>>, %arg6: memref<64x512xf32, #tpu.memory_space<vmem>>, %arg7: memref<64x512xf32, #tpu.memory_space<vmem>>, %arg8: memref<!tpu.dma_semaphore, #tpu.memory_space<semaphore_mem>>, %arg9: memref<!tpu.dma_semaphore, #tpu.memory_space<semaphore_mem>>) attributes {dimension_semantics = [#tpu.dimension_semantics<core_parallel>, #tpu.dimension_semantics<subcore_parallel>], iteration_bounds = array<i64: 2, 16>, scalar_prefetch = 0 : i64, scratch_operands = 5 : i64, tpu.core_type = #tpu.core_type<sc_vector_subcore>, window_params = [{transform_indices = #map}, {transform_indices = #map1}, {transform_indices = #map}]} {
    %mul3A = arith.constant 2 : i32
    %mul3A_0 = arith.muli %arg1, %mul3A : i32
    %add3A = arith.addi %mul3A_0, %arg0 : i32
    %mul3A_1 = arith.constant 1024 : i32
    %mul3A_2 = arith.muli %add3A, %mul3A_1 : i32
    "tpu.region"() ({
      %run_scoped3A = tpu.sem_alloc : memref<!tpu.dma_semaphore, #tpu.memory_space<semaphore_mem>>
      %dma_start3A_1233 = arith.constant 0 : i32
      %dma_start3A_1234 = arith.constant 0 : i32
      %dma_start3A_1235 = tpu.memref_slice %arg3[%add3A, %dma_start3A_1233, %dma_start3A_1234] : memref<32x16x64xi32, #tpu.memory_space<hbm>> -> memref<1x16x64xi32, #tpu.memory_space<hbm>>
      %dma_start3A_1236 = tpu.memref_squeeze %dma_start3A_1235 : memref<1x16x64xi32, #tpu.memory_space<hbm>> -> memref<16x64xi32, #tpu.memory_space<hbm>>
      %dma_start3A_1237 = arith.constant 0 : i32
      %dma_start3A_1238 = arith.constant 0 : i32
      %dma_start3A_1239 = tpu.memref_slice %arg3[%add3A, %dma_start3A_1237, %dma_start3A_1238] : memref<32x16x64xi32, #tpu.memory_space<hbm>> -> memref<1x16x64xi32, #tpu.memory_space<hbm>>
      %dma_start3A_1240 = tpu.memref_squeeze %dma_start3A_1239 : memref<1x16x64xi32, #tpu.memory_space<hbm>> -> memref<16x64xi32, #tpu.memory_space<hbm>>
      tpu.enqueue_dma source(%dma_start3A_1240 : memref<16x64xi32, #tpu.memory_space<hbm>>) target(%arg5 : memref<16x64xi32, #tpu.memory_space<vmem>>) target_semaphore(%run_scoped3A : memref<!tpu.dma_semaphore, #tpu.memory_space<semaphore_mem>>)
      %dma_wait3A_1241 = arith.constant 0 : i32
      %dma_wait3A_1242 = arith.constant 0 : i32
      %dma_wait3A_1243 = tpu.memref_slice %arg3[%add3A, %dma_wait3A_1241, %dma_wait3A_1242] : memref<32x16x64xi32, #tpu.memory_space<hbm>> -> memref<1x16x64xi32, #tpu.memory_space<hbm>>
      %dma_wait3A_1244 = tpu.memref_squeeze %dma_wait3A_1243 : memref<1x16x64xi32, #tpu.memory_space<hbm>> -> memref<16x64xi32, #tpu.memory_space<hbm>>
      %dma_wait3A_1245 = arith.constant 0 : i32
      %dma_wait3A_1246 = arith.constant 0 : i32
      %dma_wait3A_1247 = tpu.memref_slice %arg3[%add3A, %dma_wait3A_1245, %dma_wait3A_1246] : memref<32x16x64xi32, #tpu.memory_space<hbm>> -> memref<1x16x64xi32, #tpu.memory_space<hbm>>
      %dma_wait3A_1248 = tpu.memref_squeeze %dma_wait3A_1247 : memref<1x16x64xi32, #tpu.memory_space<hbm>> -> memref<16x64xi32, #tpu.memory_space<hbm>>
      tpu.wait_dma2 semaphore(%run_scoped3A : memref<!tpu.dma_semaphore, #tpu.memory_space<semaphore_mem>>) src(%dma_wait3A_1248 : memref<16x64xi32, #tpu.memory_space<hbm>>) dst(%arg5 : memref<16x64xi32, #tpu.memory_space<vmem>>)
      tpu.yield
    }) : () -> ()
    %jit3A = arith.constant 2 : i32
    %div3A = arith.divsi %add3A, %jit3A : i32
    %sign3A = arith.constant 0 : i32
    %sign3A_3 = arith.cmpi sgt, %add3A, %sign3A : i32
    %sign3A_4 = arith.extui %sign3A_3 : i1 to i32
    %sign3A_5 = arith.constant 0 : i32
    %sign3A_6 = arith.cmpi slt, %add3A, %sign3A_5 : i32
    %sign3A_7 = arith.extui %sign3A_6 : i1 to i32
    %sign3A_8 = arith.subi %sign3A_4, %sign3A_7 : i32
    %sign3A_9 = arith.constant 0 : i32
    %sign3A_10 = arith.cmpi sgt, %jit3A, %sign3A_9 : i32
    %sign3A_11 = arith.extui %sign3A_10 : i1 to i32
    %sign3A_12 = arith.constant 0 : i32
    %sign3A_13 = arith.cmpi slt, %jit3A, %sign3A_12 : i32
    %sign3A_14 = arith.extui %sign3A_13 : i1 to i32
    %sign3A_15 = arith.subi %sign3A_11, %sign3A_14 : i32
    %ne3A = arith.cmpi ne, %sign3A_8, %sign3A_15 : i32
    %rem3A = arith.remsi %add3A, %jit3A : i32
    %ne3A_16 = arith.constant 0 : i32
    %ne3A_17 = arith.cmpi ne, %rem3A, %ne3A_16 : i32
    %and3A = arith.andi %ne3A, %ne3A_17 : i1
    %sub3A = arith.constant 1 : i32
    %sub3A_18 = arith.subi %div3A, %sub3A : i32
    %select_n3A = arith.select %and3A, %sub3A_18, %div3A : i32
    %mul3A_19 = arith.constant 512 : i32
    %mul3A_20 = arith.muli %select_n3A, %mul3A_19 : i32
    %get3A = arith.constant 0 : i32
    %get3A_21 = arith.index_cast %get3A : i32 to index
    %get3A_22 = arith.constant 0 : index
    %get3A_23 = tpu.vector_load %arg5[%get3A_21, %get3A_22] {strides = array<i32>} : memref<16x64xi32, #tpu.memory_space<vmem>>, vector<1x16xi32>,
    %get3A_24 = vector.shape_cast %get3A_23 : vector<1x16xi32> to vector<16xi32>
    %add3A_25 = vector.broadcast %mul3A_20 : i32 to vector<16xi32>
    %add3A_26 = arith.addi %get3A_24, %add3A_25 : vector<16xi32>
    %swap3A = arith.constant 0 : i32
    %swap3A_27 = arith.index_cast %swap3A : i32 to index
    %swap3A_28 = arith.constant 0 : index
    %swap3A_29 = tpu.vector_load %arg5[%swap3A_27, %swap3A_28] {strides = array<i32>} : memref<16x64xi32, #tpu.memory_space<vmem>>, vector<1x16xi32>,
    %swap3A_30 = vector.shape_cast %swap3A_29 : vector<1x16xi32> to vector<16xi32>
    %swap3A_31 = vector.shape_cast %add3A_26 : vector<16xi32> to vector<1x16xi32>
    tpu.vector_store %arg5[%swap3A_27, %swap3A_28], %swap3A_31 {strides = array<i32>} : memref<16x64xi32, #tpu.memory_space<vmem>>, vector<1x16xi32>,
    %get3A_32 = arith.constant 0 : i32
    %get3A_33 = arith.index_cast %get3A_32 : i32 to index
    %get3A_34 = arith.constant 16 : index
    %get3A_35 = tpu.vector_load %arg5[%get3A_33, %get3A_34] {strides = array<i32>} : memref<16x64xi32, #tpu.memory_space<vmem>>, vector<1x16xi32>,
    %get3A_36 = vector.shape_cast %get3A_35 : vector<1x16xi32> to vector<16xi32>
    %add3A_37 = vector.broadcast %mul3A_20 : i32 to vector<16xi32>
    %add3A_38 = arith.addi %get3A_36, %add3A_37 : vector<16xi32>
    %swap3A_39 = arith.constant 0 : i32
    %swap3A_40 = arith.index_cast %swap3A_39 : i32 to index
    %swap3A_41 = arith.constant 16 : index
    %swap3A_42 = tpu.vector_load %arg5[%swap3A_40, %swap3A_41] {strides = array<i32>} : memref<16x64xi32, #tpu.memory_space<vmem>>, vector<1x16xi32>,
    %swap3A_43 = vector.shape_cast %swap3A_42 : vector<1x16xi32> to vector<16xi32>
    %swap3A_44 = vector.shape_cast %add3A_38 : vector<16xi32> to vector<1x16xi32>
    tpu.vector_store %arg5[%swap3A_40, %swap3A_41], %swap3A_44 {strides = array<i32>} : memref<16x64xi32, #tpu.memory_space<vmem>>, vector<1x16xi32>,
    %get3A_45 = arith.constant 0 : i32
    %get3A_46 = arith.index_cast %get3A_45 : i32 to index
    %get3A_47 = arith.constant 32 : index
    %get3A_48 = tpu.vector_load %arg5[%get3A_46, %get3A_47] {strides = array<i32>} : memref<16x64xi32, #tpu.memory_space<vmem>>, vector<1x16xi32>,
    %get3A_49 = vector.shape_cast %get3A_48 : vector<1x16xi32> to vector<16xi32>
    %add3A_50 = vector.broadcast %mul3A_20 : i32 to vector<16xi32>
    %add3A_51 = arith.addi %get3A_49, %add3A_50 : vector<16xi32>
    %swap3A_52 = arith.constant 0 : i32
    %swap3A_53 = arith.index_cast %swap3A_52 : i32 to index
    %swap3A_54 = arith.constant 32 : index
    %swap3A_55 = tpu.vector_load %arg5[%swap3A_53, %swap3A_54] {strides = array<i32>} : memref<16x64xi32, #tpu.memory_space<vmem>>, vector<1x16xi32>,
    %swap3A_56 = vector.shape_cast %swap3A_55 : vector<1x16xi32> to vector<16xi32>
    %swap3A_57 = vector.shape_cast %add3A_51 : vector<16xi32> to vector<1x16xi32>
    tpu.vector_store %arg5[%swap3A_53, %swap3A_54], %swap3A_57 {strides = array<i32>} : memref<16x64xi32, #tpu.memory_space<vmem>>, vector<1x16xi32>,
    %get3A_58 = arith.constant 0 : i32
    %get3A_59 = arith.index_cast %get3A_58 : i32 to index
    %get3A_60 = arith.constant 48 : index
    %get3A_61 = tpu.vector_load %arg5[%get3A_59, %get3A_60] {strides = array<i32>} : memref<16x64xi32, #tpu.memory_space<vmem>>, vector<1x16xi32>,
    %get3A_62 = vector.shape_cast %get3A_61 : vector<1x16xi32> to vector<16xi32>
    %add3A_63 = vector.broadcast %mul3A_20 : i32 to vector<16xi32>
    %add3A_64 = arith.addi %get3A_62, %add3A_63 : vector<16xi32>
    %swap3A_65 = arith.constant 0 : i32
    %swap3A_66 = arith.index_cast %swap3A_65 : i32 to index
    %swap3A_67 = arith.constant 48 : index
    %swap3A_68 = tpu.vector_load %arg5[%swap3A_66, %swap3A_67] {strides = array<i32>} : memref<16x64xi32, #tpu.memory_space<vmem>>, vector<1x16xi32>,
    %swap3A_69 = vector.shape_cast %swap3A_68 : vector<1x16xi32> to vector<16xi32>
    %swap3A_70 = vector.shape_cast %add3A_64 : vector<16xi32> to vector<1x16xi32>
    tpu.vector_store %arg5[%swap3A_66, %swap3A_67], %swap3A_70 {strides = array<i32>} : memref<16x64xi32, #tpu.memory_space<vmem>>, vector<1x16xi32>,
    %get3A_71 = arith.constant 1 : i32
    %get3A_72 = arith.index_cast %get3A_71 : i32 to index
    %get3A_73 = arith.constant 0 : index
    %get3A_74 = tpu.vector_load %arg5[%get3A_72, %get3A_73] {strides = array<i32>} : memref<16x64xi32, #tpu.memory_space<vmem>>, vector<1x16xi32>,
    %get3A_75 = vector.shape_cast %get3A_74 : vector<1x16xi32> to vector<16xi32>
    %add3A_76 = vector.broadcast %mul3A_20 : i32 to vector<16xi32>
    %add3A_77 = arith.addi %get3A_75, %add3A_76 : vector<16xi32>
    %swap3A_78 = arith.constant 1 : i32
    %swap3A_79 = arith.index_cast %swap3A_78 : i32 to index
    %swap3A_80 = arith.constant 0 : index
    %swap3A_81 = tpu.vector_load %arg5[%swap3A_79, %swap3A_80] {strides = array<i32>} : memref<16x64xi32, #tpu.memory_space<vmem>>, vector<1x16xi32>,
    %swap3A_82 = vector.shape_cast %swap3A_81 : vector<1x16xi32> to vector<16xi32>
    %swap3A_83 = vector.shape_cast %add3A_77 : vector<16xi32> to vector<1x16xi32>
    tpu.vector_store %arg5[%swap3A_79, %swap3A_80], %swap3A_83 {strides = array<i32>} : memref<16x64xi32, #tpu.memory_space<vmem>>, vector<1x16xi32>,
    %get3A_84 = arith.constant 1 : i32
    %get3A_85 = arith.index_cast %get3A_84 : i32 to index
    %get3A_86 = arith.constant 16 : index
    %get3A_87 = tpu.vector_load %arg5[%get3A_85, %get3A_86] {strides = array<i32>} : memref<16x64xi32, #tpu.memory_space<vmem>>, vector<1x16xi32>,
    %get3A_88 = vector.shape_cast %get3A_87 : vector<1x16xi32> to vector<16xi32>
    %add3A_89 = vector.broadcast %mul3A_20 : i32 to vector<16xi32>
    %add3A_90 = arith.addi %get3A_88, %add3A_89 : vector<16xi32>
    %swap3A_91 = arith.constant 1 : i32
    %swap3A_92 = arith.index_cast %swap3A_91 : i32 to index
    %swap3A_93 = arith.constant 16 : index
    %swap3A_94 = tpu.vector_load %arg5[%swap3A_92, %swap3A_93] {strides = array<i32>} : memref<16x64xi32, #tpu.memory_space<vmem>>, vector<1x16xi32>,
    %swap3A_95 = vector.shape_cast %swap3A_94 : vector<1x16xi32> to vector<16xi32>
    %swap3A_96 = vector.shape_cast %add3A_90 : vector<16xi32> to vector<1x16xi32>
    tpu.vector_store %arg5[%swap3A_92, %swap3A_93], %swap3A_96 {strides = array<i32>} : memref<16x64xi32, #tpu.memory_space<vmem>>, vector<1x16xi32>,
    %get3A_97 = arith.constant 1 : i32
    %get3A_98 = arith.index_cast %get3A_97 : i32 to index
    %get3A_99 = arith.constant 32 : index
    %get3A_100 = tpu.vector_load %arg5[%get3A_98, %get3A_99] {strides = array<i32>} : memref<16x64xi32, #tpu.memory_space<vmem>>, vector<1x16xi32>,
    %get3A_101 = vector.shape_cast %get3A_100 : vector<1x16xi32> to vector<16xi32>
    %add3A_102 = vector.broadcast %mul3A_20 : i32 to vector<16xi32>
    %add3A_103 = arith.addi %get3A_101, %add3A_102 : vector<16xi32>
    %swap3A_104 = arith.constant 1 : i32
    %swap3A_105 = arith.index_cast %swap3A_104 : i32 to index
    %swap3A_106 = arith.constant 32 : index
    %swap3A_107 = tpu.vector_load %arg5[%swap3A_105, %swap3A_106] {strides = array<i32>} : memref<16x64xi32, #tpu.memory_space<vmem>>, vector<1x16xi32>,
    %swap3A_108 = vector.shape_cast %swap3A_107 : vector<1x16xi32> to vector<16xi32>
    %swap3A_109 = vector.shape_cast %add3A_103 : vector<16xi32> to vector<1x16xi32>
    tpu.vector_store %arg5[%swap3A_105, %swap3A_106], %swap3A_109 {strides = array<i32>} : memref<16x64xi32, #tpu.memory_space<vmem>>, vector<1x16xi32>,
    %get3A_110 = arith.constant 1 : i32
    %get3A_111 = arith.index_cast %get3A_110 : i32 to index
    %get3A_112 = arith.constant 48 : index
    %get3A_113 = tpu.vector_load %arg5[%get3A_111, %get3A_112] {strides = array<i32>} : memref<16x64xi32, #tpu.memory_space<vmem>>, vector<1x16xi32>,
    %get3A_114 = vector.shape_cast %get3A_113 : vector<1x16xi32> to vector<16xi32>
    %add3A_115 = vector.broadcast %mul3A_20 : i32 to vector<16xi32>
    %add3A_116 = arith.addi %get3A_114, %add3A_115 : vector<16xi32>
    %swap3A_117 = arith.constant 1 : i32
    %swap3A_118 = arith.index_cast %swap3A_117 : i32 to index
    %swap3A_119 = arith.constant 48 : index
    %swap3A_120 = tpu.vector_load %arg5[%swap3A_118, %swap3A_119] {strides = array<i32>} : memref<16x64xi32, #tpu.memory_space<vmem>>, vector<1x16xi32>,
    %swap3A_121 = vector.shape_cast %swap3A_120 : vector<1x16xi32> to vector<16xi32>
    %swap3A_122 = vector.shape_cast %add3A_116 : vector<16xi32> to vector<1x16xi32>
    tpu.vector_store %arg5[%swap3A_118, %swap3A_119], %swap3A_122 {strides = array<i32>} : memref<16x64xi32, #tpu.memory_space<vmem>>, vector<1x16xi32>,
    %get3A_123 = arith.constant 2 : i32
    %get3A_124 = arith.index_cast %get3A_123 : i32 to index
    %get3A_125 = arith.constant 0 : index
    %get3A_126 = tpu.vector_load %arg5[%get3A_124, %get3A_125] {strides = array<i32>} : memref<16x64xi32, #tpu.memory_space<vmem>>, vector<1x16xi32>,
    %get3A_127 = vector.shape_cast %get3A_126 : vector<1x16xi32> to vector<16xi32>
    %add3A_128 = vector.broadcast %mul3A_20 : i32 to vector<16xi32>
    %add3A_129 = arith.addi %get3A_127, %add3A_128 : vector<16xi32>
    %swap3A_130 = arith.constant 2 : i32
    %swap3A_131 = arith.index_cast %swap3A_130 : i32 to index
    %swap3A_132 = arith.constant 0 : index
    %swap3A_133 = tpu.vector_load %arg5[%swap3A_131, %swap3A_132] {strides = array<i32>} : memref<16x64xi32, #tpu.memory_space<vmem>>, vector<1x16xi32>,
    %swap3A_134 = vector.shape_cast %swap3A_133 : vector<1x16xi32> to vector<16xi32>
    %swap3A_135 = vector.shape_cast %add3A_129 : vector<16xi32> to vector<1x16xi32>
    tpu.vector_store %arg5[%swap3A_131, %swap3A_132], %swap3A_135 {strides = array<i32>} : memref<16x64xi32, #tpu.memory_space<vmem>>, vector<1x16xi32>,
    %get3A_136 = arith.constant 2 : i32
    %get3A_137 = arith.index_cast %get3A_136 : i32 to index
    %get3A_138 = arith.constant 16 : index
    %get3A_139 = tpu.vector_load %arg5[%get3A_137, %get3A_138] {strides = array<i32>} : memref<16x64xi32, #tpu.memory_space<vmem>>, vector<1x16xi32>,
    %get3A_140 = vector.shape_cast %get3A_139 : vector<1x16xi32> to vector<16xi32>
    %add3A_141 = vector.broadcast %mul3A_20 : i32 to vector<16xi32>
    %add3A_142 = arith.addi %get3A_140, %add3A_141 : vector<16xi32>
    %swap3A_143 = arith.constant 2 : i32
    %swap3A_144 = arith.index_cast %swap3A_143 : i32 to index
    %swap3A_145 = arith.constant 16 : index
    %swap3A_146 = tpu.vector_load %arg5[%swap3A_144, %swap3A_145] {strides = array<i32>} : memref<16x64xi32, #tpu.memory_space<vmem>>, vector<1x16xi32>,
    %swap3A_147 = vector.shape_cast %swap3A_146 : vector<1x16xi32> to vector<16xi32>
    %swap3A_148 = vector.shape_cast %add3A_142 : vector<16xi32> to vector<1x16xi32>
    tpu.vector_store %arg5[%swap3A_144, %swap3A_145], %swap3A_148 {strides = array<i32>} : memref<16x64xi32, #tpu.memory_space<vmem>>, vector<1x16xi32>,
    %get3A_149 = arith.constant 2 : i32
    %get3A_150 = arith.index_cast %get3A_149 : i32 to index
    %get3A_151 = arith.constant 32 : index
    %get3A_152 = tpu.vector_load %arg5[%get3A_150, %get3A_151] {strides = array<i32>} : memref<16x64xi32, #tpu.memory_space<vmem>>, vector<1x16xi32>,
    %get3A_153 = vector.shape_cast %get3A_152 : vector<1x16xi32> to vector<16xi32>
    %add3A_154 = vector.broadcast %mul3A_20 : i32 to vector<16xi32>
    %add3A_155 = arith.addi %get3A_153, %add3A_154 : vector<16xi32>
    %swap3A_156 = arith.constant 2 : i32
    %swap3A_157 = arith.index_cast %swap3A_156 : i32 to index
    %swap3A_158 = arith.constant 32 : index
    %swap3A_159 = tpu.vector_load %arg5[%swap3A_157, %swap3A_158] {strides = array<i32>} : memref<16x64xi32, #tpu.memory_space<vmem>>, vector<1x16xi32>,
    %swap3A_160 = vector.shape_cast %swap3A_159 : vector<1x16xi32> to vector<16xi32>
    %swap3A_161 = vector.shape_cast %add3A_155 : vector<16xi32> to vector<1x16xi32>
    tpu.vector_store %arg5[%swap3A_157, %swap3A_158], %swap3A_161 {strides = array<i32>} : memref<16x64xi32, #tpu.memory_space<vmem>>, vector<1x16xi32>,
    %get3A_162 = arith.constant 2 : i32
    %get3A_163 = arith.index_cast %get3A_162 : i32 to index
    %get3A_164 = arith.constant 48 : index
    %get3A_165 = tpu.vector_load %arg5[%get3A_163, %get3A_164] {strides = array<i32>} : memref<16x64xi32, #tpu.memory_space<vmem>>, vector<1x16xi32>,
    %get3A_166 = vector.shape_cast %get3A_165 : vector<1x16xi32> to vector<16xi32>
    %add3A_167 = vector.broadcast %mul3A_20 : i32 to vector<16xi32>
    %add3A_168 = arith.addi %get3A_166, %add3A_167 : vector<16xi32>
    %swap3A_169 = arith.constant 2 : i32
    %swap3A_170 = arith.index_cast %swap3A_169 : i32 to index
    %swap3A_171 = arith.constant 48 : index
    %swap3A_172 = tpu.vector_load %arg5[%swap3A_170, %swap3A_171] {strides = array<i32>} : memref<16x64xi32, #tpu.memory_space<vmem>>, vector<1x16xi32>,
    %swap3A_173 = vector.shape_cast %swap3A_172 : vector<1x16xi32> to vector<16xi32>
    %swap3A_174 = vector.shape_cast %add3A_168 : vector<16xi32> to vector<1x16xi32>
    tpu.vector_store %arg5[%swap3A_170, %swap3A_171], %swap3A_174 {strides = array<i32>} : memref<16x64xi32, #tpu.memory_space<vmem>>, vector<1x16xi32>,
    %get3A_175 = arith.constant 3 : i32
    %get3A_176 = arith.index_cast %get3A_175 : i32 to index
    %get3A_177 = arith.constant 0 : index
    %get3A_178 = tpu.vector_load %arg5[%get3A_176, %get3A_177] {strides = array<i32>} : memref<16x64xi32, #tpu.memory_space<vmem>>, vector<1x16xi32>,
    %get3A_179 = vector.shape_cast %get3A_178 : vector<1x16xi32> to vector<16xi32>
    %add3A_180 = vector.broadcast %mul3A_20 : i32 to vector<16xi32>
    %add3A_181 = arith.addi %get3A_179, %add3A_180 : vector<16xi32>
    %swap3A_182 = arith.constant 3 : i32
    %swap3A_183 = arith.index_cast %swap3A_182 : i32 to index
    %swap3A_184 = arith.constant 0 : index
    %swap3A_185 = tpu.vector_load %arg5[%swap3A_183, %swap3A_184] {strides = array<i32>} : memref<16x64xi32, #tpu.memory_space<vmem>>, vector<1x16xi32>,
    %swap3A_186 = vector.shape_cast %swap3A_185 : vector<1x16xi32> to vector<16xi32>
    %swap3A_187 = vector.shape_cast %add3A_181 : vector<16xi32> to vector<1x16xi32>
    tpu.vector_store %arg5[%swap3A_183, %swap3A_184], %swap3A_187 {strides = array<i32>} : memref<16x64xi32, #tpu.memory_space<vmem>>, vector<1x16xi32>,
    %get3A_188 = arith.constant 3 : i32
    %get3A_189 = arith.index_cast %get3A_188 : i32 to index
    %get3A_190 = arith.constant 16 : index
    %get3A_191 = tpu.vector_load %arg5[%get3A_189, %get3A_190] {strides = array<i32>} : memref<16x64xi32, #tpu.memory_space<vmem>>, vector<1x16xi32>,
    %get3A_192 = vector.shape_cast %get3A_191 : vector<1x16xi32> to vector<16xi32>
    %add3A_193 = vector.broadcast %mul3A_20 : i32 to vector<16xi32>
    %add3A_194 = arith.addi %get3A_192, %add3A_193 : vector<16xi32>
    %swap3A_195 = arith.constant 3 : i32
    %swap3A_196 = arith.index_cast %swap3A_195 : i32 to index
    %swap3A_197 = arith.constant 16 : index
    %swap3A_198 = tpu.vector_load %arg5[%swap3A_196, %swap3A_197] {strides = array<i32>} : memref<16x64xi32, #tpu.memory_space<vmem>>, vector<1x16xi32>,
    %swap3A_199 = vector.shape_cast %swap3A_198 : vector<1x16xi32> to vector<16xi32>
    %swap3A_200 = vector.shape_cast %add3A_194 : vector<16xi32> to vector<1x16xi32>
    tpu.vector_store %arg5[%swap3A_196, %swap3A_197], %swap3A_200 {strides = array<i32>} : memref<16x64xi32, #tpu.memory_space<vmem>>, vector<1x16xi32>,
    %get3A_201 = arith.constant 3 : i32
    %get3A_202 = arith.index_cast %get3A_201 : i32 to index
    %get3A_203 = arith.constant 32 : index
    %get3A_204 = tpu.vector_load %arg5[%get3A_202, %get3A_203] {strides = array<i32>} : memref<16x64xi32, #tpu.memory_space<vmem>>, vector<1x16xi32>,
    %get3A_205 = vector.shape_cast %get3A_204 : vector<1x16xi32> to vector<16xi32>
    %add3A_206 = vector.broadcast %mul3A_20 : i32 to vector<16xi32>
    %add3A_207 = arith.addi %get3A_205, %add3A_206 : vector<16xi32>
    %swap3A_208 = arith.constant 3 : i32
    %swap3A_209 = arith.index_cast %swap3A_208 : i32 to index
    %swap3A_210 = arith.constant 32 : index
    %swap3A_211 = tpu.vector_load %arg5[%swap3A_209, %swap3A_210] {strides = array<i32>} : memref<16x64xi32, #tpu.memory_space<vmem>>, vector<1x16xi32>,
    %swap3A_212 = vector.shape_cast %swap3A_211 : vector<1x16xi32> to vector<16xi32>
    %swap3A_213 = vector.shape_cast %add3A_207 : vector<16xi32> to vector<1x16xi32>
    tpu.vector_store %arg5[%swap3A_209, %swap3A_210], %swap3A_213 {strides = array<i32>} : memref<16x64xi32, #tpu.memory_space<vmem>>, vector<1x16xi32>,
    %get3A_214 = arith.constant 3 : i32
    %get3A_215 = arith.index_cast %get3A_214 : i32 to index
    %get3A_216 = arith.constant 48 : index
    %get3A_217 = tpu.vector_load %arg5[%get3A_215, %get3A_216] {strides = array<i32>} : memref<16x64xi32, #tpu.memory_space<vmem>>, vector<1x16xi32>,
    %get3A_218 = vector.shape_cast %get3A_217 : vector<1x16xi32> to vector<16xi32>
    %add3A_219 = vector.broadcast %mul3A_20 : i32 to vector<16xi32>
    %add3A_220 = arith.addi %get3A_218, %add3A_219 : vector<16xi32>
    %swap3A_221 = arith.constant 3 : i32
    %swap3A_222 = arith.index_cast %swap3A_221 : i32 to index
    %swap3A_223 = arith.constant 48 : index
    %swap3A_224 = tpu.vector_load %arg5[%swap3A_222, %swap3A_223] {strides = array<i32>} : memref<16x64xi32, #tpu.memory_space<vmem>>, vector<1x16xi32>,
    %swap3A_225 = vector.shape_cast %swap3A_224 : vector<1x16xi32> to vector<16xi32>
    %swap3A_226 = vector.shape_cast %add3A_220 : vector<16xi32> to vector<1x16xi32>
    tpu.vector_store %arg5[%swap3A_222, %swap3A_223], %swap3A_226 {strides = array<i32>} : memref<16x64xi32, #tpu.memory_space<vmem>>, vector<1x16xi32>,
    %get3A_227 = arith.constant 4 : i32
    %get3A_228 = arith.index_cast %get3A_227 : i32 to index
    %get3A_229 = arith.constant 0 : index
    %get3A_230 = tpu.vector_load %arg5[%get3A_228, %get3A_229] {strides = array<i32>} : memref<16x64xi32, #tpu.memory_space<vmem>>, vector<1x16xi32>,
    %get3A_231 = vector.shape_cast %get3A_230 : vector<1x16xi32> to vector<16xi32>
    %add3A_232 = vector.broadcast %mul3A_20 : i32 to vector<16xi32>
    %add3A_233 = arith.addi %get3A_231, %add3A_232 : vector<16xi32>
    %swap3A_234 = arith.constant 4 : i32
    %swap3A_235 = arith.index_cast %swap3A_234 : i32 to index
    %swap3A_236 = arith.constant 0 : index
    %swap3A_237 = tpu.vector_load %arg5[%swap3A_235, %swap3A_236] {strides = array<i32>} : memref<16x64xi32, #tpu.memory_space<vmem>>, vector<1x16xi32>,
    %swap3A_238 = vector.shape_cast %swap3A_237 : vector<1x16xi32> to vector<16xi32>
    %swap3A_239 = vector.shape_cast %add3A_233 : vector<16xi32> to vector<1x16xi32>
    tpu.vector_store %arg5[%swap3A_235, %swap3A_236], %swap3A_239 {strides = array<i32>} : memref<16x64xi32, #tpu.memory_space<vmem>>, vector<1x16xi32>,
    %get3A_240 = arith.constant 4 : i32
    %get3A_241 = arith.index_cast %get3A_240 : i32 to index
    %get3A_242 = arith.constant 16 : index
    %get3A_243 = tpu.vector_load %arg5[%get3A_241, %get3A_242] {strides = array<i32>} : memref<16x64xi32, #tpu.memory_space<vmem>>, vector<1x16xi32>,
    %get3A_244 = vector.shape_cast %get3A_243 : vector<1x16xi32> to vector<16xi32>
    %add3A_245 = vector.broadcast %mul3A_20 : i32 to vector<16xi32>
    %add3A_246 = arith.addi %get3A_244, %add3A_245 : vector<16xi32>
    %swap3A_247 = arith.constant 4 : i32
    %swap3A_248 = arith.index_cast %swap3A_247 : i32 to index
    %swap3A_249 = arith.constant 16 : index
    %swap3A_250 = tpu.vector_load %arg5[%swap3A_248, %swap3A_249] {strides = array<i32>} : memref<16x64xi32, #tpu.memory_space<vmem>>, vector<1x16xi32>,
    %swap3A_251 = vector.shape_cast %swap3A_250 : vector<1x16xi32> to vector<16xi32>
    %swap3A_252 = vector.shape_cast %add3A_246 : vector<16xi32> to vector<1x16xi32>
    tpu.vector_store %arg5[%swap3A_248, %swap3A_249], %swap3A_252 {strides = array<i32>} : memref<16x64xi32, #tpu.memory_space<vmem>>, vector<1x16xi32>,
    %get3A_253 = arith.constant 4 : i32
    %get3A_254 = arith.index_cast %get3A_253 : i32 to index
    %get3A_255 = arith.constant 32 : index
    %get3A_256 = tpu.vector_load %arg5[%get3A_254, %get3A_255] {strides = array<i32>} : memref<16x64xi32, #tpu.memory_space<vmem>>, vector<1x16xi32>,
    %get3A_257 = vector.shape_cast %get3A_256 : vector<1x16xi32> to vector<16xi32>
    %add3A_258 = vector.broadcast %mul3A_20 : i32 to vector<16xi32>
    %add3A_259 = arith.addi %get3A_257, %add3A_258 : vector<16xi32>
    %swap3A_260 = arith.constant 4 : i32
    %swap3A_261 = arith.index_cast %swap3A_260 : i32 to index
    %swap3A_262 = arith.constant 32 : index
    %swap3A_263 = tpu.vector_load %arg5[%swap3A_261, %swap3A_262] {strides = array<i32>} : memref<16x64xi32, #tpu.memory_space<vmem>>, vector<1x16xi32>,
    %swap3A_264 = vector.shape_cast %swap3A_263 : vector<1x16xi32> to vector<16xi32>
    %swap3A_265 = vector.shape_cast %add3A_259 : vector<16xi32> to vector<1x16xi32>
    tpu.vector_store %arg5[%swap3A_261, %swap3A_262], %swap3A_265 {strides = array<i32>} : memref<16x64xi32, #tpu.memory_space<vmem>>, vector<1x16xi32>,
    %get3A_266 = arith.constant 4 : i32
    %get3A_267 = arith.index_cast %get3A_266 : i32 to index
    %get3A_268 = arith.constant 48 : index
    %get3A_269 = tpu.vector_load %arg5[%get3A_267, %get3A_268] {strides = array<i32>} : memref<16x64xi32, #tpu.memory_space<vmem>>, vector<1x16xi32>,
    %get3A_270 = vector.shape_cast %get3A_269 : vector<1x16xi32> to vector<16xi32>
    %add3A_271 = vector.broadcast %mul3A_20 : i32 to vector<16xi32>
    %add3A_272 = arith.addi %get3A_270, %add3A_271 : vector<16xi32>
    %swap3A_273 = arith.constant 4 : i32
    %swap3A_274 = arith.index_cast %swap3A_273 : i32 to index
    %swap3A_275 = arith.constant 48 : index
    %swap3A_276 = tpu.vector_load %arg5[%swap3A_274, %swap3A_275] {strides = array<i32>} : memref<16x64xi32, #tpu.memory_space<vmem>>, vector<1x16xi32>,
    %swap3A_277 = vector.shape_cast %swap3A_276 : vector<1x16xi32> to vector<16xi32>
    %swap3A_278 = vector.shape_cast %add3A_272 : vector<16xi32> to vector<1x16xi32>
    tpu.vector_store %arg5[%swap3A_274, %swap3A_275], %swap3A_278 {strides = array<i32>} : memref<16x64xi32, #tpu.memory_space<vmem>>, vector<1x16xi32>,
    %get3A_279 = arith.constant 5 : i32
    %get3A_280 = arith.index_cast %get3A_279 : i32 to index
    %get3A_281 = arith.constant 0 : index
    %get3A_282 = tpu.vector_load %arg5[%get3A_280, %get3A_281] {strides = array<i32>} : memref<16x64xi32, #tpu.memory_space<vmem>>, vector<1x16xi32>,
    %get3A_283 = vector.shape_cast %get3A_282 : vector<1x16xi32> to vector<16xi32>
    %add3A_284 = vector.broadcast %mul3A_20 : i32 to vector<16xi32>
    %add3A_285 = arith.addi %get3A_283, %add3A_284 : vector<16xi32>
    %swap3A_286 = arith.constant 5 : i32
    %swap3A_287 = arith.index_cast %swap3A_286 : i32 to index
    %swap3A_288 = arith.constant 0 : index
    %swap3A_289 = tpu.vector_load %arg5[%swap3A_287, %swap3A_288] {strides = array<i32>} : memref<16x64xi32, #tpu.memory_space<vmem>>, vector<1x16xi32>,
    %swap3A_290 = vector.shape_cast %swap3A_289 : vector<1x16xi32> to vector<16xi32>
    %swap3A_291 = vector.shape_cast %add3A_285 : vector<16xi32> to vector<1x16xi32>
    tpu.vector_store %arg5[%swap3A_287, %swap3A_288], %swap3A_291 {strides = array<i32>} : memref<16x64xi32, #tpu.memory_space<vmem>>, vector<1x16xi32>,
    %get3A_292 = arith.constant 5 : i32
    %get3A_293 = arith.index_cast %get3A_292 : i32 to index
    %get3A_294 = arith.constant 16 : index
    %get3A_295 = tpu.vector_load %arg5[%get3A_293, %get3A_294] {strides = array<i32>} : memref<16x64xi32, #tpu.memory_space<vmem>>, vector<1x16xi32>,
    %get3A_296 = vector.shape_cast %get3A_295 : vector<1x16xi32> to vector<16xi32>
    %add3A_297 = vector.broadcast %mul3A_20 : i32 to vector<16xi32>
    %add3A_298 = arith.addi %get3A_296, %add3A_297 : vector<16xi32>
    %swap3A_299 = arith.constant 5 : i32
    %swap3A_300 = arith.index_cast %swap3A_299 : i32 to index
    %swap3A_301 = arith.constant 16 : index
    %swap3A_302 = tpu.vector_load %arg5[%swap3A_300, %swap3A_301] {strides = array<i32>} : memref<16x64xi32, #tpu.memory_space<vmem>>, vector<1x16xi32>,
    %swap3A_303 = vector.shape_cast %swap3A_302 : vector<1x16xi32> to vector<16xi32>
    %swap3A_304 = vector.shape_cast %add3A_298 : vector<16xi32> to vector<1x16xi32>
    tpu.vector_store %arg5[%swap3A_300, %swap3A_301], %swap3A_304 {strides = array<i32>} : memref<16x64xi32, #tpu.memory_space<vmem>>, vector<1x16xi32>,
    %get3A_305 = arith.constant 5 : i32
    %get3A_306 = arith.index_cast %get3A_305 : i32 to index
    %get3A_307 = arith.constant 32 : index
    %get3A_308 = tpu.vector_load %arg5[%get3A_306, %get3A_307] {strides = array<i32>} : memref<16x64xi32, #tpu.memory_space<vmem>>, vector<1x16xi32>,
    %get3A_309 = vector.shape_cast %get3A_308 : vector<1x16xi32> to vector<16xi32>
    %add3A_310 = vector.broadcast %mul3A_20 : i32 to vector<16xi32>
    %add3A_311 = arith.addi %get3A_309, %add3A_310 : vector<16xi32>
    %swap3A_312 = arith.constant 5 : i32
    %swap3A_313 = arith.index_cast %swap3A_312 : i32 to index
    %swap3A_314 = arith.constant 32 : index
    %swap3A_315 = tpu.vector_load %arg5[%swap3A_313, %swap3A_314] {strides = array<i32>} : memref<16x64xi32, #tpu.memory_space<vmem>>, vector<1x16xi32>,
    %swap3A_316 = vector.shape_cast %swap3A_315 : vector<1x16xi32> to vector<16xi32>
    %swap3A_317 = vector.shape_cast %add3A_311 : vector<16xi32> to vector<1x16xi32>
    tpu.vector_store %arg5[%swap3A_313, %swap3A_314], %swap3A_317 {strides = array<i32>} : memref<16x64xi32, #tpu.memory_space<vmem>>, vector<1x16xi32>,
    %get3A_318 = arith.constant 5 : i32
    %get3A_319 = arith.index_cast %get3A_318 : i32 to index
    %get3A_320 = arith.constant 48 : index
    %get3A_321 = tpu.vector_load %arg5[%get3A_319, %get3A_320] {strides = array<i32>} : memref<16x64xi32, #tpu.memory_space<vmem>>, vector<1x16xi32>,
    %get3A_322 = vector.shape_cast %get3A_321 : vector<1x16xi32> to vector<16xi32>
    %add3A_323 = vector.broadcast %mul3A_20 : i32 to vector<16xi32>
    %add3A_324 = arith.addi %get3A_322, %add3A_323 : vector<16xi32>
    %swap3A_325 = arith.constant 5 : i32
    %swap3A_326 = arith.index_cast %swap3A_325 : i32 to index
    %swap3A_327 = arith.constant 48 : index
    %swap3A_328 = tpu.vector_load %arg5[%swap3A_326, %swap3A_327] {strides = array<i32>} : memref<16x64xi32, #tpu.memory_space<vmem>>, vector<1x16xi32>,
    %swap3A_329 = vector.shape_cast %swap3A_328 : vector<1x16xi32> to vector<16xi32>
    %swap3A_330 = vector.shape_cast %add3A_324 : vector<16xi32> to vector<1x16xi32>
    tpu.vector_store %arg5[%swap3A_326, %swap3A_327], %swap3A_330 {strides = array<i32>} : memref<16x64xi32, #tpu.memory_space<vmem>>, vector<1x16xi32>,
    %get3A_331 = arith.constant 6 : i32
    %get3A_332 = arith.index_cast %get3A_331 : i32 to index
    %get3A_333 = arith.constant 0 : index
    %get3A_334 = tpu.vector_load %arg5[%get3A_332, %get3A_333] {strides = array<i32>} : memref<16x64xi32, #tpu.memory_space<vmem>>, vector<1x16xi32>,
    %get3A_335 = vector.shape_cast %get3A_334 : vector<1x16xi32> to vector<16xi32>
    %add3A_336 = vector.broadcast %mul3A_20 : i32 to vector<16xi32>
    %add3A_337 = arith.addi %get3A_335, %add3A_336 : vector<16xi32>
    %swap3A_338 = arith.constant 6 : i32
    %swap3A_339 = arith.index_cast %swap3A_338 : i32 to index
    %swap3A_340 = arith.constant 0 : index
    %swap3A_341 = tpu.vector_load %arg5[%swap3A_339, %swap3A_340] {strides = array<i32>} : memref<16x64xi32, #tpu.memory_space<vmem>>, vector<1x16xi32>,
    %swap3A_342 = vector.shape_cast %swap3A_341 : vector<1x16xi32> to vector<16xi32>
    %swap3A_343 = vector.shape_cast %add3A_337 : vector<16xi32> to vector<1x16xi32>
    tpu.vector_store %arg5[%swap3A_339, %swap3A_340], %swap3A_343 {strides = array<i32>} : memref<16x64xi32, #tpu.memory_space<vmem>>, vector<1x16xi32>,
    %get3A_344 = arith.constant 6 : i32
    %get3A_345 = arith.index_cast %get3A_344 : i32 to index
    %get3A_346 = arith.constant 16 : index
    %get3A_347 = tpu.vector_load %arg5[%get3A_345, %get3A_346] {strides = array<i32>} : memref<16x64xi32, #tpu.memory_space<vmem>>, vector<1x16xi32>,
    %get3A_348 = vector.shape_cast %get3A_347 : vector<1x16xi32> to vector<16xi32>
    %add3A_349 = vector.broadcast %mul3A_20 : i32 to vector<16xi32>
    %add3A_350 = arith.addi %get3A_348, %add3A_349 : vector<16xi32>
    %swap3A_351 = arith.constant 6 : i32
    %swap3A_352 = arith.index_cast %swap3A_351 : i32 to index
    %swap3A_353 = arith.constant 16 : index
    %swap3A_354 = tpu.vector_load %arg5[%swap3A_352, %swap3A_353] {strides = array<i32>} : memref<16x64xi32, #tpu.memory_space<vmem>>, vector<1x16xi32>,
    %swap3A_355 = vector.shape_cast %swap3A_354 : vector<1x16xi32> to vector<16xi32>
    %swap3A_356 = vector.shape_cast %add3A_350 : vector<16xi32> to vector<1x16xi32>
    tpu.vector_store %arg5[%swap3A_352, %swap3A_353], %swap3A_356 {strides = array<i32>} : memref<16x64xi32, #tpu.memory_space<vmem>>, vector<1x16xi32>,
    %get3A_357 = arith.constant 6 : i32
    %get3A_358 = arith.index_cast %get3A_357 : i32 to index
    %get3A_359 = arith.constant 32 : index
    %get3A_360 = tpu.vector_load %arg5[%get3A_358, %get3A_359] {strides = array<i32>} : memref<16x64xi32, #tpu.memory_space<vmem>>, vector<1x16xi32>,
    %get3A_361 = vector.shape_cast %get3A_360 : vector<1x16xi32> to vector<16xi32>
    %add3A_362 = vector.broadcast %mul3A_20 : i32 to vector<16xi32>
    %add3A_363 = arith.addi %get3A_361, %add3A_362 : vector<16xi32>
    %swap3A_364 = arith.constant 6 : i32
    %swap3A_365 = arith.index_cast %swap3A_364 : i32 to index
    %swap3A_366 = arith.constant 32 : index
    %swap3A_367 = tpu.vector_load %arg5[%swap3A_365, %swap3A_366] {strides = array<i32>} : memref<16x64xi32, #tpu.memory_space<vmem>>, vector<1x16xi32>,
    %swap3A_368 = vector.shape_cast %swap3A_367 : vector<1x16xi32> to vector<16xi32>
    %swap3A_369 = vector.shape_cast %add3A_363 : vector<16xi32> to vector<1x16xi32>
    tpu.vector_store %arg5[%swap3A_365, %swap3A_366], %swap3A_369 {strides = array<i32>} : memref<16x64xi32, #tpu.memory_space<vmem>>, vector<1x16xi32>,
    %get3A_370 = arith.constant 6 : i32
    %get3A_371 = arith.index_cast %get3A_370 : i32 to index
    %get3A_372 = arith.constant 48 : index
    %get3A_373 = tpu.vector_load %arg5[%get3A_371, %get3A_372] {strides = array<i32>} : memref<16x64xi32, #tpu.memory_space<vmem>>, vector<1x16xi32>,
    %get3A_374 = vector.shape_cast %get3A_373 : vector<1x16xi32> to vector<16xi32>
    %add3A_375 = vector.broadcast %mul3A_20 : i32 to vector<16xi32>
    %add3A_376 = arith.addi %get3A_374, %add3A_375 : vector<16xi32>
    %swap3A_377 = arith.constant 6 : i32
    %swap3A_378 = arith.index_cast %swap3A_377 : i32 to index
    %swap3A_379 = arith.constant 48 : index
    %swap3A_380 = tpu.vector_load %arg5[%swap3A_378, %swap3A_379] {strides = array<i32>} : memref<16x64xi32, #tpu.memory_space<vmem>>, vector<1x16xi32>,
    %swap3A_381 = vector.shape_cast %swap3A_380 : vector<1x16xi32> to vector<16xi32>
    %swap3A_382 = vector.shape_cast %add3A_376 : vector<16xi32> to vector<1x16xi32>
    tpu.vector_store %arg5[%swap3A_378, %swap3A_379], %swap3A_382 {strides = array<i32>} : memref<16x64xi32, #tpu.memory_space<vmem>>, vector<1x16xi32>,
    %get3A_383 = arith.constant 7 : i32
    %get3A_384 = arith.index_cast %get3A_383 : i32 to index
    %get3A_385 = arith.constant 0 : index
    %get3A_386 = tpu.vector_load %arg5[%get3A_384, %get3A_385] {strides = array<i32>} : memref<16x64xi32, #tpu.memory_space<vmem>>, vector<1x16xi32>,
    %get3A_387 = vector.shape_cast %get3A_386 : vector<1x16xi32> to vector<16xi32>
    %add3A_388 = vector.broadcast %mul3A_20 : i32 to vector<16xi32>
    %add3A_389 = arith.addi %get3A_387, %add3A_388 : vector<16xi32>
    %swap3A_390 = arith.constant 7 : i32
    %swap3A_391 = arith.index_cast %swap3A_390 : i32 to index
    %swap3A_392 = arith.constant 0 : index
    %swap3A_393 = tpu.vector_load %arg5[%swap3A_391, %swap3A_392] {strides = array<i32>} : memref<16x64xi32, #tpu.memory_space<vmem>>, vector<1x16xi32>,
    %swap3A_394 = vector.shape_cast %swap3A_393 : vector<1x16xi32> to vector<16xi32>
    %swap3A_395 = vector.shape_cast %add3A_389 : vector<16xi32> to vector<1x16xi32>
    tpu.vector_store %arg5[%swap3A_391, %swap3A_392], %swap3A_395 {strides = array<i32>} : memref<16x64xi32, #tpu.memory_space<vmem>>, vector<1x16xi32>,
    %get3A_396 = arith.constant 7 : i32
    %get3A_397 = arith.index_cast %get3A_396 : i32 to index
    %get3A_398 = arith.constant 16 : index
    %get3A_399 = tpu.vector_load %arg5[%get3A_397, %get3A_398] {strides = array<i32>} : memref<16x64xi32, #tpu.memory_space<vmem>>, vector<1x16xi32>,
    %get3A_400 = vector.shape_cast %get3A_399 : vector<1x16xi32> to vector<16xi32>
    %add3A_401 = vector.broadcast %mul3A_20 : i32 to vector<16xi32>
    %add3A_402 = arith.addi %get3A_400, %add3A_401 : vector<16xi32>
    %swap3A_403 = arith.constant 7 : i32
    %swap3A_404 = arith.index_cast %swap3A_403 : i32 to index
    %swap3A_405 = arith.constant 16 : index
    %swap3A_406 = tpu.vector_load %arg5[%swap3A_404, %swap3A_405] {strides = array<i32>} : memref<16x64xi32, #tpu.memory_space<vmem>>, vector<1x16xi32>,
    %swap3A_407 = vector.shape_cast %swap3A_406 : vector<1x16xi32> to vector<16xi32>
    %swap3A_408 = vector.shape_cast %add3A_402 : vector<16xi32> to vector<1x16xi32>
    tpu.vector_store %arg5[%swap3A_404, %swap3A_405], %swap3A_408 {strides = array<i32>} : memref<16x64xi32, #tpu.memory_space<vmem>>, vector<1x16xi32>,
    %get3A_409 = arith.constant 7 : i32
    %get3A_410 = arith.index_cast %get3A_409 : i32 to index
    %get3A_411 = arith.constant 32 : index
    %get3A_412 = tpu.vector_load %arg5[%get3A_410, %get3A_411] {strides = array<i32>} : memref<16x64xi32, #tpu.memory_space<vmem>>, vector<1x16xi32>,
    %get3A_413 = vector.shape_cast %get3A_412 : vector<1x16xi32> to vector<16xi32>
    %add3A_414 = vector.broadcast %mul3A_20 : i32 to vector<16xi32>
    %add3A_415 = arith.addi %get3A_413, %add3A_414 : vector<16xi32>
    %swap3A_416 = arith.constant 7 : i32
    %swap3A_417 = arith.index_cast %swap3A_416 : i32 to index
    %swap3A_418 = arith.constant 32 : index
    %swap3A_419 = tpu.vector_load %arg5[%swap3A_417, %swap3A_418] {strides = array<i32>} : memref<16x64xi32, #tpu.memory_space<vmem>>, vector<1x16xi32>,
    %swap3A_420 = vector.shape_cast %swap3A_419 : vector<1x16xi32> to vector<16xi32>
    %swap3A_421 = vector.shape_cast %add3A_415 : vector<16xi32> to vector<1x16xi32>
    tpu.vector_store %arg5[%swap3A_417, %swap3A_418], %swap3A_421 {strides = array<i32>} : memref<16x64xi32, #tpu.memory_space<vmem>>, vector<1x16xi32>,
    %get3A_422 = arith.constant 7 : i32
    %get3A_423 = arith.index_cast %get3A_422 : i32 to index
    %get3A_424 = arith.constant 48 : index
    %get3A_425 = tpu.vector_load %arg5[%get3A_423, %get3A_424] {strides = array<i32>} : memref<16x64xi32, #tpu.memory_space<vmem>>, vector<1x16xi32>,
    %get3A_426 = vector.shape_cast %get3A_425 : vector<1x16xi32> to vector<16xi32>
    %add3A_427 = vector.broadcast %mul3A_20 : i32 to vector<16xi32>
    %add3A_428 = arith.addi %get3A_426, %add3A_427 : vector<16xi32>
    %swap3A_429 = arith.constant 7 : i32
    %swap3A_430 = arith.index_cast %swap3A_429 : i32 to index
    %swap3A_431 = arith.constant 48 : index
    %swap3A_432 = tpu.vector_load %arg5[%swap3A_430, %swap3A_431] {strides = array<i32>} : memref<16x64xi32, #tpu.memory_space<vmem>>, vector<1x16xi32>,
    %swap3A_433 = vector.shape_cast %swap3A_432 : vector<1x16xi32> to vector<16xi32>
    %swap3A_434 = vector.shape_cast %add3A_428 : vector<16xi32> to vector<1x16xi32>
    tpu.vector_store %arg5[%swap3A_430, %swap3A_431], %swap3A_434 {strides = array<i32>} : memref<16x64xi32, #tpu.memory_space<vmem>>, vector<1x16xi32>,
    %get3A_435 = arith.constant 8 : i32
    %get3A_436 = arith.index_cast %get3A_435 : i32 to index
    %get3A_437 = arith.constant 0 : index
    %get3A_438 = tpu.vector_load %arg5[%get3A_436, %get3A_437] {strides = array<i32>} : memref<16x64xi32, #tpu.memory_space<vmem>>, vector<1x16xi32>,
    %get3A_439 = vector.shape_cast %get3A_438 : vector<1x16xi32> to vector<16xi32>
    %add3A_440 = vector.broadcast %mul3A_20 : i32 to vector<16xi32>
    %add3A_441 = arith.addi %get3A_439, %add3A_440 : vector<16xi32>
    %swap3A_442 = arith.constant 8 : i32
    %swap3A_443 = arith.index_cast %swap3A_442 : i32 to index
    %swap3A_444 = arith.constant 0 : index
    %swap3A_445 = tpu.vector_load %arg5[%swap3A_443, %swap3A_444] {strides = array<i32>} : memref<16x64xi32, #tpu.memory_space<vmem>>, vector<1x16xi32>,
    %swap3A_446 = vector.shape_cast %swap3A_445 : vector<1x16xi32> to vector<16xi32>
    %swap3A_447 = vector.shape_cast %add3A_441 : vector<16xi32> to vector<1x16xi32>
    tpu.vector_store %arg5[%swap3A_443, %swap3A_444], %swap3A_447 {strides = array<i32>} : memref<16x64xi32, #tpu.memory_space<vmem>>, vector<1x16xi32>,
    %get3A_448 = arith.constant 8 : i32
    %get3A_449 = arith.index_cast %get3A_448 : i32 to index
    %get3A_450 = arith.constant 16 : index
    %get3A_451 = tpu.vector_load %arg5[%get3A_449, %get3A_450] {strides = array<i32>} : memref<16x64xi32, #tpu.memory_space<vmem>>, vector<1x16xi32>,
    %get3A_452 = vector.shape_cast %get3A_451 : vector<1x16xi32> to vector<16xi32>
    %add3A_453 = vector.broadcast %mul3A_20 : i32 to vector<16xi32>
    %add3A_454 = arith.addi %get3A_452, %add3A_453 : vector<16xi32>
    %swap3A_455 = arith.constant 8 : i32
    %swap3A_456 = arith.index_cast %swap3A_455 : i32 to index
    %swap3A_457 = arith.constant 16 : index
    %swap3A_458 = tpu.vector_load %arg5[%swap3A_456, %swap3A_457] {strides = array<i32>} : memref<16x64xi32, #tpu.memory_space<vmem>>, vector<1x16xi32>,
    %swap3A_459 = vector.shape_cast %swap3A_458 : vector<1x16xi32> to vector<16xi32>
    %swap3A_460 = vector.shape_cast %add3A_454 : vector<16xi32> to vector<1x16xi32>
    tpu.vector_store %arg5[%swap3A_456, %swap3A_457], %swap3A_460 {strides = array<i32>} : memref<16x64xi32, #tpu.memory_space<vmem>>, vector<1x16xi32>,
    %get3A_461 = arith.constant 8 : i32
    %get3A_462 = arith.index_cast %get3A_461 : i32 to index
    %get3A_463 = arith.constant 32 : index
    %get3A_464 = tpu.vector_load %arg5[%get3A_462, %get3A_463] {strides = array<i32>} : memref<16x64xi32, #tpu.memory_space<vmem>>, vector<1x16xi32>,
    %get3A_465 = vector.shape_cast %get3A_464 : vector<1x16xi32> to vector<16xi32>
    %add3A_466 = vector.broadcast %mul3A_20 : i32 to vector<16xi32>
    %add3A_467 = arith.addi %get3A_465, %add3A_466 : vector<16xi32>
    %swap3A_468 = arith.constant 8 : i32
    %swap3A_469 = arith.index_cast %swap3A_468 : i32 to index
    %swap3A_470 = arith.constant 32 : index
    %swap3A_471 = tpu.vector_load %arg5[%swap3A_469, %swap3A_470] {strides = array<i32>} : memref<16x64xi32, #tpu.memory_space<vmem>>, vector<1x16xi32>,
    %swap3A_472 = vector.shape_cast %swap3A_471 : vector<1x16xi32> to vector<16xi32>
    %swap3A_473 = vector.shape_cast %add3A_467 : vector<16xi32> to vector<1x16xi32>
    tpu.vector_store %arg5[%swap3A_469, %swap3A_470], %swap3A_473 {strides = array<i32>} : memref<16x64xi32, #tpu.memory_space<vmem>>, vector<1x16xi32>,
    %get3A_474 = arith.constant 8 : i32
    %get3A_475 = arith.index_cast %get3A_474 : i32 to index
    %get3A_476 = arith.constant 48 : index
    %get3A_477 = tpu.vector_load %arg5[%get3A_475, %get3A_476] {strides = array<i32>} : memref<16x64xi32, #tpu.memory_space<vmem>>, vector<1x16xi32>,
    %get3A_478 = vector.shape_cast %get3A_477 : vector<1x16xi32> to vector<16xi32>
    %add3A_479 = vector.broadcast %mul3A_20 : i32 to vector<16xi32>
    %add3A_480 = arith.addi %get3A_478, %add3A_479 : vector<16xi32>
    %swap3A_481 = arith.constant 8 : i32
    %swap3A_482 = arith.index_cast %swap3A_481 : i32 to index
    %swap3A_483 = arith.constant 48 : index
    %swap3A_484 = tpu.vector_load %arg5[%swap3A_482, %swap3A_483] {strides = array<i32>} : memref<16x64xi32, #tpu.memory_space<vmem>>, vector<1x16xi32>,
    %swap3A_485 = vector.shape_cast %swap3A_484 : vector<1x16xi32> to vector<16xi32>
    %swap3A_486 = vector.shape_cast %add3A_480 : vector<16xi32> to vector<1x16xi32>
    tpu.vector_store %arg5[%swap3A_482, %swap3A_483], %swap3A_486 {strides = array<i32>} : memref<16x64xi32, #tpu.memory_space<vmem>>, vector<1x16xi32>,
    %get3A_487 = arith.constant 9 : i32
    %get3A_488 = arith.index_cast %get3A_487 : i32 to index
    %get3A_489 = arith.constant 0 : index
    %get3A_490 = tpu.vector_load %arg5[%get3A_488, %get3A_489] {strides = array<i32>} : memref<16x64xi32, #tpu.memory_space<vmem>>, vector<1x16xi32>,
    %get3A_491 = vector.shape_cast %get3A_490 : vector<1x16xi32> to vector<16xi32>
    %add3A_492 = vector.broadcast %mul3A_20 : i32 to vector<16xi32>
    %add3A_493 = arith.addi %get3A_491, %add3A_492 : vector<16xi32>
    %swap3A_494 = arith.constant 9 : i32
    %swap3A_495 = arith.index_cast %swap3A_494 : i32 to index
    %swap3A_496 = arith.constant 0 : index
    %swap3A_497 = tpu.vector_load %arg5[%swap3A_495, %swap3A_496] {strides = array<i32>} : memref<16x64xi32, #tpu.memory_space<vmem>>, vector<1x16xi32>,
    %swap3A_498 = vector.shape_cast %swap3A_497 : vector<1x16xi32> to vector<16xi32>
    %swap3A_499 = vector.shape_cast %add3A_493 : vector<16xi32> to vector<1x16xi32>
    tpu.vector_store %arg5[%swap3A_495, %swap3A_496], %swap3A_499 {strides = array<i32>} : memref<16x64xi32, #tpu.memory_space<vmem>>, vector<1x16xi32>,
    %get3A_500 = arith.constant 9 : i32
    %get3A_501 = arith.index_cast %get3A_500 : i32 to index
    %get3A_502 = arith.constant 16 : index
    %get3A_503 = tpu.vector_load %arg5[%get3A_501, %get3A_502] {strides = array<i32>} : memref<16x64xi32, #tpu.memory_space<vmem>>, vector<1x16xi32>,
    %get3A_504 = vector.shape_cast %get3A_503 : vector<1x16xi32> to vector<16xi32>
    %add3A_505 = vector.broadcast %mul3A_20 : i32 to vector<16xi32>
    %add3A_506 = arith.addi %get3A_504, %add3A_505 : vector<16xi32>
    %swap3A_507 = arith.constant 9 : i32
    %swap3A_508 = arith.index_cast %swap3A_507 : i32 to index
    %swap3A_509 = arith.constant 16 : index
    %swap3A_510 = tpu.vector_load %arg5[%swap3A_508, %swap3A_509] {strides = array<i32>} : memref<16x64xi32, #tpu.memory_space<vmem>>, vector<1x16xi32>,
    %swap3A_511 = vector.shape_cast %swap3A_510 : vector<1x16xi32> to vector<16xi32>
    %swap3A_512 = vector.shape_cast %add3A_506 : vector<16xi32> to vector<1x16xi32>
    tpu.vector_store %arg5[%swap3A_508, %swap3A_509], %swap3A_512 {strides = array<i32>} : memref<16x64xi32, #tpu.memory_space<vmem>>, vector<1x16xi32>,
    %get3A_513 = arith.constant 9 : i32
    %get3A_514 = arith.index_cast %get3A_513 : i32 to index
    %get3A_515 = arith.constant 32 : index
    %get3A_516 = tpu.vector_load %arg5[%get3A_514, %get3A_515] {strides = array<i32>} : memref<16x64xi32, #tpu.memory_space<vmem>>, vector<1x16xi32>,
    %get3A_517 = vector.shape_cast %get3A_516 : vector<1x16xi32> to vector<16xi32>
    %add3A_518 = vector.broadcast %mul3A_20 : i32 to vector<16xi32>
    %add3A_519 = arith.addi %get3A_517, %add3A_518 : vector<16xi32>
    %swap3A_520 = arith.constant 9 : i32
    %swap3A_521 = arith.index_cast %swap3A_520 : i32 to index
    %swap3A_522 = arith.constant 32 : index
    %swap3A_523 = tpu.vector_load %arg5[%swap3A_521, %swap3A_522] {strides = array<i32>} : memref<16x64xi32, #tpu.memory_space<vmem>>, vector<1x16xi32>,
    %swap3A_524 = vector.shape_cast %swap3A_523 : vector<1x16xi32> to vector<16xi32>
    %swap3A_525 = vector.shape_cast %add3A_519 : vector<16xi32> to vector<1x16xi32>
    tpu.vector_store %arg5[%swap3A_521, %swap3A_522], %swap3A_525 {strides = array<i32>} : memref<16x64xi32, #tpu.memory_space<vmem>>, vector<1x16xi32>,
    %get3A_526 = arith.constant 9 : i32
    %get3A_527 = arith.index_cast %get3A_526 : i32 to index
    %get3A_528 = arith.constant 48 : index
    %get3A_529 = tpu.vector_load %arg5[%get3A_527, %get3A_528] {strides = array<i32>} : memref<16x64xi32, #tpu.memory_space<vmem>>, vector<1x16xi32>,
    %get3A_530 = vector.shape_cast %get3A_529 : vector<1x16xi32> to vector<16xi32>
    %add3A_531 = vector.broadcast %mul3A_20 : i32 to vector<16xi32>
    %add3A_532 = arith.addi %get3A_530, %add3A_531 : vector<16xi32>
    %swap3A_533 = arith.constant 9 : i32
    %swap3A_534 = arith.index_cast %swap3A_533 : i32 to index
    %swap3A_535 = arith.constant 48 : index
    %swap3A_536 = tpu.vector_load %arg5[%swap3A_534, %swap3A_535] {strides = array<i32>} : memref<16x64xi32, #tpu.memory_space<vmem>>, vector<1x16xi32>,
    %swap3A_537 = vector.shape_cast %swap3A_536 : vector<1x16xi32> to vector<16xi32>
    %swap3A_538 = vector.shape_cast %add3A_532 : vector<16xi32> to vector<1x16xi32>
    tpu.vector_store %arg5[%swap3A_534, %swap3A_535], %swap3A_538 {strides = array<i32>} : memref<16x64xi32, #tpu.memory_space<vmem>>, vector<1x16xi32>,
    %get3A_539 = arith.constant 10 : i32
    %get3A_540 = arith.index_cast %get3A_539 : i32 to index
    %get3A_541 = arith.constant 0 : index
    %get3A_542 = tpu.vector_load %arg5[%get3A_540, %get3A_541] {strides = array<i32>} : memref<16x64xi32, #tpu.memory_space<vmem>>, vector<1x16xi32>,
    %get3A_543 = vector.shape_cast %get3A_542 : vector<1x16xi32> to vector<16xi32>
    %add3A_544 = vector.broadcast %mul3A_20 : i32 to vector<16xi32>
    %add3A_545 = arith.addi %get3A_543, %add3A_544 : vector<16xi32>
    %swap3A_546 = arith.constant 10 : i32
    %swap3A_547 = arith.index_cast %swap3A_546 : i32 to index
    %swap3A_548 = arith.constant 0 : index
    %swap3A_549 = tpu.vector_load %arg5[%swap3A_547, %swap3A_548] {strides = array<i32>} : memref<16x64xi32, #tpu.memory_space<vmem>>, vector<1x16xi32>,
    %swap3A_550 = vector.shape_cast %swap3A_549 : vector<1x16xi32> to vector<16xi32>
    %swap3A_551 = vector.shape_cast %add3A_545 : vector<16xi32> to vector<1x16xi32>
    tpu.vector_store %arg5[%swap3A_547, %swap3A_548], %swap3A_551 {strides = array<i32>} : memref<16x64xi32, #tpu.memory_space<vmem>>, vector<1x16xi32>,
    %get3A_552 = arith.constant 10 : i32
    %get3A_553 = arith.index_cast %get3A_552 : i32 to index
    %get3A_554 = arith.constant 16 : index
    %get3A_555 = tpu.vector_load %arg5[%get3A_553, %get3A_554] {strides = array<i32>} : memref<16x64xi32, #tpu.memory_space<vmem>>, vector<1x16xi32>,
    %get3A_556 = vector.shape_cast %get3A_555 : vector<1x16xi32> to vector<16xi32>
    %add3A_557 = vector.broadcast %mul3A_20 : i32 to vector<16xi32>
    %add3A_558 = arith.addi %get3A_556, %add3A_557 : vector<16xi32>
    %swap3A_559 = arith.constant 10 : i32
    %swap3A_560 = arith.index_cast %swap3A_559 : i32 to index
    %swap3A_561 = arith.constant 16 : index
    %swap3A_562 = tpu.vector_load %arg5[%swap3A_560, %swap3A_561] {strides = array<i32>} : memref<16x64xi32, #tpu.memory_space<vmem>>, vector<1x16xi32>,
    %swap3A_563 = vector.shape_cast %swap3A_562 : vector<1x16xi32> to vector<16xi32>
    %swap3A_564 = vector.shape_cast %add3A_558 : vector<16xi32> to vector<1x16xi32>
    tpu.vector_store %arg5[%swap3A_560, %swap3A_561], %swap3A_564 {strides = array<i32>} : memref<16x64xi32, #tpu.memory_space<vmem>>, vector<1x16xi32>,
    %get3A_565 = arith.constant 10 : i32
    %get3A_566 = arith.index_cast %get3A_565 : i32 to index
    %get3A_567 = arith.constant 32 : index
    %get3A_568 = tpu.vector_load %arg5[%get3A_566, %get3A_567] {strides = array<i32>} : memref<16x64xi32, #tpu.memory_space<vmem>>, vector<1x16xi32>,
    %get3A_569 = vector.shape_cast %get3A_568 : vector<1x16xi32> to vector<16xi32>
    %add3A_570 = vector.broadcast %mul3A_20 : i32 to vector<16xi32>
    %add3A_571 = arith.addi %get3A_569, %add3A_570 : vector<16xi32>
    %swap3A_572 = arith.constant 10 : i32
    %swap3A_573 = arith.index_cast %swap3A_572 : i32 to index
    %swap3A_574 = arith.constant 32 : index
    %swap3A_575 = tpu.vector_load %arg5[%swap3A_573, %swap3A_574] {strides = array<i32>} : memref<16x64xi32, #tpu.memory_space<vmem>>, vector<1x16xi32>,
    %swap3A_576 = vector.shape_cast %swap3A_575 : vector<1x16xi32> to vector<16xi32>
    %swap3A_577 = vector.shape_cast %add3A_571 : vector<16xi32> to vector<1x16xi32>
    tpu.vector_store %arg5[%swap3A_573, %swap3A_574], %swap3A_577 {strides = array<i32>} : memref<16x64xi32, #tpu.memory_space<vmem>>, vector<1x16xi32>,
    %get3A_578 = arith.constant 10 : i32
    %get3A_579 = arith.index_cast %get3A_578 : i32 to index
    %get3A_580 = arith.constant 48 : index
    %get3A_581 = tpu.vector_load %arg5[%get3A_579, %get3A_580] {strides = array<i32>} : memref<16x64xi32, #tpu.memory_space<vmem>>, vector<1x16xi32>,
    %get3A_582 = vector.shape_cast %get3A_581 : vector<1x16xi32> to vector<16xi32>
    %add3A_583 = vector.broadcast %mul3A_20 : i32 to vector<16xi32>
    %add3A_584 = arith.addi %get3A_582, %add3A_583 : vector<16xi32>
    %swap3A_585 = arith.constant 10 : i32
    %swap3A_586 = arith.index_cast %swap3A_585 : i32 to index
    %swap3A_587 = arith.constant 48 : index
    %swap3A_588 = tpu.vector_load %arg5[%swap3A_586, %swap3A_587] {strides = array<i32>} : memref<16x64xi32, #tpu.memory_space<vmem>>, vector<1x16xi32>,
    %swap3A_589 = vector.shape_cast %swap3A_588 : vector<1x16xi32> to vector<16xi32>
    %swap3A_590 = vector.shape_cast %add3A_584 : vector<16xi32> to vector<1x16xi32>
    tpu.vector_store %arg5[%swap3A_586, %swap3A_587], %swap3A_590 {strides = array<i32>} : memref<16x64xi32, #tpu.memory_space<vmem>>, vector<1x16xi32>,
    %get3A_591 = arith.constant 11 : i32
    %get3A_592 = arith.index_cast %get3A_591 : i32 to index
    %get3A_593 = arith.constant 0 : index
    %get3A_594 = tpu.vector_load %arg5[%get3A_592, %get3A_593] {strides = array<i32>} : memref<16x64xi32, #tpu.memory_space<vmem>>, vector<1x16xi32>,
    %get3A_595 = vector.shape_cast %get3A_594 : vector<1x16xi32> to vector<16xi32>
    %add3A_596 = vector.broadcast %mul3A_20 : i32 to vector<16xi32>
    %add3A_597 = arith.addi %get3A_595, %add3A_596 : vector<16xi32>
    %swap3A_598 = arith.constant 11 : i32
    %swap3A_599 = arith.index_cast %swap3A_598 : i32 to index
    %swap3A_600 = arith.constant 0 : index
    %swap3A_601 = tpu.vector_load %arg5[%swap3A_599, %swap3A_600] {strides = array<i32>} : memref<16x64xi32, #tpu.memory_space<vmem>>, vector<1x16xi32>,
    %swap3A_602 = vector.shape_cast %swap3A_601 : vector<1x16xi32> to vector<16xi32>
    %swap3A_603 = vector.shape_cast %add3A_597 : vector<16xi32> to vector<1x16xi32>
    tpu.vector_store %arg5[%swap3A_599, %swap3A_600], %swap3A_603 {strides = array<i32>} : memref<16x64xi32, #tpu.memory_space<vmem>>, vector<1x16xi32>,
    %get3A_604 = arith.constant 11 : i32
    %get3A_605 = arith.index_cast %get3A_604 : i32 to index
    %get3A_606 = arith.constant 16 : index
    %get3A_607 = tpu.vector_load %arg5[%get3A_605, %get3A_606] {strides = array<i32>} : memref<16x64xi32, #tpu.memory_space<vmem>>, vector<1x16xi32>,
    %get3A_608 = vector.shape_cast %get3A_607 : vector<1x16xi32> to vector<16xi32>
    %add3A_609 = vector.broadcast %mul3A_20 : i32 to vector<16xi32>
    %add3A_610 = arith.addi %get3A_608, %add3A_609 : vector<16xi32>
    %swap3A_611 = arith.constant 11 : i32
    %swap3A_612 = arith.index_cast %swap3A_611 : i32 to index
    %swap3A_613 = arith.constant 16 : index
    %swap3A_614 = tpu.vector_load %arg5[%swap3A_612, %swap3A_613] {strides = array<i32>} : memref<16x64xi32, #tpu.memory_space<vmem>>, vector<1x16xi32>,
    %swap3A_615 = vector.shape_cast %swap3A_614 : vector<1x16xi32> to vector<16xi32>
    %swap3A_616 = vector.shape_cast %add3A_610 : vector<16xi32> to vector<1x16xi32>
    tpu.vector_store %arg5[%swap3A_612, %swap3A_613], %swap3A_616 {strides = array<i32>} : memref<16x64xi32, #tpu.memory_space<vmem>>, vector<1x16xi32>,
    %get3A_617 = arith.constant 11 : i32
    %get3A_618 = arith.index_cast %get3A_617 : i32 to index
    %get3A_619 = arith.constant 32 : index
    %get3A_620 = tpu.vector_load %arg5[%get3A_618, %get3A_619] {strides = array<i32>} : memref<16x64xi32, #tpu.memory_space<vmem>>, vector<1x16xi32>,
    %get3A_621 = vector.shape_cast %get3A_620 : vector<1x16xi32> to vector<16xi32>
    %add3A_622 = vector.broadcast %mul3A_20 : i32 to vector<16xi32>
    %add3A_623 = arith.addi %get3A_621, %add3A_622 : vector<16xi32>
    %swap3A_624 = arith.constant 11 : i32
    %swap3A_625 = arith.index_cast %swap3A_624 : i32 to index
    %swap3A_626 = arith.constant 32 : index
    %swap3A_627 = tpu.vector_load %arg5[%swap3A_625, %swap3A_626] {strides = array<i32>} : memref<16x64xi32, #tpu.memory_space<vmem>>, vector<1x16xi32>,
    %swap3A_628 = vector.shape_cast %swap3A_627 : vector<1x16xi32> to vector<16xi32>
    %swap3A_629 = vector.shape_cast %add3A_623 : vector<16xi32> to vector<1x16xi32>
    tpu.vector_store %arg5[%swap3A_625, %swap3A_626], %swap3A_629 {strides = array<i32>} : memref<16x64xi32, #tpu.memory_space<vmem>>, vector<1x16xi32>,
    %get3A_630 = arith.constant 11 : i32
    %get3A_631 = arith.index_cast %get3A_630 : i32 to index
    %get3A_632 = arith.constant 48 : index
    %get3A_633 = tpu.vector_load %arg5[%get3A_631, %get3A_632] {strides = array<i32>} : memref<16x64xi32, #tpu.memory_space<vmem>>, vector<1x16xi32>,
    %get3A_634 = vector.shape_cast %get3A_633 : vector<1x16xi32> to vector<16xi32>
    %add3A_635 = vector.broadcast %mul3A_20 : i32 to vector<16xi32>
    %add3A_636 = arith.addi %get3A_634, %add3A_635 : vector<16xi32>
    %swap3A_637 = arith.constant 11 : i32
    %swap3A_638 = arith.index_cast %swap3A_637 : i32 to index
    %swap3A_639 = arith.constant 48 : index
    %swap3A_640 = tpu.vector_load %arg5[%swap3A_638, %swap3A_639] {strides = array<i32>} : memref<16x64xi32, #tpu.memory_space<vmem>>, vector<1x16xi32>,
    %swap3A_641 = vector.shape_cast %swap3A_640 : vector<1x16xi32> to vector<16xi32>
    %swap3A_642 = vector.shape_cast %add3A_636 : vector<16xi32> to vector<1x16xi32>
    tpu.vector_store %arg5[%swap3A_638, %swap3A_639], %swap3A_642 {strides = array<i32>} : memref<16x64xi32, #tpu.memory_space<vmem>>, vector<1x16xi32>,
    %get3A_643 = arith.constant 12 : i32
    %get3A_644 = arith.index_cast %get3A_643 : i32 to index
    %get3A_645 = arith.constant 0 : index
    %get3A_646 = tpu.vector_load %arg5[%get3A_644, %get3A_645] {strides = array<i32>} : memref<16x64xi32, #tpu.memory_space<vmem>>, vector<1x16xi32>,
    %get3A_647 = vector.shape_cast %get3A_646 : vector<1x16xi32> to vector<16xi32>
    %add3A_648 = vector.broadcast %mul3A_20 : i32 to vector<16xi32>
    %add3A_649 = arith.addi %get3A_647, %add3A_648 : vector<16xi32>
    %swap3A_650 = arith.constant 12 : i32
    %swap3A_651 = arith.index_cast %swap3A_650 : i32 to index
    %swap3A_652 = arith.constant 0 : index
    %swap3A_653 = tpu.vector_load %arg5[%swap3A_651, %swap3A_652] {strides = array<i32>} : memref<16x64xi32, #tpu.memory_space<vmem>>, vector<1x16xi32>,
    %swap3A_654 = vector.shape_cast %swap3A_653 : vector<1x16xi32> to vector<16xi32>
    %swap3A_655 = vector.shape_cast %add3A_649 : vector<16xi32> to vector<1x16xi32>
    tpu.vector_store %arg5[%swap3A_651, %swap3A_652], %swap3A_655 {strides = array<i32>} : memref<16x64xi32, #tpu.memory_space<vmem>>, vector<1x16xi32>,
    %get3A_656 = arith.constant 12 : i32
    %get3A_657 = arith.index_cast %get3A_656 : i32 to index
    %get3A_658 = arith.constant 16 : index
    %get3A_659 = tpu.vector_load %arg5[%get3A_657, %get3A_658] {strides = array<i32>} : memref<16x64xi32, #tpu.memory_space<vmem>>, vector<1x16xi32>,
    %get3A_660 = vector.shape_cast %get3A_659 : vector<1x16xi32> to vector<16xi32>
    %add3A_661 = vector.broadcast %mul3A_20 : i32 to vector<16xi32>
    %add3A_662 = arith.addi %get3A_660, %add3A_661 : vector<16xi32>
    %swap3A_663 = arith.constant 12 : i32
    %swap3A_664 = arith.index_cast %swap3A_663 : i32 to index
    %swap3A_665 = arith.constant 16 : index
    %swap3A_666 = tpu.vector_load %arg5[%swap3A_664, %swap3A_665] {strides = array<i32>} : memref<16x64xi32, #tpu.memory_space<vmem>>, vector<1x16xi32>,
    %swap3A_667 = vector.shape_cast %swap3A_666 : vector<1x16xi32> to vector<16xi32>
    %swap3A_668 = vector.shape_cast %add3A_662 : vector<16xi32> to vector<1x16xi32>
    tpu.vector_store %arg5[%swap3A_664, %swap3A_665], %swap3A_668 {strides = array<i32>} : memref<16x64xi32, #tpu.memory_space<vmem>>, vector<1x16xi32>,
    %get3A_669 = arith.constant 12 : i32
    %get3A_670 = arith.index_cast %get3A_669 : i32 to index
    %get3A_671 = arith.constant 32 : index
    %get3A_672 = tpu.vector_load %arg5[%get3A_670, %get3A_671] {strides = array<i32>} : memref<16x64xi32, #tpu.memory_space<vmem>>, vector<1x16xi32>,
    %get3A_673 = vector.shape_cast %get3A_672 : vector<1x16xi32> to vector<16xi32>
    %add3A_674 = vector.broadcast %mul3A_20 : i32 to vector<16xi32>
    %add3A_675 = arith.addi %get3A_673, %add3A_674 : vector<16xi32>
    %swap3A_676 = arith.constant 12 : i32
    %swap3A_677 = arith.index_cast %swap3A_676 : i32 to index
    %swap3A_678 = arith.constant 32 : index
    %swap3A_679 = tpu.vector_load %arg5[%swap3A_677, %swap3A_678] {strides = array<i32>} : memref<16x64xi32, #tpu.memory_space<vmem>>, vector<1x16xi32>,
    %swap3A_680 = vector.shape_cast %swap3A_679 : vector<1x16xi32> to vector<16xi32>
    %swap3A_681 = vector.shape_cast %add3A_675 : vector<16xi32> to vector<1x16xi32>
    tpu.vector_store %arg5[%swap3A_677, %swap3A_678], %swap3A_681 {strides = array<i32>} : memref<16x64xi32, #tpu.memory_space<vmem>>, vector<1x16xi32>,
    %get3A_682 = arith.constant 12 : i32
    %get3A_683 = arith.index_cast %get3A_682 : i32 to index
    %get3A_684 = arith.constant 48 : index
    %get3A_685 = tpu.vector_load %arg5[%get3A_683, %get3A_684] {strides = array<i32>} : memref<16x64xi32, #tpu.memory_space<vmem>>, vector<1x16xi32>,
    %get3A_686 = vector.shape_cast %get3A_685 : vector<1x16xi32> to vector<16xi32>
    %add3A_687 = vector.broadcast %mul3A_20 : i32 to vector<16xi32>
    %add3A_688 = arith.addi %get3A_686, %add3A_687 : vector<16xi32>
    %swap3A_689 = arith.constant 12 : i32
    %swap3A_690 = arith.index_cast %swap3A_689 : i32 to index
    %swap3A_691 = arith.constant 48 : index
    %swap3A_692 = tpu.vector_load %arg5[%swap3A_690, %swap3A_691] {strides = array<i32>} : memref<16x64xi32, #tpu.memory_space<vmem>>, vector<1x16xi32>,
    %swap3A_693 = vector.shape_cast %swap3A_692 : vector<1x16xi32> to vector<16xi32>
    %swap3A_694 = vector.shape_cast %add3A_688 : vector<16xi32> to vector<1x16xi32>
    tpu.vector_store %arg5[%swap3A_690, %swap3A_691], %swap3A_694 {strides = array<i32>} : memref<16x64xi32, #tpu.memory_space<vmem>>, vector<1x16xi32>,
    %get3A_695 = arith.constant 13 : i32
    %get3A_696 = arith.index_cast %get3A_695 : i32 to index
    %get3A_697 = arith.constant 0 : index
    %get3A_698 = tpu.vector_load %arg5[%get3A_696, %get3A_697] {strides = array<i32>} : memref<16x64xi32, #tpu.memory_space<vmem>>, vector<1x16xi32>,
    %get3A_699 = vector.shape_cast %get3A_698 : vector<1x16xi32> to vector<16xi32>
    %add3A_700 = vector.broadcast %mul3A_20 : i32 to vector<16xi32>
    %add3A_701 = arith.addi %get3A_699, %add3A_700 : vector<16xi32>
    %swap3A_702 = arith.constant 13 : i32
    %swap3A_703 = arith.index_cast %swap3A_702 : i32 to index
    %swap3A_704 = arith.constant 0 : index
    %swap3A_705 = tpu.vector_load %arg5[%swap3A_703, %swap3A_704] {strides = array<i32>} : memref<16x64xi32, #tpu.memory_space<vmem>>, vector<1x16xi32>,
    %swap3A_706 = vector.shape_cast %swap3A_705 : vector<1x16xi32> to vector<16xi32>
    %swap3A_707 = vector.shape_cast %add3A_701 : vector<16xi32> to vector<1x16xi32>
    tpu.vector_store %arg5[%swap3A_703, %swap3A_704], %swap3A_707 {strides = array<i32>} : memref<16x64xi32, #tpu.memory_space<vmem>>, vector<1x16xi32>,
    %get3A_708 = arith.constant 13 : i32
    %get3A_709 = arith.index_cast %get3A_708 : i32 to index
    %get3A_710 = arith.constant 16 : index
    %get3A_711 = tpu.vector_load %arg5[%get3A_709, %get3A_710] {strides = array<i32>} : memref<16x64xi32, #tpu.memory_space<vmem>>, vector<1x16xi32>,
    %get3A_712 = vector.shape_cast %get3A_711 : vector<1x16xi32> to vector<16xi32>
    %add3A_713 = vector.broadcast %mul3A_20 : i32 to vector<16xi32>
    %add3A_714 = arith.addi %get3A_712, %add3A_713 : vector<16xi32>
    %swap3A_715 = arith.constant 13 : i32
    %swap3A_716 = arith.index_cast %swap3A_715 : i32 to index
    %swap3A_717 = arith.constant 16 : index
    %swap3A_718 = tpu.vector_load %arg5[%swap3A_716, %swap3A_717] {strides = array<i32>} : memref<16x64xi32, #tpu.memory_space<vmem>>, vector<1x16xi32>,
    %swap3A_719 = vector.shape_cast %swap3A_718 : vector<1x16xi32> to vector<16xi32>
    %swap3A_720 = vector.shape_cast %add3A_714 : vector<16xi32> to vector<1x16xi32>
    tpu.vector_store %arg5[%swap3A_716, %swap3A_717], %swap3A_720 {strides = array<i32>} : memref<16x64xi32, #tpu.memory_space<vmem>>, vector<1x16xi32>,
    %get3A_721 = arith.constant 13 : i32
    %get3A_722 = arith.index_cast %get3A_721 : i32 to index
    %get3A_723 = arith.constant 32 : index
    %get3A_724 = tpu.vector_load %arg5[%get3A_722, %get3A_723] {strides = array<i32>} : memref<16x64xi32, #tpu.memory_space<vmem>>, vector<1x16xi32>,
    %get3A_725 = vector.shape_cast %get3A_724 : vector<1x16xi32> to vector<16xi32>
    %add3A_726 = vector.broadcast %mul3A_20 : i32 to vector<16xi32>
    %add3A_727 = arith.addi %get3A_725, %add3A_726 : vector<16xi32>
    %swap3A_728 = arith.constant 13 : i32
    %swap3A_729 = arith.index_cast %swap3A_728 : i32 to index
    %swap3A_730 = arith.constant 32 : index
    %swap3A_731 = tpu.vector_load %arg5[%swap3A_729, %swap3A_730] {strides = array<i32>} : memref<16x64xi32, #tpu.memory_space<vmem>>, vector<1x16xi32>,
    %swap3A_732 = vector.shape_cast %swap3A_731 : vector<1x16xi32> to vector<16xi32>
    %swap3A_733 = vector.shape_cast %add3A_727 : vector<16xi32> to vector<1x16xi32>
    tpu.vector_store %arg5[%swap3A_729, %swap3A_730], %swap3A_733 {strides = array<i32>} : memref<16x64xi32, #tpu.memory_space<vmem>>, vector<1x16xi32>,
    %get3A_734 = arith.constant 13 : i32
    %get3A_735 = arith.index_cast %get3A_734 : i32 to index
    %get3A_736 = arith.constant 48 : index
    %get3A_737 = tpu.vector_load %arg5[%get3A_735, %get3A_736] {strides = array<i32>} : memref<16x64xi32, #tpu.memory_space<vmem>>, vector<1x16xi32>,
    %get3A_738 = vector.shape_cast %get3A_737 : vector<1x16xi32> to vector<16xi32>
    %add3A_739 = vector.broadcast %mul3A_20 : i32 to vector<16xi32>
    %add3A_740 = arith.addi %get3A_738, %add3A_739 : vector<16xi32>
    %swap3A_741 = arith.constant 13 : i32
    %swap3A_742 = arith.index_cast %swap3A_741 : i32 to index
    %swap3A_743 = arith.constant 48 : index
    %swap3A_744 = tpu.vector_load %arg5[%swap3A_742, %swap3A_743] {strides = array<i32>} : memref<16x64xi32, #tpu.memory_space<vmem>>, vector<1x16xi32>,
    %swap3A_745 = vector.shape_cast %swap3A_744 : vector<1x16xi32> to vector<16xi32>
    %swap3A_746 = vector.shape_cast %add3A_740 : vector<16xi32> to vector<1x16xi32>
    tpu.vector_store %arg5[%swap3A_742, %swap3A_743], %swap3A_746 {strides = array<i32>} : memref<16x64xi32, #tpu.memory_space<vmem>>, vector<1x16xi32>,
    %get3A_747 = arith.constant 14 : i32
    %get3A_748 = arith.index_cast %get3A_747 : i32 to index
    %get3A_749 = arith.constant 0 : index
    %get3A_750 = tpu.vector_load %arg5[%get3A_748, %get3A_749] {strides = array<i32>} : memref<16x64xi32, #tpu.memory_space<vmem>>, vector<1x16xi32>,
    %get3A_751 = vector.shape_cast %get3A_750 : vector<1x16xi32> to vector<16xi32>
    %add3A_752 = vector.broadcast %mul3A_20 : i32 to vector<16xi32>
    %add3A_753 = arith.addi %get3A_751, %add3A_752 : vector<16xi32>
    %swap3A_754 = arith.constant 14 : i32
    %swap3A_755 = arith.index_cast %swap3A_754 : i32 to index
    %swap3A_756 = arith.constant 0 : index
    %swap3A_757 = tpu.vector_load %arg5[%swap3A_755, %swap3A_756] {strides = array<i32>} : memref<16x64xi32, #tpu.memory_space<vmem>>, vector<1x16xi32>,
    %swap3A_758 = vector.shape_cast %swap3A_757 : vector<1x16xi32> to vector<16xi32>
    %swap3A_759 = vector.shape_cast %add3A_753 : vector<16xi32> to vector<1x16xi32>
    tpu.vector_store %arg5[%swap3A_755, %swap3A_756], %swap3A_759 {strides = array<i32>} : memref<16x64xi32, #tpu.memory_space<vmem>>, vector<1x16xi32>,
    %get3A_760 = arith.constant 14 : i32
    %get3A_761 = arith.index_cast %get3A_760 : i32 to index
    %get3A_762 = arith.constant 16 : index
    %get3A_763 = tpu.vector_load %arg5[%get3A_761, %get3A_762] {strides = array<i32>} : memref<16x64xi32, #tpu.memory_space<vmem>>, vector<1x16xi32>,
    %get3A_764 = vector.shape_cast %get3A_763 : vector<1x16xi32> to vector<16xi32>
    %add3A_765 = vector.broadcast %mul3A_20 : i32 to vector<16xi32>
    %add3A_766 = arith.addi %get3A_764, %add3A_765 : vector<16xi32>
    %swap3A_767 = arith.constant 14 : i32
    %swap3A_768 = arith.index_cast %swap3A_767 : i32 to index
    %swap3A_769 = arith.constant 16 : index
    %swap3A_770 = tpu.vector_load %arg5[%swap3A_768, %swap3A_769] {strides = array<i32>} : memref<16x64xi32, #tpu.memory_space<vmem>>, vector<1x16xi32>,
    %swap3A_771 = vector.shape_cast %swap3A_770 : vector<1x16xi32> to vector<16xi32>
    %swap3A_772 = vector.shape_cast %add3A_766 : vector<16xi32> to vector<1x16xi32>
    tpu.vector_store %arg5[%swap3A_768, %swap3A_769], %swap3A_772 {strides = array<i32>} : memref<16x64xi32, #tpu.memory_space<vmem>>, vector<1x16xi32>,
    %get3A_773 = arith.constant 14 : i32
    %get3A_774 = arith.index_cast %get3A_773 : i32 to index
    %get3A_775 = arith.constant 32 : index
    %get3A_776 = tpu.vector_load %arg5[%get3A_774, %get3A_775] {strides = array<i32>} : memref<16x64xi32, #tpu.memory_space<vmem>>, vector<1x16xi32>,
    %get3A_777 = vector.shape_cast %get3A_776 : vector<1x16xi32> to vector<16xi32>
    %add3A_778 = vector.broadcast %mul3A_20 : i32 to vector<16xi32>
    %add3A_779 = arith.addi %get3A_777, %add3A_778 : vector<16xi32>
    %swap3A_780 = arith.constant 14 : i32
    %swap3A_781 = arith.index_cast %swap3A_780 : i32 to index
    %swap3A_782 = arith.constant 32 : index
    %swap3A_783 = tpu.vector_load %arg5[%swap3A_781, %swap3A_782] {strides = array<i32>} : memref<16x64xi32, #tpu.memory_space<vmem>>, vector<1x16xi32>,
    %swap3A_784 = vector.shape_cast %swap3A_783 : vector<1x16xi32> to vector<16xi32>
    %swap3A_785 = vector.shape_cast %add3A_779 : vector<16xi32> to vector<1x16xi32>
    tpu.vector_store %arg5[%swap3A_781, %swap3A_782], %swap3A_785 {strides = array<i32>} : memref<16x64xi32, #tpu.memory_space<vmem>>, vector<1x16xi32>,
    %get3A_786 = arith.constant 14 : i32
    %get3A_787 = arith.index_cast %get3A_786 : i32 to index
    %get3A_788 = arith.constant 48 : index
    %get3A_789 = tpu.vector_load %arg5[%get3A_787, %get3A_788] {strides = array<i32>} : memref<16x64xi32, #tpu.memory_space<vmem>>, vector<1x16xi32>,
    %get3A_790 = vector.shape_cast %get3A_789 : vector<1x16xi32> to vector<16xi32>
    %add3A_791 = vector.broadcast %mul3A_20 : i32 to vector<16xi32>
    %add3A_792 = arith.addi %get3A_790, %add3A_791 : vector<16xi32>
    %swap3A_793 = arith.constant 14 : i32
    %swap3A_794 = arith.index_cast %swap3A_793 : i32 to index
    %swap3A_795 = arith.constant 48 : index
    %swap3A_796 = tpu.vector_load %arg5[%swap3A_794, %swap3A_795] {strides = array<i32>} : memref<16x64xi32, #tpu.memory_space<vmem>>, vector<1x16xi32>,
    %swap3A_797 = vector.shape_cast %swap3A_796 : vector<1x16xi32> to vector<16xi32>
    %swap3A_798 = vector.shape_cast %add3A_792 : vector<16xi32> to vector<1x16xi32>
    tpu.vector_store %arg5[%swap3A_794, %swap3A_795], %swap3A_798 {strides = array<i32>} : memref<16x64xi32, #tpu.memory_space<vmem>>, vector<1x16xi32>,
    %get3A_799 = arith.constant 15 : i32
    %get3A_800 = arith.index_cast %get3A_799 : i32 to index
    %get3A_801 = arith.constant 0 : index
    %get3A_802 = tpu.vector_load %arg5[%get3A_800, %get3A_801] {strides = array<i32>} : memref<16x64xi32, #tpu.memory_space<vmem>>, vector<1x16xi32>,
    %get3A_803 = vector.shape_cast %get3A_802 : vector<1x16xi32> to vector<16xi32>
    %add3A_804 = vector.broadcast %mul3A_20 : i32 to vector<16xi32>
    %add3A_805 = arith.addi %get3A_803, %add3A_804 : vector<16xi32>
    %swap3A_806 = arith.constant 15 : i32
    %swap3A_807 = arith.index_cast %swap3A_806 : i32 to index
    %swap3A_808 = arith.constant 0 : index
    %swap3A_809 = tpu.vector_load %arg5[%swap3A_807, %swap3A_808] {strides = array<i32>} : memref<16x64xi32, #tpu.memory_space<vmem>>, vector<1x16xi32>,
    %swap3A_810 = vector.shape_cast %swap3A_809 : vector<1x16xi32> to vector<16xi32>
    %swap3A_811 = vector.shape_cast %add3A_805 : vector<16xi32> to vector<1x16xi32>
    tpu.vector_store %arg5[%swap3A_807, %swap3A_808], %swap3A_811 {strides = array<i32>} : memref<16x64xi32, #tpu.memory_space<vmem>>, vector<1x16xi32>,
    %get3A_812 = arith.constant 15 : i32
    %get3A_813 = arith.index_cast %get3A_812 : i32 to index
    %get3A_814 = arith.constant 16 : index
    %get3A_815 = tpu.vector_load %arg5[%get3A_813, %get3A_814] {strides = array<i32>} : memref<16x64xi32, #tpu.memory_space<vmem>>, vector<1x16xi32>,
    %get3A_816 = vector.shape_cast %get3A_815 : vector<1x16xi32> to vector<16xi32>
    %add3A_817 = vector.broadcast %mul3A_20 : i32 to vector<16xi32>
    %add3A_818 = arith.addi %get3A_816, %add3A_817 : vector<16xi32>
    %swap3A_819 = arith.constant 15 : i32
    %swap3A_820 = arith.index_cast %swap3A_819 : i32 to index
    %swap3A_821 = arith.constant 16 : index
    %swap3A_822 = tpu.vector_load %arg5[%swap3A_820, %swap3A_821] {strides = array<i32>} : memref<16x64xi32, #tpu.memory_space<vmem>>, vector<1x16xi32>,
    %swap3A_823 = vector.shape_cast %swap3A_822 : vector<1x16xi32> to vector<16xi32>
    %swap3A_824 = vector.shape_cast %add3A_818 : vector<16xi32> to vector<1x16xi32>
    tpu.vector_store %arg5[%swap3A_820, %swap3A_821], %swap3A_824 {strides = array<i32>} : memref<16x64xi32, #tpu.memory_space<vmem>>, vector<1x16xi32>,
    %get3A_825 = arith.constant 15 : i32
    %get3A_826 = arith.index_cast %get3A_825 : i32 to index
    %get3A_827 = arith.constant 32 : index
    %get3A_828 = tpu.vector_load %arg5[%get3A_826, %get3A_827] {strides = array<i32>} : memref<16x64xi32, #tpu.memory_space<vmem>>, vector<1x16xi32>,
    %get3A_829 = vector.shape_cast %get3A_828 : vector<1x16xi32> to vector<16xi32>
    %add3A_830 = vector.broadcast %mul3A_20 : i32 to vector<16xi32>
    %add3A_831 = arith.addi %get3A_829, %add3A_830 : vector<16xi32>
    %swap3A_832 = arith.constant 15 : i32
    %swap3A_833 = arith.index_cast %swap3A_832 : i32 to index
    %swap3A_834 = arith.constant 32 : index
    %swap3A_835 = tpu.vector_load %arg5[%swap3A_833, %swap3A_834] {strides = array<i32>} : memref<16x64xi32, #tpu.memory_space<vmem>>, vector<1x16xi32>,
    %swap3A_836 = vector.shape_cast %swap3A_835 : vector<1x16xi32> to vector<16xi32>
    %swap3A_837 = vector.shape_cast %add3A_831 : vector<16xi32> to vector<1x16xi32>
    tpu.vector_store %arg5[%swap3A_833, %swap3A_834], %swap3A_837 {strides = array<i32>} : memref<16x64xi32, #tpu.memory_space<vmem>>, vector<1x16xi32>,
    %get3A_838 = arith.constant 15 : i32
    %get3A_839 = arith.index_cast %get3A_838 : i32 to index
    %get3A_840 = arith.constant 48 : index
    %get3A_841 = tpu.vector_load %arg5[%get3A_839, %get3A_840] {strides = array<i32>} : memref<16x64xi32, #tpu.memory_space<vmem>>, vector<1x16xi32>,
    %get3A_842 = vector.shape_cast %get3A_841 : vector<1x16xi32> to vector<16xi32>
    %add3A_843 = vector.broadcast %mul3A_20 : i32 to vector<16xi32>
    %add3A_844 = arith.addi %get3A_842, %add3A_843 : vector<16xi32>
    %swap3A_845 = arith.constant 15 : i32
    %swap3A_846 = arith.index_cast %swap3A_845 : i32 to index
    %swap3A_847 = arith.constant 48 : index
    %swap3A_848 = tpu.vector_load %arg5[%swap3A_846, %swap3A_847] {strides = array<i32>} : memref<16x64xi32, #tpu.memory_space<vmem>>, vector<1x16xi32>,
    %swap3A_849 = vector.shape_cast %swap3A_848 : vector<1x16xi32> to vector<16xi32>
    %swap3A_850 = vector.shape_cast %add3A_844 : vector<16xi32> to vector<1x16xi32>
    tpu.vector_store %arg5[%swap3A_846, %swap3A_847], %swap3A_850 {strides = array<i32>} : memref<16x64xi32, #tpu.memory_space<vmem>>, vector<1x16xi32>,
    %dma_start3A = arith.constant 0 : i32
    %dma_start3A_851 = arith.constant 0 : i32
    %dma_start3A_852 = tpu.memref_slice %arg5[%dma_start3A, %dma_start3A_851] : memref<16x64xi32, #tpu.memory_space<vmem>> -> memref<1x64xi32, #tpu.memory_space<vmem>>
    %dma_start3A_853 = tpu.memref_squeeze %dma_start3A_852 : memref<1x64xi32, #tpu.memory_space<vmem>> -> memref<64xi32, #tpu.memory_space<vmem>>
    %dma_start3A_854 = arith.constant 0 : i32
    %dma_start3A_855 = arith.constant 0 : i32
    %dma_start3A_856 = tpu.memref_slice %arg2[%dma_start3A_854, %dma_start3A_855] : memref<8192x512xf32, #tpu.memory_space<hbm>> -> memref<8192x512xf32, #tpu.memory_space<hbm>>
    tpu.enqueue_indirect_dma source(%dma_start3A_856 : memref<8192x512xf32, #tpu.memory_space<hbm>>) target(%arg6 : memref<64x512xf32, #tpu.memory_space<vmem>>) offsets(%dma_start3A_853 : memref<64xi32, #tpu.memory_space<vmem>>) semaphore(%arg8 : memref<!tpu.dma_semaphore, #tpu.memory_space<semaphore_mem>>)
    %dma_start3A_857 = arith.constant 1 : i32
    %dma_start3A_858 = arith.constant 0 : i32
    %dma_start3A_859 = tpu.memref_slice %arg5[%dma_start3A_857, %dma_start3A_858] : memref<16x64xi32, #tpu.memory_space<vmem>> -> memref<1x64xi32, #tpu.memory_space<vmem>>
    %dma_start3A_860 = tpu.memref_squeeze %dma_start3A_859 : memref<1x64xi32, #tpu.memory_space<vmem>> -> memref<64xi32, #tpu.memory_space<vmem>>
    %dma_start3A_861 = arith.constant 0 : i32
    %dma_start3A_862 = arith.constant 0 : i32
    %dma_start3A_863 = tpu.memref_slice %arg2[%dma_start3A_861, %dma_start3A_862] : memref<8192x512xf32, #tpu.memory_space<hbm>> -> memref<8192x512xf32, #tpu.memory_space<hbm>>
    tpu.enqueue_indirect_dma source(%dma_start3A_863 : memref<8192x512xf32, #tpu.memory_space<hbm>>) target(%arg7 : memref<64x512xf32, #tpu.memory_space<vmem>>) offsets(%dma_start3A_860 : memref<64xi32, #tpu.memory_space<vmem>>) semaphore(%arg8 : memref<!tpu.dma_semaphore, #tpu.memory_space<semaphore_mem>>)
    %dma_wait3A = arith.constant 0 : i32
    %dma_wait3A_864 = arith.constant 0 : i32
    %dma_wait3A_865 = tpu.memref_slice %arg5[%dma_wait3A, %dma_wait3A_864] : memref<16x64xi32, #tpu.memory_space<vmem>> -> memref<1x64xi32, #tpu.memory_space<vmem>>
    %dma_wait3A_866 = tpu.memref_squeeze %dma_wait3A_865 : memref<1x64xi32, #tpu.memory_space<vmem>> -> memref<64xi32, #tpu.memory_space<vmem>>
    %dma_wait3A_867 = arith.constant 0 : i32
    %dma_wait3A_868 = arith.constant 0 : i32
    %dma_wait3A_869 = tpu.memref_slice %arg2[%dma_wait3A_867, %dma_wait3A_868] : memref<8192x512xf32, #tpu.memory_space<hbm>> -> memref<8192x512xf32, #tpu.memory_space<hbm>>
    tpu.wait_indirect_dma semaphore(%arg8 : memref<!tpu.dma_semaphore, #tpu.memory_space<semaphore_mem>>) src(%dma_wait3A_869 : memref<8192x512xf32, #tpu.memory_space<hbm>>) dst(%arg6 : memref<64x512xf32, #tpu.memory_space<vmem>>)
    %add3A_870 = arith.constant 0 : i32
    %add3A_871 = arith.addi %mul3A_2, %add3A_870 : i32
    %dma_start3A_872 = arith.constant 0 : i32
    %dma_start3A_873 = tpu.memref_slice %arg4[%add3A_871, %dma_start3A_872] : memref<32768x512xf32, #tpu.memory_space<hbm>> -> memref<64x512xf32, #tpu.memory_space<hbm>>
    %dma_start3A_874 = arith.constant 0 : i32
    %dma_start3A_875 = tpu.memref_slice %arg4[%add3A_871, %dma_start3A_874] : memref<32768x512xf32, #tpu.memory_space<hbm>> -> memref<64x512xf32, #tpu.memory_space<hbm>>
    tpu.enqueue_dma source(%arg6 : memref<64x512xf32, #tpu.memory_space<vmem>>) target(%dma_start3A_875 : memref<64x512xf32, #tpu.memory_space<hbm>>) target_semaphore(%arg9 : memref<!tpu.dma_semaphore, #tpu.memory_space<semaphore_mem>>)
    %dma_wait3A_876 = arith.constant 0 : i32
    %dma_wait3A_877 = tpu.memref_slice %arg4[%add3A_871, %dma_wait3A_876] : memref<32768x512xf32, #tpu.memory_space<hbm>> -> memref<64x512xf32, #tpu.memory_space<hbm>>
    %dma_wait3A_878 = arith.constant 0 : i32
    %dma_wait3A_879 = tpu.memref_slice %arg4[%add3A_871, %dma_wait3A_878] : memref<32768x512xf32, #tpu.memory_space<hbm>> -> memref<64x512xf32, #tpu.memory_space<hbm>>
    tpu.wait_dma2 semaphore(%arg9 : memref<!tpu.dma_semaphore, #tpu.memory_space<semaphore_mem>>) src(%arg6 : memref<64x512xf32, #tpu.memory_space<vmem>>) dst(%dma_wait3A_879 : memref<64x512xf32, #tpu.memory_space<hbm>>)
    %dma_start3A_880 = arith.constant 2 : i32
    %dma_start3A_881 = arith.constant 0 : i32
    %dma_start3A_882 = tpu.memref_slice %arg5[%dma_start3A_880, %dma_start3A_881] : memref<16x64xi32, #tpu.memory_space<vmem>> -> memref<1x64xi32, #tpu.memory_space<vmem>>
    %dma_start3A_883 = tpu.memref_squeeze %dma_start3A_882 : memref<1x64xi32, #tpu.memory_space<vmem>> -> memref<64xi32, #tpu.memory_space<vmem>>
    %dma_start3A_884 = arith.constant 0 : i32
    %dma_start3A_885 = arith.constant 0 : i32
    %dma_start3A_886 = tpu.memref_slice %arg2[%dma_start3A_884, %dma_start3A_885] : memref<8192x512xf32, #tpu.memory_space<hbm>> -> memref<8192x512xf32, #tpu.memory_space<hbm>>
    tpu.enqueue_indirect_dma source(%dma_start3A_886 : memref<8192x512xf32, #tpu.memory_space<hbm>>) target(%arg6 : memref<64x512xf32, #tpu.memory_space<vmem>>) offsets(%dma_start3A_883 : memref<64xi32, #tpu.memory_space<vmem>>) semaphore(%arg8 : memref<!tpu.dma_semaphore, #tpu.memory_space<semaphore_mem>>)
    %dma_wait3A_887 = arith.constant 1 : i32
    %dma_wait3A_888 = arith.constant 0 : i32
    %dma_wait3A_889 = tpu.memref_slice %arg5[%dma_wait3A_887, %dma_wait3A_888] : memref<16x64xi32, #tpu.memory_space<vmem>> -> memref<1x64xi32, #tpu.memory_space<vmem>>
    %dma_wait3A_890 = tpu.memref_squeeze %dma_wait3A_889 : memref<1x64xi32, #tpu.memory_space<vmem>> -> memref<64xi32, #tpu.memory_space<vmem>>
    %dma_wait3A_891 = arith.constant 0 : i32
    %dma_wait3A_892 = arith.constant 0 : i32
    %dma_wait3A_893 = tpu.memref_slice %arg2[%dma_wait3A_891, %dma_wait3A_892] : memref<8192x512xf32, #tpu.memory_space<hbm>> -> memref<8192x512xf32, #tpu.memory_space<hbm>>
    tpu.wait_indirect_dma semaphore(%arg8 : memref<!tpu.dma_semaphore, #tpu.memory_space<semaphore_mem>>) src(%dma_wait3A_893 : memref<8192x512xf32, #tpu.memory_space<hbm>>) dst(%arg7 : memref<64x512xf32, #tpu.memory_space<vmem>>)
    %add3A_894 = arith.constant 64 : i32
    %add3A_895 = arith.addi %mul3A_2, %add3A_894 : i32
    %dma_start3A_896 = arith.constant 0 : i32
    %dma_start3A_897 = tpu.memref_slice %arg4[%add3A_895, %dma_start3A_896] : memref<32768x512xf32, #tpu.memory_space<hbm>> -> memref<64x512xf32, #tpu.memory_space<hbm>>
    %dma_start3A_898 = arith.constant 0 : i32
    %dma_start3A_899 = tpu.memref_slice %arg4[%add3A_895, %dma_start3A_898] : memref<32768x512xf32, #tpu.memory_space<hbm>> -> memref<64x512xf32, #tpu.memory_space<hbm>>
    tpu.enqueue_dma source(%arg7 : memref<64x512xf32, #tpu.memory_space<vmem>>) target(%dma_start3A_899 : memref<64x512xf32, #tpu.memory_space<hbm>>) target_semaphore(%arg9 : memref<!tpu.dma_semaphore, #tpu.memory_space<semaphore_mem>>)
    %dma_wait3A_900 = arith.constant 0 : i32
    %dma_wait3A_901 = tpu.memref_slice %arg4[%add3A_895, %dma_wait3A_900] : memref<32768x512xf32, #tpu.memory_space<hbm>> -> memref<64x512xf32, #tpu.memory_space<hbm>>
    %dma_wait3A_902 = arith.constant 0 : i32
    %dma_wait3A_903 = tpu.memref_slice %arg4[%add3A_895, %dma_wait3A_902] : memref<32768x512xf32, #tpu.memory_space<hbm>> -> memref<64x512xf32, #tpu.memory_space<hbm>>
    tpu.wait_dma2 semaphore(%arg9 : memref<!tpu.dma_semaphore, #tpu.memory_space<semaphore_mem>>) src(%arg7 : memref<64x512xf32, #tpu.memory_space<vmem>>) dst(%dma_wait3A_903 : memref<64x512xf32, #tpu.memory_space<hbm>>)
    %dma_start3A_904 = arith.constant 3 : i32
    %dma_start3A_905 = arith.constant 0 : i32
    %dma_start3A_906 = tpu.memref_slice %arg5[%dma_start3A_904, %dma_start3A_905] : memref<16x64xi32, #tpu.memory_space<vmem>> -> memref<1x64xi32, #tpu.memory_space<vmem>>
    %dma_start3A_907 = tpu.memref_squeeze %dma_start3A_906 : memref<1x64xi32, #tpu.memory_space<vmem>> -> memref<64xi32, #tpu.memory_space<vmem>>
    %dma_start3A_908 = arith.constant 0 : i32
    %dma_start3A_909 = arith.constant 0 : i32
    %dma_start3A_910 = tpu.memref_slice %arg2[%dma_start3A_908, %dma_start3A_909] : memref<8192x512xf32, #tpu.memory_space<hbm>> -> memref<8192x512xf32, #tpu.memory_space<hbm>>
    tpu.enqueue_indirect_dma source(%dma_start3A_910 : memref<8192x512xf32, #tpu.memory_space<hbm>>) target(%arg7 : memref<64x512xf32, #tpu.memory_space<vmem>>) offsets(%dma_start3A_907 : memref<64xi32, #tpu.memory_space<vmem>>) semaphore(%arg8 : memref<!tpu.dma_semaphore, #tpu.memory_space<semaphore_mem>>)
    %dma_wait3A_911 = arith.constant 2 : i32
    %dma_wait3A_912 = arith.constant 0 : i32
    %dma_wait3A_913 = tpu.memref_slice %arg5[%dma_wait3A_911, %dma_wait3A_912] : memref<16x64xi32, #tpu.memory_space<vmem>> -> memref<1x64xi32, #tpu.memory_space<vmem>>
    %dma_wait3A_914 = tpu.memref_squeeze %dma_wait3A_913 : memref<1x64xi32, #tpu.memory_space<vmem>> -> memref<64xi32, #tpu.memory_space<vmem>>
    %dma_wait3A_915 = arith.constant 0 : i32
    %dma_wait3A_916 = arith.constant 0 : i32
    %dma_wait3A_917 = tpu.memref_slice %arg2[%dma_wait3A_915, %dma_wait3A_916] : memref<8192x512xf32, #tpu.memory_space<hbm>> -> memref<8192x512xf32, #tpu.memory_space<hbm>>
    tpu.wait_indirect_dma semaphore(%arg8 : memref<!tpu.dma_semaphore, #tpu.memory_space<semaphore_mem>>) src(%dma_wait3A_917 : memref<8192x512xf32, #tpu.memory_space<hbm>>) dst(%arg6 : memref<64x512xf32, #tpu.memory_space<vmem>>)
    %add3A_918 = arith.constant 128 : i32
    %add3A_919 = arith.addi %mul3A_2, %add3A_918 : i32
    %dma_start3A_920 = arith.constant 0 : i32
    %dma_start3A_921 = tpu.memref_slice %arg4[%add3A_919, %dma_start3A_920] : memref<32768x512xf32, #tpu.memory_space<hbm>> -> memref<64x512xf32, #tpu.memory_space<hbm>>
    %dma_start3A_922 = arith.constant 0 : i32
    %dma_start3A_923 = tpu.memref_slice %arg4[%add3A_919, %dma_start3A_922] : memref<32768x512xf32, #tpu.memory_space<hbm>> -> memref<64x512xf32, #tpu.memory_space<hbm>>
    tpu.enqueue_dma source(%arg6 : memref<64x512xf32, #tpu.memory_space<vmem>>) target(%dma_start3A_923 : memref<64x512xf32, #tpu.memory_space<hbm>>) target_semaphore(%arg9 : memref<!tpu.dma_semaphore, #tpu.memory_space<semaphore_mem>>)
    %dma_wait3A_924 = arith.constant 0 : i32
    %dma_wait3A_925 = tpu.memref_slice %arg4[%add3A_919, %dma_wait3A_924] : memref<32768x512xf32, #tpu.memory_space<hbm>> -> memref<64x512xf32, #tpu.memory_space<hbm>>
    %dma_wait3A_926 = arith.constant 0 : i32
    %dma_wait3A_927 = tpu.memref_slice %arg4[%add3A_919, %dma_wait3A_926] : memref<32768x512xf32, #tpu.memory_space<hbm>> -> memref<64x512xf32, #tpu.memory_space<hbm>>
    tpu.wait_dma2 semaphore(%arg9 : memref<!tpu.dma_semaphore, #tpu.memory_space<semaphore_mem>>) src(%arg6 : memref<64x512xf32, #tpu.memory_space<vmem>>) dst(%dma_wait3A_927 : memref<64x512xf32, #tpu.memory_space<hbm>>)
    %dma_start3A_928 = arith.constant 4 : i32
    %dma_start3A_929 = arith.constant 0 : i32
    %dma_start3A_930 = tpu.memref_slice %arg5[%dma_start3A_928, %dma_start3A_929] : memref<16x64xi32, #tpu.memory_space<vmem>> -> memref<1x64xi32, #tpu.memory_space<vmem>>
    %dma_start3A_931 = tpu.memref_squeeze %dma_start3A_930 : memref<1x64xi32, #tpu.memory_space<vmem>> -> memref<64xi32, #tpu.memory_space<vmem>>
    %dma_start3A_932 = arith.constant 0 : i32
    %dma_start3A_933 = arith.constant 0 : i32
    %dma_start3A_934 = tpu.memref_slice %arg2[%dma_start3A_932, %dma_start3A_933] : memref<8192x512xf32, #tpu.memory_space<hbm>> -> memref<8192x512xf32, #tpu.memory_space<hbm>>
    tpu.enqueue_indirect_dma source(%dma_start3A_934 : memref<8192x512xf32, #tpu.memory_space<hbm>>) target(%arg6 : memref<64x512xf32, #tpu.memory_space<vmem>>) offsets(%dma_start3A_931 : memref<64xi32, #tpu.memory_space<vmem>>) semaphore(%arg8 : memref<!tpu.dma_semaphore, #tpu.memory_space<semaphore_mem>>)
    %dma_wait3A_935 = arith.constant 3 : i32
    %dma_wait3A_936 = arith.constant 0 : i32
    %dma_wait3A_937 = tpu.memref_slice %arg5[%dma_wait3A_935, %dma_wait3A_936] : memref<16x64xi32, #tpu.memory_space<vmem>> -> memref<1x64xi32, #tpu.memory_space<vmem>>
    %dma_wait3A_938 = tpu.memref_squeeze %dma_wait3A_937 : memref<1x64xi32, #tpu.memory_space<vmem>> -> memref<64xi32, #tpu.memory_space<vmem>>
    %dma_wait3A_939 = arith.constant 0 : i32
    %dma_wait3A_940 = arith.constant 0 : i32
    %dma_wait3A_941 = tpu.memref_slice %arg2[%dma_wait3A_939, %dma_wait3A_940] : memref<8192x512xf32, #tpu.memory_space<hbm>> -> memref<8192x512xf32, #tpu.memory_space<hbm>>
    tpu.wait_indirect_dma semaphore(%arg8 : memref<!tpu.dma_semaphore, #tpu.memory_space<semaphore_mem>>) src(%dma_wait3A_941 : memref<8192x512xf32, #tpu.memory_space<hbm>>) dst(%arg7 : memref<64x512xf32, #tpu.memory_space<vmem>>)
    %add3A_942 = arith.constant 192 : i32
    %add3A_943 = arith.addi %mul3A_2, %add3A_942 : i32
    %dma_start3A_944 = arith.constant 0 : i32
    %dma_start3A_945 = tpu.memref_slice %arg4[%add3A_943, %dma_start3A_944] : memref<32768x512xf32, #tpu.memory_space<hbm>> -> memref<64x512xf32, #tpu.memory_space<hbm>>
    %dma_start3A_946 = arith.constant 0 : i32
    %dma_start3A_947 = tpu.memref_slice %arg4[%add3A_943, %dma_start3A_946] : memref<32768x512xf32, #tpu.memory_space<hbm>> -> memref<64x512xf32, #tpu.memory_space<hbm>>
    tpu.enqueue_dma source(%arg7 : memref<64x512xf32, #tpu.memory_space<vmem>>) target(%dma_start3A_947 : memref<64x512xf32, #tpu.memory_space<hbm>>) target_semaphore(%arg9 : memref<!tpu.dma_semaphore, #tpu.memory_space<semaphore_mem>>)
    %dma_wait3A_948 = arith.constant 0 : i32
    %dma_wait3A_949 = tpu.memref_slice %arg4[%add3A_943, %dma_wait3A_948] : memref<32768x512xf32, #tpu.memory_space<hbm>> -> memref<64x512xf32, #tpu.memory_space<hbm>>
    %dma_wait3A_950 = arith.constant 0 : i32
    %dma_wait3A_951 = tpu.memref_slice %arg4[%add3A_943, %dma_wait3A_950] : memref<32768x512xf32, #tpu.memory_space<hbm>> -> memref<64x512xf32, #tpu.memory_space<hbm>>
    tpu.wait_dma2 semaphore(%arg9 : memref<!tpu.dma_semaphore, #tpu.memory_space<semaphore_mem>>) src(%arg7 : memref<64x512xf32, #tpu.memory_space<vmem>>) dst(%dma_wait3A_951 : memref<64x512xf32, #tpu.memory_space<hbm>>)
    %dma_start3A_952 = arith.constant 5 : i32
    %dma_start3A_953 = arith.constant 0 : i32
    %dma_start3A_954 = tpu.memref_slice %arg5[%dma_start3A_952, %dma_start3A_953] : memref<16x64xi32, #tpu.memory_space<vmem>> -> memref<1x64xi32, #tpu.memory_space<vmem>>
    %dma_start3A_955 = tpu.memref_squeeze %dma_start3A_954 : memref<1x64xi32, #tpu.memory_space<vmem>> -> memref<64xi32, #tpu.memory_space<vmem>>
    %dma_start3A_956 = arith.constant 0 : i32
    %dma_start3A_957 = arith.constant 0 : i32
    %dma_start3A_958 = tpu.memref_slice %arg2[%dma_start3A_956, %dma_start3A_957] : memref<8192x512xf32, #tpu.memory_space<hbm>> -> memref<8192x512xf32, #tpu.memory_space<hbm>>
    tpu.enqueue_indirect_dma source(%dma_start3A_958 : memref<8192x512xf32, #tpu.memory_space<hbm>>) target(%arg7 : memref<64x512xf32, #tpu.memory_space<vmem>>) offsets(%dma_start3A_955 : memref<64xi32, #tpu.memory_space<vmem>>) semaphore(%arg8 : memref<!tpu.dma_semaphore, #tpu.memory_space<semaphore_mem>>)
    %dma_wait3A_959 = arith.constant 4 : i32
    %dma_wait3A_960 = arith.constant 0 : i32
    %dma_wait3A_961 = tpu.memref_slice %arg5[%dma_wait3A_959, %dma_wait3A_960] : memref<16x64xi32, #tpu.memory_space<vmem>> -> memref<1x64xi32, #tpu.memory_space<vmem>>
    %dma_wait3A_962 = tpu.memref_squeeze %dma_wait3A_961 : memref<1x64xi32, #tpu.memory_space<vmem>> -> memref<64xi32, #tpu.memory_space<vmem>>
    %dma_wait3A_963 = arith.constant 0 : i32
    %dma_wait3A_964 = arith.constant 0 : i32
    %dma_wait3A_965 = tpu.memref_slice %arg2[%dma_wait3A_963, %dma_wait3A_964] : memref<8192x512xf32, #tpu.memory_space<hbm>> -> memref<8192x512xf32, #tpu.memory_space<hbm>>
    tpu.wait_indirect_dma semaphore(%arg8 : memref<!tpu.dma_semaphore, #tpu.memory_space<semaphore_mem>>) src(%dma_wait3A_965 : memref<8192x512xf32, #tpu.memory_space<hbm>>) dst(%arg6 : memref<64x512xf32, #tpu.memory_space<vmem>>)
    %add3A_966 = arith.constant 256 : i32
    %add3A_967 = arith.addi %mul3A_2, %add3A_966 : i32
    %dma_start3A_968 = arith.constant 0 : i32
    %dma_start3A_969 = tpu.memref_slice %arg4[%add3A_967, %dma_start3A_968] : memref<32768x512xf32, #tpu.memory_space<hbm>> -> memref<64x512xf32, #tpu.memory_space<hbm>>
    %dma_start3A_970 = arith.constant 0 : i32
    %dma_start3A_971 = tpu.memref_slice %arg4[%add3A_967, %dma_start3A_970] : memref<32768x512xf32, #tpu.memory_space<hbm>> -> memref<64x512xf32, #tpu.memory_space<hbm>>
    tpu.enqueue_dma source(%arg6 : memref<64x512xf32, #tpu.memory_space<vmem>>) target(%dma_start3A_971 : memref<64x512xf32, #tpu.memory_space<hbm>>) target_semaphore(%arg9 : memref<!tpu.dma_semaphore, #tpu.memory_space<semaphore_mem>>)
    %dma_wait3A_972 = arith.constant 0 : i32
    %dma_wait3A_973 = tpu.memref_slice %arg4[%add3A_967, %dma_wait3A_972] : memref<32768x512xf32, #tpu.memory_space<hbm>> -> memref<64x512xf32, #tpu.memory_space<hbm>>
    %dma_wait3A_974 = arith.constant 0 : i32
    %dma_wait3A_975 = tpu.memref_slice %arg4[%add3A_967, %dma_wait3A_974] : memref<32768x512xf32, #tpu.memory_space<hbm>> -> memref<64x512xf32, #tpu.memory_space<hbm>>
    tpu.wait_dma2 semaphore(%arg9 : memref<!tpu.dma_semaphore, #tpu.memory_space<semaphore_mem>>) src(%arg6 : memref<64x512xf32, #tpu.memory_space<vmem>>) dst(%dma_wait3A_975 : memref<64x512xf32, #tpu.memory_space<hbm>>)
    %dma_start3A_976 = arith.constant 6 : i32
    %dma_start3A_977 = arith.constant 0 : i32
    %dma_start3A_978 = tpu.memref_slice %arg5[%dma_start3A_976, %dma_start3A_977] : memref<16x64xi32, #tpu.memory_space<vmem>> -> memref<1x64xi32, #tpu.memory_space<vmem>>
    %dma_start3A_979 = tpu.memref_squeeze %dma_start3A_978 : memref<1x64xi32, #tpu.memory_space<vmem>> -> memref<64xi32, #tpu.memory_space<vmem>>
    %dma_start3A_980 = arith.constant 0 : i32
    %dma_start3A_981 = arith.constant 0 : i32
    %dma_start3A_982 = tpu.memref_slice %arg2[%dma_start3A_980, %dma_start3A_981] : memref<8192x512xf32, #tpu.memory_space<hbm>> -> memref<8192x512xf32, #tpu.memory_space<hbm>>
    tpu.enqueue_indirect_dma source(%dma_start3A_982 : memref<8192x512xf32, #tpu.memory_space<hbm>>) target(%arg6 : memref<64x512xf32, #tpu.memory_space<vmem>>) offsets(%dma_start3A_979 : memref<64xi32, #tpu.memory_space<vmem>>) semaphore(%arg8 : memref<!tpu.dma_semaphore, #tpu.memory_space<semaphore_mem>>)
    %dma_wait3A_983 = arith.constant 5 : i32
    %dma_wait3A_984 = arith.constant 0 : i32
    %dma_wait3A_985 = tpu.memref_slice %arg5[%dma_wait3A_983, %dma_wait3A_984] : memref<16x64xi32, #tpu.memory_space<vmem>> -> memref<1x64xi32, #tpu.memory_space<vmem>>
    %dma_wait3A_986 = tpu.memref_squeeze %dma_wait3A_985 : memref<1x64xi32, #tpu.memory_space<vmem>> -> memref<64xi32, #tpu.memory_space<vmem>>
    %dma_wait3A_987 = arith.constant 0 : i32
    %dma_wait3A_988 = arith.constant 0 : i32
    %dma_wait3A_989 = tpu.memref_slice %arg2[%dma_wait3A_987, %dma_wait3A_988] : memref<8192x512xf32, #tpu.memory_space<hbm>> -> memref<8192x512xf32, #tpu.memory_space<hbm>>
    tpu.wait_indirect_dma semaphore(%arg8 : memref<!tpu.dma_semaphore, #tpu.memory_space<semaphore_mem>>) src(%dma_wait3A_989 : memref<8192x512xf32, #tpu.memory_space<hbm>>) dst(%arg7 : memref<64x512xf32, #tpu.memory_space<vmem>>)
    %add3A_990 = arith.constant 320 : i32
    %add3A_991 = arith.addi %mul3A_2, %add3A_990 : i32
    %dma_start3A_992 = arith.constant 0 : i32
    %dma_start3A_993 = tpu.memref_slice %arg4[%add3A_991, %dma_start3A_992] : memref<32768x512xf32, #tpu.memory_space<hbm>> -> memref<64x512xf32, #tpu.memory_space<hbm>>
    %dma_start3A_994 = arith.constant 0 : i32
    %dma_start3A_995 = tpu.memref_slice %arg4[%add3A_991, %dma_start3A_994] : memref<32768x512xf32, #tpu.memory_space<hbm>> -> memref<64x512xf32, #tpu.memory_space<hbm>>
    tpu.enqueue_dma source(%arg7 : memref<64x512xf32, #tpu.memory_space<vmem>>) target(%dma_start3A_995 : memref<64x512xf32, #tpu.memory_space<hbm>>) target_semaphore(%arg9 : memref<!tpu.dma_semaphore, #tpu.memory_space<semaphore_mem>>)
    %dma_wait3A_996 = arith.constant 0 : i32
    %dma_wait3A_997 = tpu.memref_slice %arg4[%add3A_991, %dma_wait3A_996] : memref<32768x512xf32, #tpu.memory_space<hbm>> -> memref<64x512xf32, #tpu.memory_space<hbm>>
    %dma_wait3A_998 = arith.constant 0 : i32
    %dma_wait3A_999 = tpu.memref_slice %arg4[%add3A_991, %dma_wait3A_998] : memref<32768x512xf32, #tpu.memory_space<hbm>> -> memref<64x512xf32, #tpu.memory_space<hbm>>
    tpu.wait_dma2 semaphore(%arg9 : memref<!tpu.dma_semaphore, #tpu.memory_space<semaphore_mem>>) src(%arg7 : memref<64x512xf32, #tpu.memory_space<vmem>>) dst(%dma_wait3A_999 : memref<64x512xf32, #tpu.memory_space<hbm>>)
    %dma_start3A_1000 = arith.constant 7 : i32
    %dma_start3A_1001 = arith.constant 0 : i32
    %dma_start3A_1002 = tpu.memref_slice %arg5[%dma_start3A_1000, %dma_start3A_1001] : memref<16x64xi32, #tpu.memory_space<vmem>> -> memref<1x64xi32, #tpu.memory_space<vmem>>
    %dma_start3A_1003 = tpu.memref_squeeze %dma_start3A_1002 : memref<1x64xi32, #tpu.memory_space<vmem>> -> memref<64xi32, #tpu.memory_space<vmem>>
    %dma_start3A_1004 = arith.constant 0 : i32
    %dma_start3A_1005 = arith.constant 0 : i32
    %dma_start3A_1006 = tpu.memref_slice %arg2[%dma_start3A_1004, %dma_start3A_1005] : memref<8192x512xf32, #tpu.memory_space<hbm>> -> memref<8192x512xf32, #tpu.memory_space<hbm>>
    tpu.enqueue_indirect_dma source(%dma_start3A_1006 : memref<8192x512xf32, #tpu.memory_space<hbm>>) target(%arg7 : memref<64x512xf32, #tpu.memory_space<vmem>>) offsets(%dma_start3A_1003 : memref<64xi32, #tpu.memory_space<vmem>>) semaphore(%arg8 : memref<!tpu.dma_semaphore, #tpu.memory_space<semaphore_mem>>)
    %dma_wait3A_1007 = arith.constant 6 : i32
    %dma_wait3A_1008 = arith.constant 0 : i32
    %dma_wait3A_1009 = tpu.memref_slice %arg5[%dma_wait3A_1007, %dma_wait3A_1008] : memref<16x64xi32, #tpu.memory_space<vmem>> -> memref<1x64xi32, #tpu.memory_space<vmem>>
    %dma_wait3A_1010 = tpu.memref_squeeze %dma_wait3A_1009 : memref<1x64xi32, #tpu.memory_space<vmem>> -> memref<64xi32, #tpu.memory_space<vmem>>
    %dma_wait3A_1011 = arith.constant 0 : i32
    %dma_wait3A_1012 = arith.constant 0 : i32
    %dma_wait3A_1013 = tpu.memref_slice %arg2[%dma_wait3A_1011, %dma_wait3A_1012] : memref<8192x512xf32, #tpu.memory_space<hbm>> -> memref<8192x512xf32, #tpu.memory_space<hbm>>
    tpu.wait_indirect_dma semaphore(%arg8 : memref<!tpu.dma_semaphore, #tpu.memory_space<semaphore_mem>>) src(%dma_wait3A_1013 : memref<8192x512xf32, #tpu.memory_space<hbm>>) dst(%arg6 : memref<64x512xf32, #tpu.memory_space<vmem>>)
    %add3A_1014 = arith.constant 384 : i32
    %add3A_1015 = arith.addi %mul3A_2, %add3A_1014 : i32
    %dma_start3A_1016 = arith.constant 0 : i32
    %dma_start3A_1017 = tpu.memref_slice %arg4[%add3A_1015, %dma_start3A_1016] : memref<32768x512xf32, #tpu.memory_space<hbm>> -> memref<64x512xf32, #tpu.memory_space<hbm>>
    %dma_start3A_1018 = arith.constant 0 : i32
    %dma_start3A_1019 = tpu.memref_slice %arg4[%add3A_1015, %dma_start3A_1018] : memref<32768x512xf32, #tpu.memory_space<hbm>> -> memref<64x512xf32, #tpu.memory_space<hbm>>
    tpu.enqueue_dma source(%arg6 : memref<64x512xf32, #tpu.memory_space<vmem>>) target(%dma_start3A_1019 : memref<64x512xf32, #tpu.memory_space<hbm>>) target_semaphore(%arg9 : memref<!tpu.dma_semaphore, #tpu.memory_space<semaphore_mem>>)
    %dma_wait3A_1020 = arith.constant 0 : i32
    %dma_wait3A_1021 = tpu.memref_slice %arg4[%add3A_1015, %dma_wait3A_1020] : memref<32768x512xf32, #tpu.memory_space<hbm>> -> memref<64x512xf32, #tpu.memory_space<hbm>>
    %dma_wait3A_1022 = arith.constant 0 : i32
    %dma_wait3A_1023 = tpu.memref_slice %arg4[%add3A_1015, %dma_wait3A_1022] : memref<32768x512xf32, #tpu.memory_space<hbm>> -> memref<64x512xf32, #tpu.memory_space<hbm>>
    tpu.wait_dma2 semaphore(%arg9 : memref<!tpu.dma_semaphore, #tpu.memory_space<semaphore_mem>>) src(%arg6 : memref<64x512xf32, #tpu.memory_space<vmem>>) dst(%dma_wait3A_1023 : memref<64x512xf32, #tpu.memory_space<hbm>>)
    %dma_start3A_1024 = arith.constant 8 : i32
    %dma_start3A_1025 = arith.constant 0 : i32
    %dma_start3A_1026 = tpu.memref_slice %arg5[%dma_start3A_1024, %dma_start3A_1025] : memref<16x64xi32, #tpu.memory_space<vmem>> -> memref<1x64xi32, #tpu.memory_space<vmem>>
    %dma_start3A_1027 = tpu.memref_squeeze %dma_start3A_1026 : memref<1x64xi32, #tpu.memory_space<vmem>> -> memref<64xi32, #tpu.memory_space<vmem>>
    %dma_start3A_1028 = arith.constant 0 : i32
    %dma_start3A_1029 = arith.constant 0 : i32
    %dma_start3A_1030 = tpu.memref_slice %arg2[%dma_start3A_1028, %dma_start3A_1029] : memref<8192x512xf32, #tpu.memory_space<hbm>> -> memref<8192x512xf32, #tpu.memory_space<hbm>>
    tpu.enqueue_indirect_dma source(%dma_start3A_1030 : memref<8192x512xf32, #tpu.memory_space<hbm>>) target(%arg6 : memref<64x512xf32, #tpu.memory_space<vmem>>) offsets(%dma_start3A_1027 : memref<64xi32, #tpu.memory_space<vmem>>) semaphore(%arg8 : memref<!tpu.dma_semaphore, #tpu.memory_space<semaphore_mem>>)
    %dma_wait3A_1031 = arith.constant 7 : i32
    %dma_wait3A_1032 = arith.constant 0 : i32
    %dma_wait3A_1033 = tpu.memref_slice %arg5[%dma_wait3A_1031, %dma_wait3A_1032] : memref<16x64xi32, #tpu.memory_space<vmem>> -> memref<1x64xi32, #tpu.memory_space<vmem>>
    %dma_wait3A_1034 = tpu.memref_squeeze %dma_wait3A_1033 : memref<1x64xi32, #tpu.memory_space<vmem>> -> memref<64xi32, #tpu.memory_space<vmem>>
    %dma_wait3A_1035 = arith.constant 0 : i32
    %dma_wait3A_1036 = arith.constant 0 : i32
    %dma_wait3A_1037 = tpu.memref_slice %arg2[%dma_wait3A_1035, %dma_wait3A_1036] : memref<8192x512xf32, #tpu.memory_space<hbm>> -> memref<8192x512xf32, #tpu.memory_space<hbm>>
    tpu.wait_indirect_dma semaphore(%arg8 : memref<!tpu.dma_semaphore, #tpu.memory_space<semaphore_mem>>) src(%dma_wait3A_1037 : memref<8192x512xf32, #tpu.memory_space<hbm>>) dst(%arg7 : memref<64x512xf32, #tpu.memory_space<vmem>>)
    %add3A_1038 = arith.constant 448 : i32
    %add3A_1039 = arith.addi %mul3A_2, %add3A_1038 : i32
    %dma_start3A_1040 = arith.constant 0 : i32
    %dma_start3A_1041 = tpu.memref_slice %arg4[%add3A_1039, %dma_start3A_1040] : memref<32768x512xf32, #tpu.memory_space<hbm>> -> memref<64x512xf32, #tpu.memory_space<hbm>>
    %dma_start3A_1042 = arith.constant 0 : i32
    %dma_start3A_1043 = tpu.memref_slice %arg4[%add3A_1039, %dma_start3A_1042] : memref<32768x512xf32, #tpu.memory_space<hbm>> -> memref<64x512xf32, #tpu.memory_space<hbm>>
    tpu.enqueue_dma source(%arg7 : memref<64x512xf32, #tpu.memory_space<vmem>>) target(%dma_start3A_1043 : memref<64x512xf32, #tpu.memory_space<hbm>>) target_semaphore(%arg9 : memref<!tpu.dma_semaphore, #tpu.memory_space<semaphore_mem>>)
    %dma_wait3A_1044 = arith.constant 0 : i32
    %dma_wait3A_1045 = tpu.memref_slice %arg4[%add3A_1039, %dma_wait3A_1044] : memref<32768x512xf32, #tpu.memory_space<hbm>> -> memref<64x512xf32, #tpu.memory_space<hbm>>
    %dma_wait3A_1046 = arith.constant 0 : i32
    %dma_wait3A_1047 = tpu.memref_slice %arg4[%add3A_1039, %dma_wait3A_1046] : memref<32768x512xf32, #tpu.memory_space<hbm>> -> memref<64x512xf32, #tpu.memory_space<hbm>>
    tpu.wait_dma2 semaphore(%arg9 : memref<!tpu.dma_semaphore, #tpu.memory_space<semaphore_mem>>) src(%arg7 : memref<64x512xf32, #tpu.memory_space<vmem>>) dst(%dma_wait3A_1047 : memref<64x512xf32, #tpu.memory_space<hbm>>)
    %dma_start3A_1048 = arith.constant 9 : i32
    %dma_start3A_1049 = arith.constant 0 : i32
    %dma_start3A_1050 = tpu.memref_slice %arg5[%dma_start3A_1048, %dma_start3A_1049] : memref<16x64xi32, #tpu.memory_space<vmem>> -> memref<1x64xi32, #tpu.memory_space<vmem>>
    %dma_start3A_1051 = tpu.memref_squeeze %dma_start3A_1050 : memref<1x64xi32, #tpu.memory_space<vmem>> -> memref<64xi32, #tpu.memory_space<vmem>>
    %dma_start3A_1052 = arith.constant 0 : i32
    %dma_start3A_1053 = arith.constant 0 : i32
    %dma_start3A_1054 = tpu.memref_slice %arg2[%dma_start3A_1052, %dma_start3A_1053] : memref<8192x512xf32, #tpu.memory_space<hbm>> -> memref<8192x512xf32, #tpu.memory_space<hbm>>
    tpu.enqueue_indirect_dma source(%dma_start3A_1054 : memref<8192x512xf32, #tpu.memory_space<hbm>>) target(%arg7 : memref<64x512xf32, #tpu.memory_space<vmem>>) offsets(%dma_start3A_1051 : memref<64xi32, #tpu.memory_space<vmem>>) semaphore(%arg8 : memref<!tpu.dma_semaphore, #tpu.memory_space<semaphore_mem>>)
    %dma_wait3A_1055 = arith.constant 8 : i32
    %dma_wait3A_1056 = arith.constant 0 : i32
    %dma_wait3A_1057 = tpu.memref_slice %arg5[%dma_wait3A_1055, %dma_wait3A_1056] : memref<16x64xi32, #tpu.memory_space<vmem>> -> memref<1x64xi32, #tpu.memory_space<vmem>>
    %dma_wait3A_1058 = tpu.memref_squeeze %dma_wait3A_1057 : memref<1x64xi32, #tpu.memory_space<vmem>> -> memref<64xi32, #tpu.memory_space<vmem>>
    %dma_wait3A_1059 = arith.constant 0 : i32
    %dma_wait3A_1060 = arith.constant 0 : i32
    %dma_wait3A_1061 = tpu.memref_slice %arg2[%dma_wait3A_1059, %dma_wait3A_1060] : memref<8192x512xf32, #tpu.memory_space<hbm>> -> memref<8192x512xf32, #tpu.memory_space<hbm>>
    tpu.wait_indirect_dma semaphore(%arg8 : memref<!tpu.dma_semaphore, #tpu.memory_space<semaphore_mem>>) src(%dma_wait3A_1061 : memref<8192x512xf32, #tpu.memory_space<hbm>>) dst(%arg6 : memref<64x512xf32, #tpu.memory_space<vmem>>)
    %add3A_1062 = arith.constant 512 : i32
    %add3A_1063 = arith.addi %mul3A_2, %add3A_1062 : i32
    %dma_start3A_1064 = arith.constant 0 : i32
    %dma_start3A_1065 = tpu.memref_slice %arg4[%add3A_1063, %dma_start3A_1064] : memref<32768x512xf32, #tpu.memory_space<hbm>> -> memref<64x512xf32, #tpu.memory_space<hbm>>
    %dma_start3A_1066 = arith.constant 0 : i32
    %dma_start3A_1067 = tpu.memref_slice %arg4[%add3A_1063, %dma_start3A_1066] : memref<32768x512xf32, #tpu.memory_space<hbm>> -> memref<64x512xf32, #tpu.memory_space<hbm>>
    tpu.enqueue_dma source(%arg6 : memref<64x512xf32, #tpu.memory_space<vmem>>) target(%dma_start3A_1067 : memref<64x512xf32, #tpu.memory_space<hbm>>) target_semaphore(%arg9 : memref<!tpu.dma_semaphore, #tpu.memory_space<semaphore_mem>>)
    %dma_wait3A_1068 = arith.constant 0 : i32
    %dma_wait3A_1069 = tpu.memref_slice %arg4[%add3A_1063, %dma_wait3A_1068] : memref<32768x512xf32, #tpu.memory_space<hbm>> -> memref<64x512xf32, #tpu.memory_space<hbm>>
    %dma_wait3A_1070 = arith.constant 0 : i32
    %dma_wait3A_1071 = tpu.memref_slice %arg4[%add3A_1063, %dma_wait3A_1070] : memref<32768x512xf32, #tpu.memory_space<hbm>> -> memref<64x512xf32, #tpu.memory_space<hbm>>
    tpu.wait_dma2 semaphore(%arg9 : memref<!tpu.dma_semaphore, #tpu.memory_space<semaphore_mem>>) src(%arg6 : memref<64x512xf32, #tpu.memory_space<vmem>>) dst(%dma_wait3A_1071 : memref<64x512xf32, #tpu.memory_space<hbm>>)
    %dma_start3A_1072 = arith.constant 10 : i32
    %dma_start3A_1073 = arith.constant 0 : i32
    %dma_start3A_1074 = tpu.memref_slice %arg5[%dma_start3A_1072, %dma_start3A_1073] : memref<16x64xi32, #tpu.memory_space<vmem>> -> memref<1x64xi32, #tpu.memory_space<vmem>>
    %dma_start3A_1075 = tpu.memref_squeeze %dma_start3A_1074 : memref<1x64xi32, #tpu.memory_space<vmem>> -> memref<64xi32, #tpu.memory_space<vmem>>
    %dma_start3A_1076 = arith.constant 0 : i32
    %dma_start3A_1077 = arith.constant 0 : i32
    %dma_start3A_1078 = tpu.memref_slice %arg2[%dma_start3A_1076, %dma_start3A_1077] : memref<8192x512xf32, #tpu.memory_space<hbm>> -> memref<8192x512xf32, #tpu.memory_space<hbm>>
    tpu.enqueue_indirect_dma source(%dma_start3A_1078 : memref<8192x512xf32, #tpu.memory_space<hbm>>) target(%arg6 : memref<64x512xf32, #tpu.memory_space<vmem>>) offsets(%dma_start3A_1075 : memref<64xi32, #tpu.memory_space<vmem>>) semaphore(%arg8 : memref<!tpu.dma_semaphore, #tpu.memory_space<semaphore_mem>>)
    %dma_wait3A_1079 = arith.constant 9 : i32
    %dma_wait3A_1080 = arith.constant 0 : i32
    %dma_wait3A_1081 = tpu.memref_slice %arg5[%dma_wait3A_1079, %dma_wait3A_1080] : memref<16x64xi32, #tpu.memory_space<vmem>> -> memref<1x64xi32, #tpu.memory_space<vmem>>
    %dma_wait3A_1082 = tpu.memref_squeeze %dma_wait3A_1081 : memref<1x64xi32, #tpu.memory_space<vmem>> -> memref<64xi32, #tpu.memory_space<vmem>>
    %dma_wait3A_1083 = arith.constant 0 : i32
    %dma_wait3A_1084 = arith.constant 0 : i32
    %dma_wait3A_1085 = tpu.memref_slice %arg2[%dma_wait3A_1083, %dma_wait3A_1084] : memref<8192x512xf32, #tpu.memory_space<hbm>> -> memref<8192x512xf32, #tpu.memory_space<hbm>>
    tpu.wait_indirect_dma semaphore(%arg8 : memref<!tpu.dma_semaphore, #tpu.memory_space<semaphore_mem>>) src(%dma_wait3A_1085 : memref<8192x512xf32, #tpu.memory_space<hbm>>) dst(%arg7 : memref<64x512xf32, #tpu.memory_space<vmem>>)
    %add3A_1086 = arith.constant 576 : i32
    %add3A_1087 = arith.addi %mul3A_2, %add3A_1086 : i32
    %dma_start3A_1088 = arith.constant 0 : i32
    %dma_start3A_1089 = tpu.memref_slice %arg4[%add3A_1087, %dma_start3A_1088] : memref<32768x512xf32, #tpu.memory_space<hbm>> -> memref<64x512xf32, #tpu.memory_space<hbm>>
    %dma_start3A_1090 = arith.constant 0 : i32
    %dma_start3A_1091 = tpu.memref_slice %arg4[%add3A_1087, %dma_start3A_1090] : memref<32768x512xf32, #tpu.memory_space<hbm>> -> memref<64x512xf32, #tpu.memory_space<hbm>>
    tpu.enqueue_dma source(%arg7 : memref<64x512xf32, #tpu.memory_space<vmem>>) target(%dma_start3A_1091 : memref<64x512xf32, #tpu.memory_space<hbm>>) target_semaphore(%arg9 : memref<!tpu.dma_semaphore, #tpu.memory_space<semaphore_mem>>)
    %dma_wait3A_1092 = arith.constant 0 : i32
    %dma_wait3A_1093 = tpu.memref_slice %arg4[%add3A_1087, %dma_wait3A_1092] : memref<32768x512xf32, #tpu.memory_space<hbm>> -> memref<64x512xf32, #tpu.memory_space<hbm>>
    %dma_wait3A_1094 = arith.constant 0 : i32
    %dma_wait3A_1095 = tpu.memref_slice %arg4[%add3A_1087, %dma_wait3A_1094] : memref<32768x512xf32, #tpu.memory_space<hbm>> -> memref<64x512xf32, #tpu.memory_space<hbm>>
    tpu.wait_dma2 semaphore(%arg9 : memref<!tpu.dma_semaphore, #tpu.memory_space<semaphore_mem>>) src(%arg7 : memref<64x512xf32, #tpu.memory_space<vmem>>) dst(%dma_wait3A_1095 : memref<64x512xf32, #tpu.memory_space<hbm>>)
    %dma_start3A_1096 = arith.constant 11 : i32
    %dma_start3A_1097 = arith.constant 0 : i32
    %dma_start3A_1098 = tpu.memref_slice %arg5[%dma_start3A_1096, %dma_start3A_1097] : memref<16x64xi32, #tpu.memory_space<vmem>> -> memref<1x64xi32, #tpu.memory_space<vmem>>
    %dma_start3A_1099 = tpu.memref_squeeze %dma_start3A_1098 : memref<1x64xi32, #tpu.memory_space<vmem>> -> memref<64xi32, #tpu.memory_space<vmem>>
    %dma_start3A_1100 = arith.constant 0 : i32
    %dma_start3A_1101 = arith.constant 0 : i32
    %dma_start3A_1102 = tpu.memref_slice %arg2[%dma_start3A_1100, %dma_start3A_1101] : memref<8192x512xf32, #tpu.memory_space<hbm>> -> memref<8192x512xf32, #tpu.memory_space<hbm>>
    tpu.enqueue_indirect_dma source(%dma_start3A_1102 : memref<8192x512xf32, #tpu.memory_space<hbm>>) target(%arg7 : memref<64x512xf32, #tpu.memory_space<vmem>>) offsets(%dma_start3A_1099 : memref<64xi32, #tpu.memory_space<vmem>>) semaphore(%arg8 : memref<!tpu.dma_semaphore, #tpu.memory_space<semaphore_mem>>)
    %dma_wait3A_1103 = arith.constant 10 : i32
    %dma_wait3A_1104 = arith.constant 0 : i32
    %dma_wait3A_1105 = tpu.memref_slice %arg5[%dma_wait3A_1103, %dma_wait3A_1104] : memref<16x64xi32, #tpu.memory_space<vmem>> -> memref<1x64xi32, #tpu.memory_space<vmem>>
    %dma_wait3A_1106 = tpu.memref_squeeze %dma_wait3A_1105 : memref<1x64xi32, #tpu.memory_space<vmem>> -> memref<64xi32, #tpu.memory_space<vmem>>
    %dma_wait3A_1107 = arith.constant 0 : i32
    %dma_wait3A_1108 = arith.constant 0 : i32
    %dma_wait3A_1109 = tpu.memref_slice %arg2[%dma_wait3A_1107, %dma_wait3A_1108] : memref<8192x512xf32, #tpu.memory_space<hbm>> -> memref<8192x512xf32, #tpu.memory_space<hbm>>
    tpu.wait_indirect_dma semaphore(%arg8 : memref<!tpu.dma_semaphore, #tpu.memory_space<semaphore_mem>>) src(%dma_wait3A_1109 : memref<8192x512xf32, #tpu.memory_space<hbm>>) dst(%arg6 : memref<64x512xf32, #tpu.memory_space<vmem>>)
    %add3A_1110 = arith.constant 640 : i32
    %add3A_1111 = arith.addi %mul3A_2, %add3A_1110 : i32
    %dma_start3A_1112 = arith.constant 0 : i32
    %dma_start3A_1113 = tpu.memref_slice %arg4[%add3A_1111, %dma_start3A_1112] : memref<32768x512xf32, #tpu.memory_space<hbm>> -> memref<64x512xf32, #tpu.memory_space<hbm>>
    %dma_start3A_1114 = arith.constant 0 : i32
    %dma_start3A_1115 = tpu.memref_slice %arg4[%add3A_1111, %dma_start3A_1114] : memref<32768x512xf32, #tpu.memory_space<hbm>> -> memref<64x512xf32, #tpu.memory_space<hbm>>
    tpu.enqueue_dma source(%arg6 : memref<64x512xf32, #tpu.memory_space<vmem>>) target(%dma_start3A_1115 : memref<64x512xf32, #tpu.memory_space<hbm>>) target_semaphore(%arg9 : memref<!tpu.dma_semaphore, #tpu.memory_space<semaphore_mem>>)
    %dma_wait3A_1116 = arith.constant 0 : i32
    %dma_wait3A_1117 = tpu.memref_slice %arg4[%add3A_1111, %dma_wait3A_1116] : memref<32768x512xf32, #tpu.memory_space<hbm>> -> memref<64x512xf32, #tpu.memory_space<hbm>>
    %dma_wait3A_1118 = arith.constant 0 : i32
    %dma_wait3A_1119 = tpu.memref_slice %arg4[%add3A_1111, %dma_wait3A_1118] : memref<32768x512xf32, #tpu.memory_space<hbm>> -> memref<64x512xf32, #tpu.memory_space<hbm>>
    tpu.wait_dma2 semaphore(%arg9 : memref<!tpu.dma_semaphore, #tpu.memory_space<semaphore_mem>>) src(%arg6 : memref<64x512xf32, #tpu.memory_space<vmem>>) dst(%dma_wait3A_1119 : memref<64x512xf32, #tpu.memory_space<hbm>>)
    %dma_start3A_1120 = arith.constant 12 : i32
    %dma_start3A_1121 = arith.constant 0 : i32
    %dma_start3A_1122 = tpu.memref_slice %arg5[%dma_start3A_1120, %dma_start3A_1121] : memref<16x64xi32, #tpu.memory_space<vmem>> -> memref<1x64xi32, #tpu.memory_space<vmem>>
    %dma_start3A_1123 = tpu.memref_squeeze %dma_start3A_1122 : memref<1x64xi32, #tpu.memory_space<vmem>> -> memref<64xi32, #tpu.memory_space<vmem>>
    %dma_start3A_1124 = arith.constant 0 : i32
    %dma_start3A_1125 = arith.constant 0 : i32
    %dma_start3A_1126 = tpu.memref_slice %arg2[%dma_start3A_1124, %dma_start3A_1125] : memref<8192x512xf32, #tpu.memory_space<hbm>> -> memref<8192x512xf32, #tpu.memory_space<hbm>>
    tpu.enqueue_indirect_dma source(%dma_start3A_1126 : memref<8192x512xf32, #tpu.memory_space<hbm>>) target(%arg6 : memref<64x512xf32, #tpu.memory_space<vmem>>) offsets(%dma_start3A_1123 : memref<64xi32, #tpu.memory_space<vmem>>) semaphore(%arg8 : memref<!tpu.dma_semaphore, #tpu.memory_space<semaphore_mem>>)
    %dma_wait3A_1127 = arith.constant 11 : i32
    %dma_wait3A_1128 = arith.constant 0 : i32
    %dma_wait3A_1129 = tpu.memref_slice %arg5[%dma_wait3A_1127, %dma_wait3A_1128] : memref<16x64xi32, #tpu.memory_space<vmem>> -> memref<1x64xi32, #tpu.memory_space<vmem>>
    %dma_wait3A_1130 = tpu.memref_squeeze %dma_wait3A_1129 : memref<1x64xi32, #tpu.memory_space<vmem>> -> memref<64xi32, #tpu.memory_space<vmem>>
    %dma_wait3A_1131 = arith.constant 0 : i32
    %dma_wait3A_1132 = arith.constant 0 : i32
    %dma_wait3A_1133 = tpu.memref_slice %arg2[%dma_wait3A_1131, %dma_wait3A_1132] : memref<8192x512xf32, #tpu.memory_space<hbm>> -> memref<8192x512xf32, #tpu.memory_space<hbm>>
    tpu.wait_indirect_dma semaphore(%arg8 : memref<!tpu.dma_semaphore, #tpu.memory_space<semaphore_mem>>) src(%dma_wait3A_1133 : memref<8192x512xf32, #tpu.memory_space<hbm>>) dst(%arg7 : memref<64x512xf32, #tpu.memory_space<vmem>>)
    %add3A_1134 = arith.constant 704 : i32
    %add3A_1135 = arith.addi %mul3A_2, %add3A_1134 : i32
    %dma_start3A_1136 = arith.constant 0 : i32
    %dma_start3A_1137 = tpu.memref_slice %arg4[%add3A_1135, %dma_start3A_1136] : memref<32768x512xf32, #tpu.memory_space<hbm>> -> memref<64x512xf32, #tpu.memory_space<hbm>>
    %dma_start3A_1138 = arith.constant 0 : i32
    %dma_start3A_1139 = tpu.memref_slice %arg4[%add3A_1135, %dma_start3A_1138] : memref<32768x512xf32, #tpu.memory_space<hbm>> -> memref<64x512xf32, #tpu.memory_space<hbm>>
    tpu.enqueue_dma source(%arg7 : memref<64x512xf32, #tpu.memory_space<vmem>>) target(%dma_start3A_1139 : memref<64x512xf32, #tpu.memory_space<hbm>>) target_semaphore(%arg9 : memref<!tpu.dma_semaphore, #tpu.memory_space<semaphore_mem>>)
    %dma_wait3A_1140 = arith.constant 0 : i32
    %dma_wait3A_1141 = tpu.memref_slice %arg4[%add3A_1135, %dma_wait3A_1140] : memref<32768x512xf32, #tpu.memory_space<hbm>> -> memref<64x512xf32, #tpu.memory_space<hbm>>
    %dma_wait3A_1142 = arith.constant 0 : i32
    %dma_wait3A_1143 = tpu.memref_slice %arg4[%add3A_1135, %dma_wait3A_1142] : memref<32768x512xf32, #tpu.memory_space<hbm>> -> memref<64x512xf32, #tpu.memory_space<hbm>>
    tpu.wait_dma2 semaphore(%arg9 : memref<!tpu.dma_semaphore, #tpu.memory_space<semaphore_mem>>) src(%arg7 : memref<64x512xf32, #tpu.memory_space<vmem>>) dst(%dma_wait3A_1143 : memref<64x512xf32, #tpu.memory_space<hbm>>)
    %dma_start3A_1144 = arith.constant 13 : i32
    %dma_start3A_1145 = arith.constant 0 : i32
    %dma_start3A_1146 = tpu.memref_slice %arg5[%dma_start3A_1144, %dma_start3A_1145] : memref<16x64xi32, #tpu.memory_space<vmem>> -> memref<1x64xi32, #tpu.memory_space<vmem>>
    %dma_start3A_1147 = tpu.memref_squeeze %dma_start3A_1146 : memref<1x64xi32, #tpu.memory_space<vmem>> -> memref<64xi32, #tpu.memory_space<vmem>>
    %dma_start3A_1148 = arith.constant 0 : i32
    %dma_start3A_1149 = arith.constant 0 : i32
    %dma_start3A_1150 = tpu.memref_slice %arg2[%dma_start3A_1148, %dma_start3A_1149] : memref<8192x512xf32, #tpu.memory_space<hbm>> -> memref<8192x512xf32, #tpu.memory_space<hbm>>
    tpu.enqueue_indirect_dma source(%dma_start3A_1150 : memref<8192x512xf32, #tpu.memory_space<hbm>>) target(%arg7 : memref<64x512xf32, #tpu.memory_space<vmem>>) offsets(%dma_start3A_1147 : memref<64xi32, #tpu.memory_space<vmem>>) semaphore(%arg8 : memref<!tpu.dma_semaphore, #tpu.memory_space<semaphore_mem>>)
    %dma_wait3A_1151 = arith.constant 12 : i32
    %dma_wait3A_1152 = arith.constant 0 : i32
    %dma_wait3A_1153 = tpu.memref_slice %arg5[%dma_wait3A_1151, %dma_wait3A_1152] : memref<16x64xi32, #tpu.memory_space<vmem>> -> memref<1x64xi32, #tpu.memory_space<vmem>>
    %dma_wait3A_1154 = tpu.memref_squeeze %dma_wait3A_1153 : memref<1x64xi32, #tpu.memory_space<vmem>> -> memref<64xi32, #tpu.memory_space<vmem>>
    %dma_wait3A_1155 = arith.constant 0 : i32
    %dma_wait3A_1156 = arith.constant 0 : i32
    %dma_wait3A_1157 = tpu.memref_slice %arg2[%dma_wait3A_1155, %dma_wait3A_1156] : memref<8192x512xf32, #tpu.memory_space<hbm>> -> memref<8192x512xf32, #tpu.memory_space<hbm>>
    tpu.wait_indirect_dma semaphore(%arg8 : memref<!tpu.dma_semaphore, #tpu.memory_space<semaphore_mem>>) src(%dma_wait3A_1157 : memref<8192x512xf32, #tpu.memory_space<hbm>>) dst(%arg6 : memref<64x512xf32, #tpu.memory_space<vmem>>)
    %add3A_1158 = arith.constant 768 : i32
    %add3A_1159 = arith.addi %mul3A_2, %add3A_1158 : i32
    %dma_start3A_1160 = arith.constant 0 : i32
    %dma_start3A_1161 = tpu.memref_slice %arg4[%add3A_1159, %dma_start3A_1160] : memref<32768x512xf32, #tpu.memory_space<hbm>> -> memref<64x512xf32, #tpu.memory_space<hbm>>
    %dma_start3A_1162 = arith.constant 0 : i32
    %dma_start3A_1163 = tpu.memref_slice %arg4[%add3A_1159, %dma_start3A_1162] : memref<32768x512xf32, #tpu.memory_space<hbm>> -> memref<64x512xf32, #tpu.memory_space<hbm>>
    tpu.enqueue_dma source(%arg6 : memref<64x512xf32, #tpu.memory_space<vmem>>) target(%dma_start3A_1163 : memref<64x512xf32, #tpu.memory_space<hbm>>) target_semaphore(%arg9 : memref<!tpu.dma_semaphore, #tpu.memory_space<semaphore_mem>>)
    %dma_wait3A_1164 = arith.constant 0 : i32
    %dma_wait3A_1165 = tpu.memref_slice %arg4[%add3A_1159, %dma_wait3A_1164] : memref<32768x512xf32, #tpu.memory_space<hbm>> -> memref<64x512xf32, #tpu.memory_space<hbm>>
    %dma_wait3A_1166 = arith.constant 0 : i32
    %dma_wait3A_1167 = tpu.memref_slice %arg4[%add3A_1159, %dma_wait3A_1166] : memref<32768x512xf32, #tpu.memory_space<hbm>> -> memref<64x512xf32, #tpu.memory_space<hbm>>
    tpu.wait_dma2 semaphore(%arg9 : memref<!tpu.dma_semaphore, #tpu.memory_space<semaphore_mem>>) src(%arg6 : memref<64x512xf32, #tpu.memory_space<vmem>>) dst(%dma_wait3A_1167 : memref<64x512xf32, #tpu.memory_space<hbm>>)
    %dma_start3A_1168 = arith.constant 14 : i32
    %dma_start3A_1169 = arith.constant 0 : i32
    %dma_start3A_1170 = tpu.memref_slice %arg5[%dma_start3A_1168, %dma_start3A_1169] : memref<16x64xi32, #tpu.memory_space<vmem>> -> memref<1x64xi32, #tpu.memory_space<vmem>>
    %dma_start3A_1171 = tpu.memref_squeeze %dma_start3A_1170 : memref<1x64xi32, #tpu.memory_space<vmem>> -> memref<64xi32, #tpu.memory_space<vmem>>
    %dma_start3A_1172 = arith.constant 0 : i32
    %dma_start3A_1173 = arith.constant 0 : i32
    %dma_start3A_1174 = tpu.memref_slice %arg2[%dma_start3A_1172, %dma_start3A_1173] : memref<8192x512xf32, #tpu.memory_space<hbm>> -> memref<8192x512xf32, #tpu.memory_space<hbm>>
    tpu.enqueue_indirect_dma source(%dma_start3A_1174 : memref<8192x512xf32, #tpu.memory_space<hbm>>) target(%arg6 : memref<64x512xf32, #tpu.memory_space<vmem>>) offsets(%dma_start3A_1171 : memref<64xi32, #tpu.memory_space<vmem>>) semaphore(%arg8 : memref<!tpu.dma_semaphore, #tpu.memory_space<semaphore_mem>>)
    %dma_wait3A_1175 = arith.constant 13 : i32
    %dma_wait3A_1176 = arith.constant 0 : i32
    %dma_wait3A_1177 = tpu.memref_slice %arg5[%dma_wait3A_1175, %dma_wait3A_1176] : memref<16x64xi32, #tpu.memory_space<vmem>> -> memref<1x64xi32, #tpu.memory_space<vmem>>
    %dma_wait3A_1178 = tpu.memref_squeeze %dma_wait3A_1177 : memref<1x64xi32, #tpu.memory_space<vmem>> -> memref<64xi32, #tpu.memory_space<vmem>>
    %dma_wait3A_1179 = arith.constant 0 : i32
    %dma_wait3A_1180 = arith.constant 0 : i32
    %dma_wait3A_1181 = tpu.memref_slice %arg2[%dma_wait3A_1179, %dma_wait3A_1180] : memref<8192x512xf32, #tpu.memory_space<hbm>> -> memref<8192x512xf32, #tpu.memory_space<hbm>>
    tpu.wait_indirect_dma semaphore(%arg8 : memref<!tpu.dma_semaphore, #tpu.memory_space<semaphore_mem>>) src(%dma_wait3A_1181 : memref<8192x512xf32, #tpu.memory_space<hbm>>) dst(%arg7 : memref<64x512xf32, #tpu.memory_space<vmem>>)
    %add3A_1182 = arith.constant 832 : i32
    %add3A_1183 = arith.addi %mul3A_2, %add3A_1182 : i32
    %dma_start3A_1184 = arith.constant 0 : i32
    %dma_start3A_1185 = tpu.memref_slice %arg4[%add3A_1183, %dma_start3A_1184] : memref<32768x512xf32, #tpu.memory_space<hbm>> -> memref<64x512xf32, #tpu.memory_space<hbm>>
    %dma_start3A_1186 = arith.constant 0 : i32
    %dma_start3A_1187 = tpu.memref_slice %arg4[%add3A_1183, %dma_start3A_1186] : memref<32768x512xf32, #tpu.memory_space<hbm>> -> memref<64x512xf32, #tpu.memory_space<hbm>>
    tpu.enqueue_dma source(%arg7 : memref<64x512xf32, #tpu.memory_space<vmem>>) target(%dma_start3A_1187 : memref<64x512xf32, #tpu.memory_space<hbm>>) target_semaphore(%arg9 : memref<!tpu.dma_semaphore, #tpu.memory_space<semaphore_mem>>)
    %dma_wait3A_1188 = arith.constant 0 : i32
    %dma_wait3A_1189 = tpu.memref_slice %arg4[%add3A_1183, %dma_wait3A_1188] : memref<32768x512xf32, #tpu.memory_space<hbm>> -> memref<64x512xf32, #tpu.memory_space<hbm>>
    %dma_wait3A_1190 = arith.constant 0 : i32
    %dma_wait3A_1191 = tpu.memref_slice %arg4[%add3A_1183, %dma_wait3A_1190] : memref<32768x512xf32, #tpu.memory_space<hbm>> -> memref<64x512xf32, #tpu.memory_space<hbm>>
    tpu.wait_dma2 semaphore(%arg9 : memref<!tpu.dma_semaphore, #tpu.memory_space<semaphore_mem>>) src(%arg7 : memref<64x512xf32, #tpu.memory_space<vmem>>) dst(%dma_wait3A_1191 : memref<64x512xf32, #tpu.memory_space<hbm>>)
    %dma_start3A_1192 = arith.constant 15 : i32
    %dma_start3A_1193 = arith.constant 0 : i32
    %dma_start3A_1194 = tpu.memref_slice %arg5[%dma_start3A_1192, %dma_start3A_1193] : memref<16x64xi32, #tpu.memory_space<vmem>> -> memref<1x64xi32, #tpu.memory_space<vmem>>
    %dma_start3A_1195 = tpu.memref_squeeze %dma_start3A_1194 : memref<1x64xi32, #tpu.memory_space<vmem>> -> memref<64xi32, #tpu.memory_space<vmem>>
    %dma_start3A_1196 = arith.constant 0 : i32
    %dma_start3A_1197 = arith.constant 0 : i32
    %dma_start3A_1198 = tpu.memref_slice %arg2[%dma_start3A_1196, %dma_start3A_1197] : memref<8192x512xf32, #tpu.memory_space<hbm>> -> memref<8192x512xf32, #tpu.memory_space<hbm>>
    tpu.enqueue_indirect_dma source(%dma_start3A_1198 : memref<8192x512xf32, #tpu.memory_space<hbm>>) target(%arg7 : memref<64x512xf32, #tpu.memory_space<vmem>>) offsets(%dma_start3A_1195 : memref<64xi32, #tpu.memory_space<vmem>>) semaphore(%arg8 : memref<!tpu.dma_semaphore, #tpu.memory_space<semaphore_mem>>)
    %dma_wait3A_1199 = arith.constant 14 : i32
    %dma_wait3A_1200 = arith.constant 0 : i32
    %dma_wait3A_1201 = tpu.memref_slice %arg5[%dma_wait3A_1199, %dma_wait3A_1200] : memref<16x64xi32, #tpu.memory_space<vmem>> -> memref<1x64xi32, #tpu.memory_space<vmem>>
    %dma_wait3A_1202 = tpu.memref_squeeze %dma_wait3A_1201 : memref<1x64xi32, #tpu.memory_space<vmem>> -> memref<64xi32, #tpu.memory_space<vmem>>
    %dma_wait3A_1203 = arith.constant 0 : i32
    %dma_wait3A_1204 = arith.constant 0 : i32
    %dma_wait3A_1205 = tpu.memref_slice %arg2[%dma_wait3A_1203, %dma_wait3A_1204] : memref<8192x512xf32, #tpu.memory_space<hbm>> -> memref<8192x512xf32, #tpu.memory_space<hbm>>
    tpu.wait_indirect_dma semaphore(%arg8 : memref<!tpu.dma_semaphore, #tpu.memory_space<semaphore_mem>>) src(%dma_wait3A_1205 : memref<8192x512xf32, #tpu.memory_space<hbm>>) dst(%arg6 : memref<64x512xf32, #tpu.memory_space<vmem>>)
    %add3A_1206 = arith.constant 896 : i32
    %add3A_1207 = arith.addi %mul3A_2, %add3A_1206 : i32
    %dma_start3A_1208 = arith.constant 0 : i32
    %dma_start3A_1209 = tpu.memref_slice %arg4[%add3A_1207, %dma_start3A_1208] : memref<32768x512xf32, #tpu.memory_space<hbm>> -> memref<64x512xf32, #tpu.memory_space<hbm>>
    %dma_start3A_1210 = arith.constant 0 : i32
    %dma_start3A_1211 = tpu.memref_slice %arg4[%add3A_1207, %dma_start3A_1210] : memref<32768x512xf32, #tpu.memory_space<hbm>> -> memref<64x512xf32, #tpu.memory_space<hbm>>
    tpu.enqueue_dma source(%arg6 : memref<64x512xf32, #tpu.memory_space<vmem>>) target(%dma_start3A_1211 : memref<64x512xf32, #tpu.memory_space<hbm>>) target_semaphore(%arg9 : memref<!tpu.dma_semaphore, #tpu.memory_space<semaphore_mem>>)
    %dma_wait3A_1212 = arith.constant 15 : i32
    %dma_wait3A_1213 = arith.constant 0 : i32
    %dma_wait3A_1214 = tpu.memref_slice %arg5[%dma_wait3A_1212, %dma_wait3A_1213] : memref<16x64xi32, #tpu.memory_space<vmem>> -> memref<1x64xi32, #tpu.memory_space<vmem>>
    %dma_wait3A_1215 = tpu.memref_squeeze %dma_wait3A_1214 : memref<1x64xi32, #tpu.memory_space<vmem>> -> memref<64xi32, #tpu.memory_space<vmem>>
    %dma_wait3A_1216 = arith.constant 0 : i32
    %dma_wait3A_1217 = arith.constant 0 : i32
    %dma_wait3A_1218 = tpu.memref_slice %arg2[%dma_wait3A_1216, %dma_wait3A_1217] : memref<8192x512xf32, #tpu.memory_space<hbm>> -> memref<8192x512xf32, #tpu.memory_space<hbm>>
    tpu.wait_indirect_dma semaphore(%arg8 : memref<!tpu.dma_semaphore, #tpu.memory_space<semaphore_mem>>) src(%dma_wait3A_1218 : memref<8192x512xf32, #tpu.memory_space<hbm>>) dst(%arg7 : memref<64x512xf32, #tpu.memory_space<vmem>>)
    %add3A_1219 = arith.constant 960 : i32
    %add3A_1220 = arith.addi %mul3A_2, %add3A_1219 : i32
    %dma_start3A_1221 = arith.constant 0 : i32
    %dma_start3A_1222 = tpu.memref_slice %arg4[%add3A_1220, %dma_start3A_1221] : memref<32768x512xf32, #tpu.memory_space<hbm>> -> memref<64x512xf32, #tpu.memory_space<hbm>>
    %dma_start3A_1223 = arith.constant 0 : i32
    %dma_start3A_1224 = tpu.memref_slice %arg4[%add3A_1220, %dma_start3A_1223] : memref<32768x512xf32, #tpu.memory_space<hbm>> -> memref<64x512xf32, #tpu.memory_space<hbm>>
    tpu.enqueue_dma source(%arg7 : memref<64x512xf32, #tpu.memory_space<vmem>>) target(%dma_start3A_1224 : memref<64x512xf32, #tpu.memory_space<hbm>>) target_semaphore(%arg9 : memref<!tpu.dma_semaphore, #tpu.memory_space<semaphore_mem>>)
    %dma_wait3A_1225 = arith.constant 0 : i32
    %dma_wait3A_1226 = tpu.memref_slice %arg4[%add3A_1207, %dma_wait3A_1225] : memref<32768x512xf32, #tpu.memory_space<hbm>> -> memref<64x512xf32, #tpu.memory_space<hbm>>
    %dma_wait3A_1227 = arith.constant 0 : i32
    %dma_wait3A_1228 = tpu.memref_slice %arg4[%add3A_1207, %dma_wait3A_1227] : memref<32768x512xf32, #tpu.memory_space<hbm>> -> memref<64x512xf32, #tpu.memory_space<hbm>>
    tpu.wait_dma2 semaphore(%arg9 : memref<!tpu.dma_semaphore, #tpu.memory_space<semaphore_mem>>) src(%arg6 : memref<64x512xf32, #tpu.memory_space<vmem>>) dst(%dma_wait3A_1228 : memref<64x512xf32, #tpu.memory_space<hbm>>)
    %dma_wait3A_1229 = arith.constant 0 : i32
    %dma_wait3A_1230 = tpu.memref_slice %arg4[%add3A_1220, %dma_wait3A_1229] : memref<32768x512xf32, #tpu.memory_space<hbm>> -> memref<64x512xf32, #tpu.memory_space<hbm>>
    %dma_wait3A_1231 = arith.constant 0 : i32
    %dma_wait3A_1232 = tpu.memref_slice %arg4[%add3A_1220, %dma_wait3A_1231] : memref<32768x512xf32, #tpu.memory_space<hbm>> -> memref<64x512xf32, #tpu.memory_space<hbm>>
    tpu.wait_dma2 semaphore(%arg9 : memref<!tpu.dma_semaphore, #tpu.memory_space<semaphore_mem>>) src(%arg7 : memref<64x512xf32, #tpu.memory_space<vmem>>) dst(%dma_wait3A_1232 : memref<64x512xf32, #tpu.memory_space<hbm>>)
    return
  }
}

module attributes {stable_mosaic.version = 14 : i64} {
  func.func @_mask_body(%arg0: memref<16x2048xi32, #tpu.memory_space<vmem>>, %arg1: memref<16x2048xi32, #tpu.memory_space<vmem>>) attributes {dimension_semantics = [], scalar_prefetch = 0 : i64, scratch_operands = 0 : i64, tpu.core_type = #tpu.core_type<tc>} {
    %get3A = arith.constant 0 : index
    %get3A_0 = arith.constant 0 : index
    %get3A_1 = vector.load %arg0[%get3A, %get3A_0] : memref<16x2048xi32, #tpu.memory_space<vmem>>, vector<16x2048xi32>
    %ne3A = arith.constant 511 : i32
    %ne3A_2 = vector.broadcast %ne3A : i32 to vector<16x2048xi32>
    %ne3A_3 = arith.cmpi ne, %get3A_1, %ne3A_2 : vector<16x2048xi32>
    %swap3A = arith.constant 0 : index
    %swap3A_4 = arith.constant 0 : index
    %swap3A_5 = vector.load %arg1[%swap3A, %swap3A_4] : memref<16x2048xi32, #tpu.memory_space<vmem>>, vector<16x2048xi32>
    %swap3A_6 = arith.extui %ne3A_3 : vector<16x2048xi1> to vector<16x2048xi32>
    %swap3A_7 = arith.constant dense<0> : vector<16x2048xi32>
    %swap3A_8 = arith.cmpi ne, %swap3A_5, %swap3A_7 : vector<16x2048xi32>
    tpu.vector_store %arg1[%swap3A, %swap3A_4], %swap3A_6 {strides = array<i32>} : memref<16x2048xi32, #tpu.memory_space<vmem>>, vector<16x2048xi32>,
    return
  }
}

</mosaic_0001>

<sc_bundles>
// kernel: kernel.4.cloned.1.call-start
scs
__scs_entry_jumppad:
0x0: {  	(pc) =	sbr.rel $0x88, $3  }
0x1: {  	(tag) =	ssettag $0x0;
	lr =	simm.s32 $0x1  }
0x2: {  	[smem:$0x3F9F] =	sst lr;
	_ =	strace $0xD0000000  }
0x3: {  	_ = 	snop  }
0x4: {  	_ = 	snop  }
0x5: {  	_ = 	snop  }
0x6: {  	_ = 	snop  }
0x7: {  	_ = 	snop  }
__scs_overlays_trampoline_lowered:
0x8: {  	[smem:$0x3FAE] =	sst s0  }
0x9: {  	[smem:$0x3FAF] =	sst s1  }
0xa: {  	[smem:$0x3FB0] =	sst s2  }
0xb: {  	[smem:$0x3FB1] =	sst s3  }
0xc: {  	[smem:$0x3FB2] =	sst s4  }
0xd: {  	[smem:$0x3FB3] =	sst s5  }
0xe: {  	[smem:$0x3FB4] =	sst s6  }
0xf: {  	[smem:$0x3FB5] =	sst s7  }
0x10: {  	[smem:$0x3FB6] =	sst s8  }
0x11: {  	[smem:$0x3FB7] =	sst s9;
	s0 =	simm.s32 @!p0 $0x0  }
0x12: {  	s1 =	sld [smem:$0x3F9D];
	s0 =	simm.s32 @p0 $0x1  }
0x13: {  	[smem:$0x3FB8] =	sst s0;
	s0 =	simm.s32 @!p1 $0x0  }
0x14: {  	s2 =	sld [smem:$0x3F9C];
	s0 =	simm.s32 @p1 $0x1  }
0x15: {  	[smem:$0x3FB9] =	sst s0;
	s0 =	simm.s32 @!p2 $0x0  }
0x16: {  	s3 =	sld [smem:$0x3FDB];
	s0 =	simm.s32 @p2 $0x1  }
0x17: {  	s4 =	simm.s32 $0x1BF5;
	[smem:$0x3FBB] =	sst s0  }
0x18: {  	s0 =	sld [smem:$0x3F9E];
	_ =	swait.ge [sflag:s4], $0x0  }
0x19: {  	s7 =	sld [smem:$0x3F9F]  }
0x1a: {  	s8 =	sadd.s32 $0xFFFFE003, lr  }
0x1b: {  	s9 =	sadd.s32 $0xFFFFFEF7, lr;
	s5 =	simm.s32 $0xFFFFFFFF;
	p2 =	slt.u32 s8, $0xFFFFF086  }
0x1c: {  	p1 =	slt.u32 s9, $0xF7A;
	s5 =	simm.s32 @!p2 $0x0  }
0x1d: {  	s5 =	simm.s32 @p1 $0x1;
	p0 =	seq.s32 s7, s2  }
0x1e: {  	s7 =	smul.u32 @!p0 $0xF7A, s2;
	p2 =	seq.s32 @!p0 s5, $0x0  }
0x1f: {  	s9 =	smul.u32 $0xF7A, s1;
	s8 =	simm.s32 @!p0 $0x1BF5;
	p2 =	por !p2, p0  }
0x20: {  	[sflag:s8] =	ssyncset.s32 @!p0 $0xFFFFF086;
	s6 =	sadd.s32 @!p0 s3, s7;
	s7 =	simm.s32 @!p0 $0x108  }
0x21: {  	s3 =	sadd.s32 s3, s9;
	s6 =	sadd.s32 @!p0 $0x88, s6;
	s7 =	simm.s32 @p2 $0x1082  }
0x22: {  	[simem:s7], [sflag:s8] =	dma.local @!p0 [hbm:s6], $0xF7A  }
0x23: {  	s9 =	sor.u32 $0xD0000000, s2;
	s6 =	simm.s32 $0x108;
	_ =	swait.ge @!p0 [sflag:s8], $0x0  }
0x24: {  	s3 =	sadd.s32 $0x88, s3;
	s6 =	simm.s32 @!p1 $0x1082;
	[sflag:s4] =	ssyncset.s32 $0xFFFFF086  }
0x25: {  	[simem:s6], [sflag:s4] =	dma.local [hbm:s3], $0xF7A  }
0x26: {  	[smem:$0x3F9F] =	sst s1;
	(tag) =	ssettag s2;
	_ =	strace s9  }
0x27: {  	s1 =	sld [smem:$0x3FAF]  }
0x28: {  	s2 =	sld [smem:$0x3FB0]  }
0x29: {  	s4 =	sld [smem:$0x3FB2]  }
0x2a: {  	p0 =	seq.s32 s5, $0x0;
	s5 =	sld [smem:$0x3FB3]  }
0x2b: {  	s6 =	sld [smem:$0x3FB4]  }
0x2c: {  	s7 =	sld [smem:$0x3FB5]  }
0x2d: {  	s3 =	simm.s32 $0x108;
	s8 =	sld [smem:$0x3FB6]  }
0x2e: {  	s3 =	simm.s32 @!p0 $0x1082;
	s9 =	sld [smem:$0x3FB7]  }
0x2f: {  	lr =	sadd.s32 s0, s3;
	s0 =	sld [smem:$0x3FAE]  }
0x30: {  	s3 =	sld [smem:$0x3FB1]  }
0x31: {  	[smem:$0x3FBA] =	sst s10  }
0x32: {  	s10 =	sld [smem:$0x3FB8];
	_ =	sdelay $0x3  }
0x33: {  	p0 =	seq.s32 s10, $0x1;
	s10 =	sld [smem:$0x3FBA];
	_ =	sdelay $0x3  }
0x34: {  	[smem:$0x3FBA] =	sst s10  }
0x35: {  	s10 =	sld [smem:$0x3FB9];
	_ =	sdelay $0x3  }
0x36: {  	p1 =	seq.s32 s10, $0x1;
	s10 =	sld [smem:$0x3FBA];
	_ =	sdelay $0x3  }
0x37: {  	[smem:$0x3FBA] =	sst s10  }
0x38: {  	s10 =	sld [smem:$0x3FBB]  }
0x39: {  	_ = 	snop;
	(pc) =	sbr.ind lr, $3  }
0x3a: {  	_ = 	snop  }
0x3b: {  	_ = 	snop  }
0x3c: {  	p2 =	seq.s32 s10, $0x1;
	s10 =	sld [smem:$0x3FBA]  }
0x3d: {  	_ =	shalt  }
0x3e: {  	_ =	shalt  }
0x3f: {  	_ =	shalt  }
0x40: {  	_ =	shalt  }
0x41: {  	_ =	shalt  }
0x42: {  	_ =	shalt  }
0x43: {  	_ =	shalt  }
0x44: {  	_ =	shalt  }
0x45: {  	_ =	shalt  }
0x46: {  	_ =	shalt  }
0x47: {  	_ =	shalt  }
0x48: {  	_ =	shalt  }
0x49: {  	_ =	shalt  }
0x4a: {  	_ =	shalt  }
0x4b: {  	_ =	shalt  }
0x4c: {  	_ =	shalt  }
0x4d: {  	_ =	shalt  }
0x4e: {  	_ =	shalt  }
0x4f: {  	_ =	shalt  }
0x50: {  	_ =	shalt  }
0x51: {  	_ =	shalt  }
0x52: {  	_ =	shalt  }
0x53: {  	_ =	shalt  }
0x54: {  	_ =	shalt  }
0x55: {  	_ =	shalt  }
0x56: {  	_ =	shalt  }
0x57: {  	_ =	shalt  }
0x58: {  	_ =	shalt  }
0x59: {  	_ =	shalt  }
0x5a: {  	_ =	shalt  }
0x5b: {  	_ =	shalt  }
0x5c: {  	_ =	shalt  }
0x5d: {  	_ =	shalt  }
0x5e: {  	_ =	shalt  }
0x5f: {  	_ =	shalt  }
0x60: {  	_ =	shalt  }
0x61: {  	_ =	shalt  }
0x62: {  	_ =	shalt  }
0x63: {  	_ =	shalt  }
0x64: {  	_ =	shalt  }
0x65: {  	_ =	shalt  }
0x66: {  	_ =	shalt  }
0x67: {  	_ =	shalt  }
0x68: {  	_ =	shalt  }
0x69: {  	_ =	shalt  }
0x6a: {  	_ =	shalt  }
0x6b: {  	_ =	shalt  }
0x6c: {  	_ =	shalt  }
0x6d: {  	_ =	shalt  }
0x6e: {  	_ =	shalt  }
0x6f: {  	_ =	shalt  }
0x70: {  	_ =	shalt  }
0x71: {  	_ =	shalt  }
0x72: {  	_ =	shalt  }
0x73: {  	_ =	shalt  }
0x74: {  	_ =	shalt  }
0x75: {  	_ =	shalt  }
0x76: {  	_ =	shalt  }
0x77: {  	_ =	shalt  }
0x78: {  	_ =	shalt  }
0x79: {  	_ =	shalt  }
0x7a: {  	_ =	shalt  }
0x7b: {  	_ =	shalt  }
0x7c: {  	_ =	shalt  }
0x7d: {  	_ =	shalt  }
0x7e: {  	_ =	shalt  }
0x7f: {  	_ =	shalt  }
0x80: {  	_ =	shalt  }
0x81: {  	_ =	shalt  }
0x82: {  	_ =	shalt  }
0x83: {  	_ =	shalt  }
0x84: {  	_ =	shalt  }
0x85: {  	_ =	shalt  }
0x86: {  	_ =	shalt  }
0x87: {  	_ =	shalt  }
.Lfunc_end0:
.L_simem_size_0:
called_computation_lowered:
.L_overlay_start_0:
0x88: {  	s2 =	sld [smem:$0x3FD9]  }
0x89: {  	s3 =	sld [smem:$0x3FFE];
	_ =	sdelay $0x1  }
0x8a: {  	s1 =	srdreg.scid  }
0x8b: {  	s0 =	sand.u32 $0x1, s1  }
0x8c: {  	s14 =	sshll.u32 s0, $0xA;
	s2 =	sadd.s32 s3, s2  }
0x8d: {  	s2 =	sadd.s32 s2, s14  }
0x8e: {  	[smem:$0x3FC6] =	sst s2  }
0x8f: {  	_ = 	snop  }
0x90: {  	s2 =	sld [smem:$0x3FD0];
	_ =	sdelay $0x2  }
0x91: {  	s4 =	simm.s32 $0xA;
	s5 =	simm.s32 $0x10;
	s15 =	sld [smem:$0x3FC9]  }
0x92: {  	[smem:s5], [sflag:s4] =	dma.local [hbm:s2], $0x1  }
0x93: {  	_ =	swait.eq [sflag:s4], $0x1  }
0x94: {  	[sflag:s4] =	ssyncset.done $0x0  }
0x95: {  	[sflag:s4] =	ssyncadd.s32 $0xFFFFFFFF  }
0x96: {  	s16 =	sld [smem:$0x10];
	(tm) =	ssettm $0x1  }
0x97: {  	s17 =	sld [smem:$0x3FFB];
	_ =	sdelay $0x3  }
0x98: {  	_ =	strace s17  }
0x99: {  	s4 =	sld [smem:$0x3FFC];
	_ =	sdelay $0x3  }
0x9a: {  	_ =	strace s4  }
0x9b: {  	s4 =	sld [smem:$0x3FFD];
	_ =	sdelay $0x3  }
0x9c: {  	_ =	strace s4  }
0x9d: {  	_ =	strace $0x8FFFFFFF  }
0x9e: {  	s18 =	sld [smem:$0x3FDB];
	_ =	sdelay $0x1  }
0x9f: {  	s19 =	simm.s32 $_scs_section_size  }
0xa0: {  	s6 =	simm.s32 $_size__tile_overlayer_lowered;
	s7 =	simm.s32 $_tile_overlayer_lowered  }
0xa1: {  	s22 =	simm.s32 $0x1BFF;
	s21 =	sshll.u32 s7, $0x1;
	s4 =	sadd.s32 s19, s18  }
0xa2: {  	s8 =	simm.s32 $0x0;
	s20 =	sshll.u32 s6, $0x1;
	s6 =	sadd.s32 s21, s4  }
0xa3: {  	[timem:s8], [sflag:s22] =	dma.local [hbm:s6], s20  }
0xa4: {  	_ =	swait.ge [sflag:s22], s20  }
0xa5: {  	s5 =	ssub.s32 $0x0, s20;
	[sflag:s22] =	ssyncset.done $0x0  }
0xa6: {  	[sflag:s22] =	ssyncadd.s32 s5;
	_ =	sdelay $0x1  }
0xa7: {  	s23 =	simm.s32 $0x1B8B  }
0xa8: {  	_ =	swait.ge [sflag:s23], $0x1  }
0xa9: {  	[sflag:s23] =	ssyncset.done $0x0  }
0xaa: {  	s25 =	simm.s32 $0x1B8E;
	s24 =	sld [smem:$0x3FFE];
	[sflag:s23] =	ssyncadd.s32 $0xFFFFFFFF  }
0xab: {  	s26 =	simm.s32 $execute0_lowered;
	[smem:$0x3FD2] =	sst s25  }
0xac: {  	s6 =	sshll.u32 s26, $0x1;
	_ =	strace $0x80000046;
	[dreg:$0x1] =	wrdreg $0xFFFFFFFF  }
0xad: {  	s28 =	simm.s32 $_size_execute0_lowered;
	s4 =	sadd.s32 s4, s6;
	[dreg:$0x0] =	wrdreg $0x0  }
0xae: {  	s6 =	sshll.u32 s28, $0x1;
	[dreg:$0x2] =	wrdreg s4  }
0xaf: {  	[dreg:$0x3] =	wrdreg s6  }
0xb0: {  	[dreg:$0x4] =	wrdreg $0xC0  }
0xb1: {  	_ =	task [dreg:s8], $0x5FFFF  }
0xb2: {  	[dreg:$0x1] =	wrdreg $0xFFFFFFFF  }
0xb3: {  	[dreg:$0x0] =	wrdreg $0x60  }
0xb4: {  	[dreg:$0x2] =	wrdreg s15  }
0xb5: {  	[dreg:$0x3] =	wrdreg s24  }
0xb6: {  	[dreg:$0x4] =	wrdreg s16  }
0xb7: {  	[dreg:$0x5] =	wrdreg $0x9  }
0xb8: {  	_ =	task.clear_ibuf [dreg:s8], $0x6FFFF;
	_ =	strace $0x90000046  }
0xb9: {  	s29 =	simm.s32 $0x9;
	_ =	strace $0x80000048  }
0xba: {  	_ =	swait.ge [sflag:s29], $0x1  }
0xbb: {  	[sflag:s29] =	ssyncadd.s32 $0xFFFFFFFF  }
0xbc: {  	_ =	strace $0x90000048  }
0xbd: {  	_ =	sfence  }
0xbe: {  	s30 =	sld [smem:$0x0];
	_ =	sdelay $0x2  }
0xbf: {  	s31 =	sshll.u32 s1, $0xD;
	s1 =	sshrl.u32 s1, $0x2  }
0xc0: {  	s3 =	sand.u32 $0x4000, s31;
	s1 =	sadd.s32 s1, s30  }
0xc1: {  	s0 =	sor.u32 s3, s0;
	s1 =	sshll.u32 s1, $0x11  }
0xc2: {  	s0 =	sor.u32 s1, s0  }
0xc3: {  	s0 =	sadd.s32 $0x8F2B, s0  }
0xc4: {  	[sflag:s0] =	ssyncadd.remote.s32 $0x1  }
0xc5: {  	_ =	sfence.sel $0xFFFF  }
0xc6: {  	[dreg:$0x0] =	wrdreg $0xFFFFFFFF;
	(pc) =	sbr.abs _section_cstart, $3  }
0xc7: {  	[dreg:$0x1] =	wrdreg $0xFFFFFFFF  }
0xc8: {  	_ =	task.clear_ibuf [dreg:s8], $0x2FFFF;
	_ =	strace $0x9FFFFFFF  }
0xc9: {  	(tm) =	ssettm $0x7FFFFFFF  }
tec
execute0_lowered:
.L_overlay_start_1:
0x0: {  	(tag) =	ssettag $0x1  }
0x1: {  	s1 =	rddreg [dreg:$0x0]  }
0x2: {  	s0 =	srdreg.scid;
	s7 =	stileid.u32  }
0x3: {  	s2 =	rddreg [dreg:$0x1];
	s0 =	sand.u32 $0x1, s0;
	s3 =	sshll.u32 s7, $0x1  }
0x4: {  	s4 =	rddreg [dreg:$0x2];
	s5 =	sor.u32 s0, s3  }
0x5: {  	s3 =	simm.s32 $0x0;
	s6 =	sshll.u32 s5, $0x8;
	s13 =	sshll.u32 s5, $0x10  }
0x6: {  	[smem:$0x7FF] =	sst s3;
	s2 =	sadd.s32 s6, s2;
	s8 =	sadd.s32 s4, s13  }
0x7: {  	_ =	strace $0x80000047;
	s2 =	sadd.s32 $0x600, s2;
	[dreg:$0x14] =	wrdreg s8  }
0x8: {  	s16 =	ssub.s32 $0x2, s0;
	s14 =	sadd.s32 $0x1000, s8;
	[dreg:$0x4] =	wrdreg s2  }
0x9: {  	p1 =	seq.s32 s0, $0x1;
	s15 =	sadd.s32 $0x2000, s8;
	[dreg:$0x5] =	wrdreg s14  }
0xa: {  	s18 =	sshrl.u32 s16, $0x1;
	s17 =	sadd.s32 $0x3000, s8;
	[dreg:$0x6] =	wrdreg s15  }
0xb: {  	p0 =	seq.s32 s5, $0x0;
	s19 =	sadd.s32 $0x4000, s8;
	[dreg:$0x7] =	wrdreg s17  }
0xc: {  	s5 =	simm.s32 $0x1;
	s20 =	sadd.s32 $0x5000, s8;
	[dreg:$0x8] =	wrdreg s19  }
0xd: {  	s4 =	ssub.s32 s16, s18;
	s21 =	sadd.s32 $0x6000, s8;
	[dreg:$0x9] =	wrdreg s20  }
0xe: {  	p0 =	por !p0, !p1;
	s22 =	sadd.s32 $0x7000, s8;
	[dreg:$0xa] =	wrdreg s21  }
0xf: {  	s6 =	sadd.s32 $0x100, s1;
	s23 =	sadd.s32 $0x8000, s8;
	[dreg:$0xb] =	wrdreg s22  }
0x10: {  	s16 =	simm.s32 $0x2;
	s24 =	sadd.s32 $0x9000, s8;
	[dreg:$0xc] =	wrdreg s23  }
0x11: {  	p0 =	por !p0, !p0;
	s25 =	sadd.s32 $0xA000, s8;
	[dreg:$0xd] =	wrdreg s24  }
0x12: {  	s26 =	sadd.s32 $0xB000, s8;
	s28 =	sadd.s32 $0xC000, s8;
	[dreg:$0xe] =	wrdreg s25  }
0x13: {  	s29 =	sadd.s32 $0xD000, s8;
	s2 =	simm.s32 $0x1;
	[dreg:$0xf] =	wrdreg s26  }
0x14: {  	s30 =	sadd.s32 $0xE000, s8;
	[dreg:$0x10] =	wrdreg s28;
	s2 =	simm.s32 @!p0 $0x0  }
0x15: {  	v3 =	vlaneseq.u32;
	s31 =	sadd.s32 $0xF000, s8;
	[dreg:$0x11] =	wrdreg s29;
	s2 =	ssub.s32 s7, s2  }
0x16: {  	vm0 =	vmmov $0xffff;
	v1 =	vand.u32 $0x7, v3;
	v2 =	vshrl.u32 v3, $0x3;
	s0 =	smax.u32 s4, $0x1;
	[dreg:$0x12] =	wrdreg s30;
	s2 =	sshll.u32 s2, $0x9  }
0x17: {  	v3 =	vor.u32 $0x8, v3;
	v2 =	vmul.u32 $0x8, v2;
	[dreg:$0x13] =	wrdreg s31;
	s25 =	simm.s32 $0x800;
	v0 =	vmov s2;
	s2 =	simm.s32 $0x8800  }
.LBB2_1:
0x18: {  	[dreg:$0x15] =	wrdreg s0  }
0x19: {  	s17 =	rddreg [dreg:$0x4];
	s8 =	simm.s32 $0x3  }
0x1a: {  	[tilespmem:s3], [sflag:$0x3] =	stream.linear.gather [hbm4b:s17+s3], $0x800, $0x38;
	[tilespmem:$0x10800] =	vst v63  }
0x1b: {  	_ =	swait.ge [sflag:s8], $0x800  }
0x1c: {  	[sflag:s8] =	ssyncset.done $0x0  }
0x1d: {  	[sflag:s8] =	ssyncadd.s32 $0xFFFFF800  }
0x1e: {  	v4 =	vld [tilespmem:$0x0]  }
0x1f: {  	v6 =	vld [tilespmem:$0x10]  }
0x20: {  	v7 =	vld [tilespmem:$0x20]  }
0x21: {  	v8 =	vld [tilespmem:$0x30]  }
0x22: {  	v9 =	vld [tilespmem:$0x80]  }
0x23: {  	v10 =	vld [tilespmem:$0x90];
	v5 =	vadd.s32 v0, v4  }
0x24: {  	v11 =	vld [tilespmem:$0xA0];
	v6 =	vadd.s32 v0, v6;
	[tilespmem:$0x0] =	vst v5  }
0x25: {  	v56 =	vld [tilespmem:$0xB0];
	v55 =	vadd.s32 v0, v7;
	[tilespmem:$0x10] =	vst v6  }
0x26: {  	v58 =	vld [tilespmem:$0x100];
	v57 =	vadd.s32 v0, v8;
	[tilespmem:$0x20] =	vst v55  }
0x27: {  	v60 =	vld [tilespmem:$0x110];
	v59 =	vadd.s32 v0, v9;
	[tilespmem:$0x30] =	vst v57  }
0x28: {  	v62 =	vld [tilespmem:$0x120];
	v61 =	vadd.s32 v0, v10;
	[tilespmem:$0x80] =	vst v59  }
0x29: {  	v12 =	vld [tilespmem:$0x130];
	v63 =	vadd.s32 v0, v11;
	[tilespmem:$0x90] =	vst v61  }
0x2a: {  	v14 =	vld [tilespmem:$0x180];
	v13 =	vadd.s32 v0, v56;
	[tilespmem:$0xA0] =	vst v63  }
0x2b: {  	v16 =	vld [tilespmem:$0x190];
	v15 =	vadd.s32 v0, v58;
	[tilespmem:$0xB0] =	vst v13  }
0x2c: {  	v18 =	vld [tilespmem:$0x1A0];
	v17 =	vadd.s32 v0, v60;
	[tilespmem:$0x100] =	vst v15  }
0x2d: {  	v20 =	vld [tilespmem:$0x1B0];
	v19 =	vadd.s32 v0, v62;
	[tilespmem:$0x110] =	vst v17  }
0x2e: {  	v22 =	vld [tilespmem:$0x200];
	v21 =	vadd.s32 v0, v12;
	[tilespmem:$0x120] =	vst v19  }
0x2f: {  	v24 =	vld [tilespmem:$0x210];
	v23 =	vadd.s32 v0, v14;
	[tilespmem:$0x130] =	vst v21  }
0x30: {  	v26 =	vld [tilespmem:$0x220];
	v25 =	vadd.s32 v0, v16;
	[tilespmem:$0x180] =	vst v23  }
0x31: {  	v28 =	vld [tilespmem:$0x230];
	v27 =	vadd.s32 v0, v18;
	[tilespmem:$0x190] =	vst v25  }
0x32: {  	v30 =	vld [tilespmem:$0x280];
	v29 =	vadd.s32 v0, v20;
	[tilespmem:$0x1A0] =	vst v27  }
0x33: {  	v31 =	vadd.s32 v0, v22;
	[tilespmem:$0x1B0] =	vst v29  }
0x34: {  	v32 =	vadd.s32 v0, v24;
	[tilespmem:$0x200] =	vst v31  }
0x35: {  	v33 =	vadd.s32 v0, v26;
	[tilespmem:$0x210] =	vst v32  }
0x36: {  	v34 =	vadd.s32 v0, v28;
	[tilespmem:$0x220] =	vst v33  }
0x37: {  	v36 =	vld [tilespmem:$0x290];
	v35 =	vadd.s32 v0, v30;
	[tilespmem:$0x230] =	vst v34  }
0x38: {  	v37 =	vld [tilespmem:$0x2A0];
	[tilespmem:$0x280] =	vst v35  }
0x39: {  	v38 =	vld [tilespmem:$0x2B0]  }
0x3a: {  	v39 =	vld [tilespmem:$0x300]  }
0x3b: {  	v40 =	vld [tilespmem:$0x310]  }
0x3c: {  	v6 =	vadd.s32 v0, v36;
	v41 =	vld [tilespmem:$0x320]  }
0x3d: {  	v42 =	vadd.s32 v0, v37;
	[tilespmem:$0x290] =	vst v6;
	v43 =	vld [tilespmem:$0x330]  }
0x3e: {  	[tilespmem:$0x2A0] =	vst v42;
	v45 =	vld [tilespmem:$0x380];
	v44 =	vadd.s32 v0, v38  }
0x3f: {  	v47 =	vld [tilespmem:$0x390];
	v46 =	vadd.s32 v0, v39;
	[tilespmem:$0x2B0] =	vst v44  }
0x40: {  	v49 =	vld [tilespmem:$0x3A0];
	v48 =	vadd.s32 v0, v40;
	[tilespmem:$0x300] =	vst v46  }
0x41: {  	v51 =	vld [tilespmem:$0x3B0];
	v50 =	vadd.s32 v0, v41;
	[tilespmem:$0x310] =	vst v48  }
0x42: {  	v53 =	vld [tilespmem:$0x400];
	v52 =	vadd.s32 v0, v43;
	[tilespmem:$0x320] =	vst v50  }
0x43: {  	v55 =	vld [tilespmem:$0x410];
	v54 =	vadd.s32 v0, v45;
	[tilespmem:$0x330] =	vst v52  }
0x44: {  	v57 =	vld [tilespmem:$0x420];
	v56 =	vadd.s32 v0, v47;
	[tilespmem:$0x380] =	vst v54  }
0x45: {  	v59 =	vld [tilespmem:$0x430];
	v58 =	vadd.s32 v0, v49;
	[tilespmem:$0x390] =	vst v56  }
0x46: {  	v61 =	vld [tilespmem:$0x480];
	v60 =	vadd.s32 v0, v51;
	[tilespmem:$0x3A0] =	vst v58  }
0x47: {  	v63 =	vld [tilespmem:$0x490];
	v62 =	vadd.s32 v0, v53;
	[tilespmem:$0x3B0] =	vst v60  }
0x48: {  	v13 =	vld [tilespmem:$0x4A0];
	v12 =	vadd.s32 v0, v55;
	[tilespmem:$0x400] =	vst v62  }
0x49: {  	v15 =	vld [tilespmem:$0x4B0];
	v14 =	vadd.s32 v0, v57;
	[tilespmem:$0x410] =	vst v12  }
0x4a: {  	v17 =	vld [tilespmem:$0x500];
	v16 =	vadd.s32 v0, v59;
	[tilespmem:$0x420] =	vst v14  }
0x4b: {  	v19 =	vld [tilespmem:$0x510];
	v18 =	vadd.s32 v0, v61;
	[tilespmem:$0x430] =	vst v16  }
0x4c: {  	v21 =	vld [tilespmem:$0x520];
	v20 =	vadd.s32 v0, v63;
	[tilespmem:$0x480] =	vst v18  }
0x4d: {  	v23 =	vld [tilespmem:$0x530];
	v22 =	vadd.s32 v0, v13;
	[tilespmem:$0x490] =	vst v20  }
0x4e: {  	v25 =	vld [tilespmem:$0x580];
	v24 =	vadd.s32 v0, v15;
	[tilespmem:$0x4A0] =	vst v22  }
0x4f: {  	v27 =	vld [tilespmem:$0x590];
	v26 =	vadd.s32 v0, v17;
	[tilespmem:$0x4B0] =	vst v24  }
0x50: {  	v29 =	vld [tilespmem:$0x5A0];
	v28 =	vadd.s32 v0, v19;
	[tilespmem:$0x500] =	vst v26  }
0x51: {  	v31 =	vld [tilespmem:$0x5B0];
	v30 =	vadd.s32 v0, v21;
	[tilespmem:$0x510] =	vst v28  }
0x52: {  	v33 =	vld [tilespmem:$0x600];
	v32 =	vadd.s32 v0, v23;
	[tilespmem:$0x520] =	vst v30  }
0x53: {  	v35 =	vld [tilespmem:$0x610];
	v34 =	vadd.s32 v0, v25;
	[tilespmem:$0x530] =	vst v32  }
0x54: {  	v37 =	vld [tilespmem:$0x620];
	v36 =	vadd.s32 v0, v27;
	[tilespmem:$0x580] =	vst v34  }
0x55: {  	v38 =	vadd.s32 v0, v29;
	v39 =	vld [tilespmem:$0x630];
	[tilespmem:$0x590] =	vst v36  }
0x56: {  	v40 =	vadd.s32 v0, v31;
	v41 =	vld [tilespmem:$0x680];
	[tilespmem:$0x5A0] =	vst v38  }
0x57: {  	v42 =	vadd.s32 v0, v33;
	v43 =	vld [tilespmem:$0x690];
	[tilespmem:$0x5B0] =	vst v40  }
0x58: {  	v45 =	vld [tilespmem:$0x6A0];
	[tilespmem:$0x600] =	vst v42;
	v44 =	vadd.s32 v0, v35  }
0x59: {  	v47 =	vld [tilespmem:$0x6B0];
	v46 =	vadd.s32 v0, v37;
	[tilespmem:$0x610] =	vst v44  }
0x5a: {  	v49 =	vld [tilespmem:$0x700];
	[tilespmem:$0x620] =	vst v46;
	v48 =	vadd.s32 v0, v39  }
0x5b: {  	v51 =	vld [tilespmem:$0x710];
	v50 =	vadd.s32 v0, v41;
	[tilespmem:$0x630] =	vst v48  }
0x5c: {  	v53 =	vld [tilespmem:$0x720];
	v52 =	vadd.s32 v0, v43;
	[tilespmem:$0x680] =	vst v50  }
0x5d: {  	v55 =	vld [tilespmem:$0x730];
	v54 =	vadd.s32 v0, v45;
	[tilespmem:$0x690] =	vst v52  }
0x5e: {  	v5 =	vshll.u32 v5, $0x2;
	v57 =	vld [tilespmem:$0x780];
	v56 =	vadd.s32 v0, v47;
	[tilespmem:$0x6A0] =	vst v54  }
0x5f: {  	v4 =	vand.u32 $0x7, v4;
	v5 =	vand.u32 $0xFFFFFFE0, v5;
	v59 =	vld [tilespmem:$0x790];
	v58 =	vadd.s32 v0, v49;
	[tilespmem:$0x6B0] =	vst v56  }
0x60: {  	v4 =	vor.u32 v4, v5;
	v61 =	vld [tilespmem:$0x7A0];
	v60 =	vadd.s32 v0, v51;
	[tilespmem:$0x700] =	vst v58  }
0x61: {  	v63 =	vperm.xlane v4, v1;
	v62 =	vld [tilespmem:$0x7B0];
	v5 =	vadd.s32 v0, v53;
	[tilespmem:$0x710] =	vst v60  }
0x62: {  	[tilespmem:$0x720] =	vst v5;
	v5 =	vadd.s32 v0, v55  }
0x63: {  	v8 =	vadd.s32 v2, v63;
	[tilespmem:$0x730] =	vst v5;
	v5 =	vadd.s32 v0, v57  }
0x64: {  	[tilespmem:$0x780] =	vst v5;
	v5 =	vadd.s32 v0, v59  }
0x65: {  	v4 =	vperm.xlane v4, v3;
	[tilespmem:$0x790] =	vst v5;
	v5 =	vadd.s32 v0, v61  }
0x66: {  	[tilespmem:$0x7A0] =	vst v5;
	v5 =	vadd.s32 v0, v62  }
0x67: {  	v4 =	vadd.s32 v2, v4;
	[tilespmem:$0x7B0] =	vst v5  }
0x68: {  	[tilespmem:s25], [sflag:$0x1] =	stream.indirect_vreg.gather [hbm4b:s1+s3], $0x80, v8, vm0, $0xb8;
	[tilespmem:$0x10800] =	vst v63  }
0x69: {  	s9 =	simm.s32 $0x1000  }
0x6a: {  	[tilespmem:s9], [sflag:$0x1] =	stream.indirect_vreg.gather [hbm4b:s6+s3], $0x80, v8, vm0, $0xb8;
	[tilespmem:$0x10800] =	vst v63  }
0x6b: {  	s10 =	simm.s32 $0x1800  }
0x6c: {  	[tilespmem:s10], [sflag:$0x1] =	stream.indirect_vreg.gather [hbm4b:s1+s3], $0x80, v4, vm0, $0xb8;
	[tilespmem:$0x10800] =	vst v63  }
0x6d: {  	s12 =	simm.s32 $0x2000  }
0x6e: {  	[tilespmem:s12], [sflag:$0x1] =	stream.indirect_vreg.gather [hbm4b:s6+s3], $0x80, v4, vm0, $0xb8;
	[tilespmem:$0x10800] =	vst v63  }
0x6f: {  	v4 =	vld [tilespmem:$0x10];
	_ =	sdelay $0x4  }
0x70: {  	v5 =	vshll.u32 v4, $0x2  }
0x71: {  	v4 =	vand.u32 $0x7, v4;
	v5 =	vand.u32 $0xFFFFFFE0, v5  }
0x72: {  	v4 =	vor.u32 v4, v5  }
0x73: {  	v5 =	vperm.xlane v4, v1;
	_ =	sdelay $0x1  }
0x74: {  	v5 =	vadd.s32 v2, v5;
	_ =	sdelay $0x1  }
0x75: {  	v4 =	vperm.xlane v4, v3;
	_ =	sdelay $0x1  }
0x76: {  	s14 =	simm.s32 $0x2800;
	v4 =	vadd.s32 v2, v4  }
0x77: {  	[tilespmem:s14], [sflag:$0x1] =	stream.indirect_vreg.gather [hbm4b:s1+s3], $0x80, v5, vm0, $0xb8;
	[tilespmem:$0x10800] =	vst v63  }
0x78: {  	s15 =	simm.s32 $0x3000  }
0x79: {  	[tilespmem:s15], [sflag:$0x1] =	stream.indirect_vreg.gather [hbm4b:s6+s3], $0x80, v5, vm0, $0xb8;
	[tilespmem:$0x10800] =	vst v63  }
0x7a: {  	s17 =	simm.s32 $0x3800  }
0x7b: {  	[tilespmem:s17], [sflag:$0x1] =	stream.indirect_vreg.gather [hbm4b:s1+s3], $0x80, v4, vm0, $0xb8;
	[tilespmem:$0x10800] =	vst v63  }
0x7c: {  	s18 =	simm.s32 $0x4000  }
0x7d: {  	[tilespmem:s18], [sflag:$0x1] =	stream.indirect_vreg.gather [hbm4b:s6+s3], $0x80, v4, vm0, $0xb8;
	[tilespmem:$0x10800] =	vst v63  }
0x7e: {  	v4 =	vld [tilespmem:$0x20];
	_ =	sdelay $0x4  }
0x7f: {  	v5 =	vshll.u32 v4, $0x2  }
0x80: {  	v4 =	vand.u32 $0x7, v4;
	v5 =	vand.u32 $0xFFFFFFE0, v5  }
0x81: {  	v4 =	vor.u32 v4, v5  }
0x82: {  	v5 =	vperm.xlane v4, v1;
	_ =	sdelay $0x1  }
0x83: {  	v5 =	vadd.s32 v2, v5;
	_ =	sdelay $0x1  }
0x84: {  	v4 =	vperm.xlane v4, v3;
	_ =	sdelay $0x1  }
0x85: {  	s19 =	simm.s32 $0x4800;
	v4 =	vadd.s32 v2, v4  }
0x86: {  	[tilespmem:s19], [sflag:$0x1] =	stream.indirect_vreg.gather [hbm4b:s1+s3], $0x80, v5, vm0, $0xb8;
	[tilespmem:$0x10800] =	vst v63  }
0x87: {  	s20 =	simm.s32 $0x5000  }
0x88: {  	[tilespmem:s20], [sflag:$0x1] =	stream.indirect_vreg.gather [hbm4b:s6+s3], $0x80, v5, vm0, $0xb8;
	[tilespmem:$0x10800] =	vst v63  }
0x89: {  	s22 =	simm.s32 $0x5800  }
0x8a: {  	[tilespmem:s22], [sflag:$0x1] =	stream.indirect_vreg.gather [hbm4b:s1+s3], $0x80, v4, vm0, $0xb8;
	[tilespmem:$0x10800] =	vst v63  }
0x8b: {  	s23 =	simm.s32 $0x6000  }
0x8c: {  	[tilespmem:s23], [sflag:$0x1] =	stream.indirect_vreg.gather [hbm4b:s6+s3], $0x80, v4, vm0, $0xb8;
	[tilespmem:$0x10800] =	vst v63  }
0x8d: {  	v4 =	vld [tilespmem:$0x30];
	_ =	sdelay $0x4  }
0x8e: {  	v5 =	vshll.u32 v4, $0x2  }
0x8f: {  	v4 =	vand.u32 $0x7, v4;
	v5 =	vand.u32 $0xFFFFFFE0, v5  }
0x90: {  	v4 =	vor.u32 v4, v5  }
0x91: {  	v5 =	vperm.xlane v4, v1;
	_ =	sdelay $0x1  }
0x92: {  	v5 =	vadd.s32 v2, v5;
	_ =	sdelay $0x1  }
0x93: {  	v4 =	vperm.xlane v4, v3;
	_ =	sdelay $0x1  }
0x94: {  	s26 =	simm.s32 $0x6800;
	v4 =	vadd.s32 v2, v4  }
0x95: {  	[tilespmem:s26], [sflag:$0x1] =	stream.indirect_vreg.gather [hbm4b:s1+s3], $0x80, v5, vm0, $0xb8;
	[tilespmem:$0x10800] =	vst v63  }
0x96: {  	s28 =	simm.s32 $0x7000  }
0x97: {  	[tilespmem:s28], [sflag:$0x1] =	stream.indirect_vreg.gather [hbm4b:s6+s3], $0x80, v5, vm0, $0xb8;
	[tilespmem:$0x10800] =	vst v63  }
0x98: {  	s29 =	simm.s32 $0x7800  }
0x99: {  	[tilespmem:s29], [sflag:$0x1] =	stream.indirect_vreg.gather [hbm4b:s1+s3], $0x80, v4, vm0, $0xb8;
	[tilespmem:$0x10800] =	vst v63  }
0x9a: {  	s30 =	simm.s32 $0x8000  }
0x9b: {  	[tilespmem:s30], [sflag:$0x1] =	stream.indirect_vreg.gather [hbm4b:s6+s3], $0x80, v4, vm0, $0xb8;
	[tilespmem:$0x10800] =	vst v63  }
0x9c: {  	v4 =	vld [tilespmem:$0x80];
	_ =	sdelay $0x4  }
0x9d: {  	v5 =	vshll.u32 v4, $0x2  }
0x9e: {  	v4 =	vand.u32 $0x7, v4;
	v5 =	vand.u32 $0xFFFFFFE0, v5  }
0x9f: {  	v4 =	vor.u32 v4, v5  }
0xa0: {  	v5 =	vperm.xlane v4, v1;
	_ =	sdelay $0x1  }
0xa1: {  	v5 =	vadd.s32 v2, v5;
	_ =	sdelay $0x1  }
0xa2: {  	v4 =	vperm.xlane v4, v3;
	_ =	sdelay $0x1  }
0xa3: {  	v4 =	vadd.s32 v2, v4  }
0xa4: {  	[tilespmem:s2], [sflag:$0x1] =	stream.indirect_vreg.gather [hbm4b:s1+s3], $0x80, v5, vm0, $0xb8;
	[tilespmem:$0x10800] =	vst v63  }
0xa5: {  	s31 =	simm.s32 $0x9000  }
0xa6: {  	[tilespmem:s31], [sflag:$0x1] =	stream.indirect_vreg.gather [hbm4b:s6+s3], $0x80, v5, vm0, $0xb8;
	[tilespmem:$0x10800] =	vst v63  }
0xa7: {  	s4 =	simm.s32 $0x9800  }
0xa8: {  	[tilespmem:s4], [sflag:$0x1] =	stream.indirect_vreg.gather [hbm4b:s1+s3], $0x80, v4, vm0, $0xb8;
	[tilespmem:$0x10800] =	vst v63  }
0xa9: {  	s7 =	simm.s32 $0xA000  }
0xaa: {  	[tilespmem:s7], [sflag:$0x1] =	stream.indirect_vreg.gather [hbm4b:s6+s3], $0x80, v4, vm0, $0xb8;
	[tilespmem:$0x10800] =	vst v63  }
0xab: {  	v4 =	vld [tilespmem:$0x90];
	_ =	sdelay $0x4  }
0xac: {  	v5 =	vshll.u32 v4, $0x2  }
0xad: {  	v4 =	vand.u32 $0x7, v4;
	v5 =	vand.u32 $0xFFFFFFE0, v5  }
0xae: {  	v4 =	vor.u32 v4, v5  }
0xaf: {  	v5 =	vperm.xlane v4, v1;
	_ =	sdelay $0x1  }
0xb0: {  	v5 =	vadd.s32 v2, v5;
	_ =	sdelay $0x1  }
0xb1: {  	v4 =	vperm.xlane v4, v3;
	_ =	sdelay $0x1  }
0xb2: {  	s8 =	simm.s32 $0xA800;
	v4 =	vadd.s32 v2, v4  }
0xb3: {  	[tilespmem:s8], [sflag:$0x1] =	stream.indirect_vreg.gather [hbm4b:s1+s3], $0x80, v5, vm0, $0xb8;
	[tilespmem:$0x10800] =	vst v63  }
0xb4: {  	s9 =	simm.s32 $0xB000  }
0xb5: {  	[tilespmem:s9], [sflag:$0x1] =	stream.indirect_vreg.gather [hbm4b:s6+s3], $0x80, v5, vm0, $0xb8;
	[tilespmem:$0x10800] =	vst v63  }
0xb6: {  	s12 =	simm.s32 $0xB800  }
0xb7: {  	[tilespmem:s12], [sflag:$0x1] =	stream.indirect_vreg.gather [hbm4b:s1+s3], $0x80, v4, vm0, $0xb8;
	[tilespmem:$0x10800] =	vst v63  }
0xb8: {  	s17 =	simm.s32 $0xC000  }
0xb9: {  	[tilespmem:s17], [sflag:$0x1] =	stream.indirect_vreg.gather [hbm4b:s6+s3], $0x80, v4, vm0, $0xb8;
	[tilespmem:$0x10800] =	vst v63  }
0xba: {  	v4 =	vld [tilespmem:$0xA0];
	_ =	sdelay $0x4  }
0xbb: {  	v5 =	vshll.u32 v4, $0x2  }
0xbc: {  	v4 =	vand.u32 $0x7, v4;
	v5 =	vand.u32 $0xFFFFFFE0, v5  }
0xbd: {  	v4 =	vor.u32 v4, v5  }
0xbe: {  	v5 =	vperm.xlane v4, v1;
	_ =	sdelay $0x1  }
0xbf: {  	v5 =	vadd.s32 v2, v5;
	_ =	sdelay $0x1  }
0xc0: {  	v4 =	vperm.xlane v4, v3;
	_ =	sdelay $0x1  }
0xc1: {  	s18 =	simm.s32 $0xC800;
	v4 =	vadd.s32 v2, v4  }
0xc2: {  	[tilespmem:s18], [sflag:$0x1] =	stream.indirect_vreg.gather [hbm4b:s1+s3], $0x80, v5, vm0, $0xb8;
	[tilespmem:$0x10800] =	vst v63  }
0xc3: {  	s19 =	simm.s32 $0xD000  }
0xc4: {  	[tilespmem:s19], [sflag:$0x1] =	stream.indirect_vreg.gather [hbm4b:s6+s3], $0x80, v5, vm0, $0xb8;
	[tilespmem:$0x10800] =	vst v63  }
0xc5: {  	s22 =	simm.s32 $0xD800  }
0xc6: {  	[tilespmem:s22], [sflag:$0x1] =	stream.indirect_vreg.gather [hbm4b:s1+s3], $0x80, v4, vm0, $0xb8;
	[tilespmem:$0x10800] =	vst v63  }
0xc7: {  	s23 =	simm.s32 $0xE000  }
0xc8: {  	[tilespmem:s23], [sflag:$0x1] =	stream.indirect_vreg.gather [hbm4b:s6+s3], $0x80, v4, vm0, $0xb8;
	[tilespmem:$0x10800] =	vst v63  }
0xc9: {  	v4 =	vld [tilespmem:$0xB0];
	_ =	sdelay $0x4  }
0xca: {  	v5 =	vshll.u32 v4, $0x2  }
0xcb: {  	v4 =	vand.u32 $0x7, v4;
	v5 =	vand.u32 $0xFFFFFFE0, v5  }
0xcc: {  	v4 =	vor.u32 v4, v5  }
0xcd: {  	v5 =	vperm.xlane v4, v1;
	_ =	sdelay $0x1  }
0xce: {  	v5 =	vadd.s32 v2, v5;
	_ =	sdelay $0x1  }
0xcf: {  	v4 =	vperm.xlane v4, v3;
	_ =	sdelay $0x1  }
0xd0: {  	s26 =	simm.s32 $0xE800;
	v4 =	vadd.s32 v2, v4  }
0xd1: {  	[tilespmem:s26], [sflag:$0x1] =	stream.indirect_vreg.gather [hbm4b:s1+s3], $0x80, v5, vm0, $0xb8;
	[tilespmem:$0x10800] =	vst v63  }
0xd2: {  	s28 =	simm.s32 $0xF000  }
0xd3: {  	[tilespmem:s28], [sflag:$0x1] =	stream.indirect_vreg.gather [hbm4b:s6+s3], $0x80, v5, vm0, $0xb8;
	[tilespmem:$0x10800] =	vst v63  }
0xd4: {  	s29 =	simm.s32 $0xF800  }
0xd5: {  	[tilespmem:s29], [sflag:$0x1] =	stream.indirect_vreg.gather [hbm4b:s1+s3], $0x80, v4, vm0, $0xb8;
	[tilespmem:$0x10800] =	vst v63  }
0xd6: {  	s30 =	simm.s32 $0x10000  }
0xd7: {  	[tilespmem:s30], [sflag:$0x1] =	stream.indirect_vreg.gather [hbm4b:s6+s3], $0x80, v4, vm0, $0xb8;
	[tilespmem:$0x10800] =	vst v63  }
0xd8: {  	_ =	swait.ge [sflag:s5], $0x8000  }
0xd9: {  	[sflag:s5] =	ssyncset.done $0x0  }
0xda: {  	s31 =	rddreg [dreg:$0x14];
	[sflag:s5] =	ssyncadd.s32 $0xFFFF8000  }
0xdb: {  	[hbm4b:s31+s3] =	stream.linear.scatter [tilespmem:s25], [sflag:$0x2], $0x8000, $0x38;
	[tilespmem:$0x10800] =	vst v63  }
0xdc: {  	_ =	swait.ge [sflag:s16], $0x8000  }
0xdd: {  	[sflag:s16] =	ssyncset.done $0x0  }
0xde: {  	[sflag:s16] =	ssyncadd.s32 $0xFFFF8000  }
0xdf: {  	v4 =	vld [tilespmem:$0x100];
	_ =	sdelay $0x4  }
0xe0: {  	v5 =	vshll.u32 v4, $0x2  }
0xe1: {  	v4 =	vand.u32 $0x7, v4;
	v5 =	vand.u32 $0xFFFFFFE0, v5  }
0xe2: {  	v4 =	vor.u32 v4, v5  }
0xe3: {  	v5 =	vperm.xlane v4, v1;
	_ =	sdelay $0x1  }
0xe4: {  	v5 =	vadd.s32 v2, v5;
	_ =	sdelay $0x1  }
0xe5: {  	v4 =	vperm.xlane v4, v3;
	_ =	sdelay $0x1  }
0xe6: {  	v4 =	vadd.s32 v2, v4  }
0xe7: {  	[tilespmem:s25], [sflag:$0x1] =	stream.indirect_vreg.gather [hbm4b:s1+s3], $0x80, v5, vm0, $0xb8;
	[tilespmem:$0x10800] =	vst v63  }
0xe8: {  	s11 =	simm.s32 $0x1000  }
0xe9: {  	[tilespmem:s11], [sflag:$0x1] =	stream.indirect_vreg.gather [hbm4b:s6+s3], $0x80, v5, vm0, $0xb8;
	[tilespmem:$0x10800] =	vst v63  }
0xea: {  	s13 =	simm.s32 $0x1800  }
0xeb: {  	[tilespmem:s13], [sflag:$0x1] =	stream.indirect_vreg.gather [hbm4b:s1+s3], $0x80, v4, vm0, $0xb8;
	[tilespmem:$0x10800] =	vst v63  }
0xec: {  	s22 =	simm.s32 $0x2000  }
0xed: {  	[tilespmem:s22], [sflag:$0x1] =	stream.indirect_vreg.gather [hbm4b:s6+s3], $0x80, v4, vm0, $0xb8;
	[tilespmem:$0x10800] =	vst v63  }
0xee: {  	v4 =	vld [tilespmem:$0x110];
	_ =	sdelay $0x4  }
0xef: {  	v5 =	vshll.u32 v4, $0x2  }
0xf0: {  	v4 =	vand.u32 $0x7, v4;
	v5 =	vand.u32 $0xFFFFFFE0, v5  }
0xf1: {  	v4 =	vor.u32 v4, v5  }
0xf2: {  	v5 =	vperm.xlane v4, v1;
	_ =	sdelay $0x1  }
0xf3: {  	v5 =	vadd.s32 v2, v5;
	_ =	sdelay $0x1  }
0xf4: {  	v4 =	vperm.xlane v4, v3;
	_ =	sdelay $0x1  }
0xf5: {  	s14 =	simm.s32 $0x2800;
	v4 =	vadd.s32 v2, v4  }
0xf6: {  	[tilespmem:s14], [sflag:$0x1] =	stream.indirect_vreg.gather [hbm4b:s1+s3], $0x80, v5, vm0, $0xb8;
	[tilespmem:$0x10800] =	vst v63  }
0xf7: {  	s21 =	simm.s32 $0x3000  }
0xf8: {  	[tilespmem:s21], [sflag:$0x1] =	stream.indirect_vreg.gather [hbm4b:s6+s3], $0x80, v5, vm0, $0xb8;
	[tilespmem:$0x10800] =	vst v63  }
0xf9: {  	s23 =	simm.s32 $0x3800  }
0xfa: {  	[tilespmem:s23], [sflag:$0x1] =	stream.indirect_vreg.gather [hbm4b:s1+s3], $0x80, v4, vm0, $0xb8;
	[tilespmem:$0x10800] =	vst v63  }
0xfb: {  	s26 =	simm.s32 $0x4000  }
0xfc: {  	[tilespmem:s26], [sflag:$0x1] =	stream.indirect_vreg.gather [hbm4b:s6+s3], $0x80, v4, vm0, $0xb8;
	[tilespmem:$0x10800] =	vst v63  }
0xfd: {  	v4 =	vld [tilespmem:$0x120];
	_ =	sdelay $0x4  }
0xfe: {  	v5 =	vshll.u32 v4, $0x2  }
0xff: {  	v4 =	vand.u32 $0x7, v4;
	v5 =	vand.u32 $0xFFFFFFE0, v5  }
0x100: {  	v4 =	vor.u32 v4, v5  }
0x101: {  	v5 =	vperm.xlane v4, v1;
	_ =	sdelay $0x1  }
0x102: {  	v5 =	vadd.s32 v2, v5;
	_ =	sdelay $0x1  }
0x103: {  	v4 =	vperm.xlane v4, v3;
	_ =	sdelay $0x1  }
0x104: {  	s24 =	simm.s32 $0x4800;
	v4 =	vadd.s32 v2, v4  }
0x105: {  	[tilespmem:s24], [sflag:$0x1] =	stream.indirect_vreg.gather [hbm4b:s1+s3], $0x80, v5, vm0, $0xb8;
	[tilespmem:$0x10800] =	vst v63  }
0x106: {  	s28 =	simm.s32 $0x5000  }
0x107: {  	[tilespmem:s28], [sflag:$0x1] =	stream.indirect_vreg.gather [hbm4b:s6+s3], $0x80, v5, vm0, $0xb8;
	[tilespmem:$0x10800] =	vst v63  }
0x108: {  	s29 =	simm.s32 $0x5800  }
0x109: {  	[tilespmem:s29], [sflag:$0x1] =	stream.indirect_vreg.gather [hbm4b:s1+s3], $0x80, v4, vm0, $0xb8;
	[tilespmem:$0x10800] =	vst v63  }
0x10a: {  	s30 =	simm.s32 $0x6000  }
0x10b: {  	[tilespmem:s30], [sflag:$0x1] =	stream.indirect_vreg.gather [hbm4b:s6+s3], $0x80, v4, vm0, $0xb8;
	[tilespmem:$0x10800] =	vst v63  }
0x10c: {  	v4 =	vld [tilespmem:$0x130];
	_ =	sdelay $0x4  }
0x10d: {  	v5 =	vshll.u32 v4, $0x2  }
0x10e: {  	v4 =	vand.u32 $0x7, v4;
	v5 =	vand.u32 $0xFFFFFFE0, v5  }
0x10f: {  	v4 =	vor.u32 v4, v5  }
0x110: {  	v5 =	vperm.xlane v4, v1;
	_ =	sdelay $0x1  }
0x111: {  	v5 =	vadd.s32 v2, v5;
	_ =	sdelay $0x1  }
0x112: {  	v4 =	vperm.xlane v4, v3;
	_ =	sdelay $0x1  }
0x113: {  	s31 =	simm.s32 $0x6800;
	v4 =	vadd.s32 v2, v4  }
0x114: {  	[tilespmem:s31], [sflag:$0x1] =	stream.indirect_vreg.gather [hbm4b:s1+s3], $0x80, v5, vm0, $0xb8;
	[tilespmem:$0x10800] =	vst v63  }
0x115: {  	s15 =	simm.s32 $0x7000  }
0x116: {  	[tilespmem:s15], [sflag:$0x1] =	stream.indirect_vreg.gather [hbm4b:s6+s3], $0x80, v5, vm0, $0xb8;
	[tilespmem:$0x10800] =	vst v63  }
0x117: {  	s21 =	simm.s32 $0x7800  }
0x118: {  	[tilespmem:s21], [sflag:$0x1] =	stream.indirect_vreg.gather [hbm4b:s1+s3], $0x80, v4, vm0, $0xb8;
	[tilespmem:$0x10800] =	vst v63  }
0x119: {  	s24 =	simm.s32 $0x8000  }
0x11a: {  	[tilespmem:s24], [sflag:$0x1] =	stream.indirect_vreg.gather [hbm4b:s6+s3], $0x80, v4, vm0, $0xb8;
	[tilespmem:$0x10800] =	vst v63  }
0x11b: {  	_ =	swait.ge [sflag:s5], $0x8000  }
0x11c: {  	[sflag:s5] =	ssyncset.done $0x0  }
0x11d: {  	s15 =	rddreg [dreg:$0x5];
	[sflag:s5] =	ssyncadd.s32 $0xFFFF8000  }
0x11e: {  	[hbm4b:s15+s3] =	stream.linear.scatter [tilespmem:s2], [sflag:$0x2], $0x8000, $0x38;
	[tilespmem:$0x10800] =	vst v63  }
0x11f: {  	_ =	swait.ge [sflag:s16], $0x8000  }
0x120: {  	[sflag:s16] =	ssyncset.done $0x0  }
0x121: {  	[sflag:s16] =	ssyncadd.s32 $0xFFFF8000  }
0x122: {  	v4 =	vld [tilespmem:$0x180];
	_ =	sdelay $0x4  }
0x123: {  	v5 =	vshll.u32 v4, $0x2  }
0x124: {  	v4 =	vand.u32 $0x7, v4;
	v5 =	vand.u32 $0xFFFFFFE0, v5  }
0x125: {  	v4 =	vor.u32 v4, v5  }
0x126: {  	v5 =	vperm.xlane v4, v1;
	_ =	sdelay $0x1  }
0x127: {  	v5 =	vadd.s32 v2, v5;
	_ =	sdelay $0x1  }
0x128: {  	v4 =	vperm.xlane v4, v3;
	_ =	sdelay $0x1  }
0x129: {  	v4 =	vadd.s32 v2, v4  }
0x12a: {  	[tilespmem:s2], [sflag:$0x1] =	stream.indirect_vreg.gather [hbm4b:s1+s3], $0x80, v5, vm0, $0xb8;
	[tilespmem:$0x10800] =	vst v63  }
0x12b: {  	s14 =	simm.s32 $0x9000  }
0x12c: {  	[tilespmem:s14], [sflag:$0x1] =	stream.indirect_vreg.gather [hbm4b:s6+s3], $0x80, v5, vm0, $0xb8;
	[tilespmem:$0x10800] =	vst v63  }
0x12d: {  	s15 =	simm.s32 $0x9800  }
0x12e: {  	[tilespmem:s15], [sflag:$0x1] =	stream.indirect_vreg.gather [hbm4b:s1+s3], $0x80, v4, vm0, $0xb8;
	[tilespmem:$0x10800] =	vst v63  }
0x12f: {  	s10 =	simm.s32 $0xA000  }
0x130: {  	[tilespmem:s10], [sflag:$0x1] =	stream.indirect_vreg.gather [hbm4b:s6+s3], $0x80, v4, vm0, $0xb8;
	[tilespmem:$0x10800] =	vst v63  }
0x131: {  	v4 =	vld [tilespmem:$0x190];
	_ =	sdelay $0x4  }
0x132: {  	v5 =	vshll.u32 v4, $0x2  }
0x133: {  	v4 =	vand.u32 $0x7, v4;
	v5 =	vand.u32 $0xFFFFFFE0, v5  }
0x134: {  	v4 =	vor.u32 v4, v5  }
0x135: {  	v5 =	vperm.xlane v4, v1;
	_ =	sdelay $0x1  }
0x136: {  	v5 =	vadd.s32 v2, v5;
	_ =	sdelay $0x1  }
0x137: {  	v4 =	vperm.xlane v4, v3;
	_ =	sdelay $0x1  }
0x138: {  	s10 =	simm.s32 $0xA800;
	v4 =	vadd.s32 v2, v4  }
0x139: {  	[tilespmem:s10], [sflag:$0x1] =	stream.indirect_vreg.gather [hbm4b:s1+s3], $0x80, v5, vm0, $0xb8;
	[tilespmem:$0x10800] =	vst v63  }
0x13a: {  	s11 =	simm.s32 $0xB000  }
0x13b: {  	[tilespmem:s11], [sflag:$0x1] =	stream.indirect_vreg.gather [hbm4b:s6+s3], $0x80, v5, vm0, $0xb8;
	[tilespmem:$0x10800] =	vst v63  }
0x13c: {  	s13 =	simm.s32 $0xB800  }
0x13d: {  	[tilespmem:s13], [sflag:$0x1] =	stream.indirect_vreg.gather [hbm4b:s1+s3], $0x80, v4, vm0, $0xb8;
	[tilespmem:$0x10800] =	vst v63  }
0x13e: {  	s20 =	simm.s32 $0xC000  }
0x13f: {  	[tilespmem:s20], [sflag:$0x1] =	stream.indirect_vreg.gather [hbm4b:s6+s3], $0x80, v4, vm0, $0xb8;
	[tilespmem:$0x10800] =	vst v63  }
0x140: {  	v4 =	vld [tilespmem:$0x1A0];
	_ =	sdelay $0x4  }
0x141: {  	v5 =	vshll.u32 v4, $0x2  }
0x142: {  	v4 =	vand.u32 $0x7, v4;
	v5 =	vand.u32 $0xFFFFFFE0, v5  }
0x143: {  	v4 =	vor.u32 v4, v5  }
0x144: {  	v5 =	vperm.xlane v4, v1;
	_ =	sdelay $0x1  }
0x145: {  	v5 =	vadd.s32 v2, v5;
	_ =	sdelay $0x1  }
0x146: {  	v4 =	vperm.xlane v4, v3;
	_ =	sdelay $0x1  }
0x147: {  	s0 =	simm.s32 $0xC800;
	v4 =	vadd.s32 v2, v4  }
0x148: {  	[tilespmem:s0], [sflag:$0x1] =	stream.indirect_vreg.gather [hbm4b:s1+s3], $0x80, v5, vm0, $0xb8;
	[tilespmem:$0x10800] =	vst v63  }
0x149: {  	s9 =	simm.s32 $0xD000  }
0x14a: {  	[tilespmem:s9], [sflag:$0x1] =	stream.indirect_vreg.gather [hbm4b:s6+s3], $0x80, v5, vm0, $0xb8;
	[tilespmem:$0x10800] =	vst v63  }
0x14b: {  	s4 =	simm.s32 $0xD800  }
0x14c: {  	[tilespmem:s4], [sflag:$0x1] =	stream.indirect_vreg.gather [hbm4b:s1+s3], $0x80, v4, vm0, $0xb8;
	[tilespmem:$0x10800] =	vst v63  }
0x14d: {  	s18 =	simm.s32 $0xE000  }
0x14e: {  	[tilespmem:s18], [sflag:$0x1] =	stream.indirect_vreg.gather [hbm4b:s6+s3], $0x80, v4, vm0, $0xb8;
	[tilespmem:$0x10800] =	vst v63  }
0x14f: {  	v4 =	vld [tilespmem:$0x1B0];
	_ =	sdelay $0x4  }
0x150: {  	v5 =	vshll.u32 v4, $0x2  }
0x151: {  	v4 =	vand.u32 $0x7, v4;
	v5 =	vand.u32 $0xFFFFFFE0, v5  }
0x152: {  	v4 =	vor.u32 v4, v5  }
0x153: {  	v5 =	vperm.xlane v4, v1;
	_ =	sdelay $0x1  }
0x154: {  	v5 =	vadd.s32 v2, v5;
	_ =	sdelay $0x1  }
0x155: {  	v4 =	vperm.xlane v4, v3;
	_ =	sdelay $0x1  }
0x156: {  	s7 =	simm.s32 $0xE800;
	v4 =	vadd.s32 v2, v4  }
0x157: {  	[tilespmem:s7], [sflag:$0x1] =	stream.indirect_vreg.gather [hbm4b:s1+s3], $0x80, v5, vm0, $0xb8;
	[tilespmem:$0x10800] =	vst v63  }
0x158: {  	s8 =	simm.s32 $0xF000  }
0x159: {  	[tilespmem:s8], [sflag:$0x1] =	stream.indirect_vreg.gather [hbm4b:s6+s3], $0x80, v5, vm0, $0xb8;
	[tilespmem:$0x10800] =	vst v63  }
0x15a: {  	s12 =	simm.s32 $0xF800  }
0x15b: {  	[tilespmem:s12], [sflag:$0x1] =	stream.indirect_vreg.gather [hbm4b:s1+s3], $0x80, v4, vm0, $0xb8;
	[tilespmem:$0x10800] =	vst v63  }
0x15c: {  	s19 =	simm.s32 $0x10000  }
0x15d: {  	[tilespmem:s19], [sflag:$0x1] =	stream.indirect_vreg.gather [hbm4b:s6+s3], $0x80, v4, vm0, $0xb8;
	[tilespmem:$0x10800] =	vst v63  }
0x15e: {  	_ =	swait.ge [sflag:s5], $0x8000  }
0x15f: {  	[sflag:s5] =	ssyncset.done $0x0  }
0x160: {  	s19 =	rddreg [dreg:$0x6];
	[sflag:s5] =	ssyncadd.s32 $0xFFFF8000  }
0x161: {  	[hbm4b:s19+s3] =	stream.linear.scatter [tilespmem:s25], [sflag:$0x2], $0x8000, $0x38;
	[tilespmem:$0x10800] =	vst v63  }
0x162: {  	_ =	swait.ge [sflag:s16], $0x8000  }
0x163: {  	[sflag:s16] =	ssyncset.done $0x0  }
0x164: {  	[sflag:s16] =	ssyncadd.s32 $0xFFFF8000  }
0x165: {  	v4 =	vld [tilespmem:$0x200];
	_ =	sdelay $0x4  }
0x166: {  	v5 =	vshll.u32 v4, $0x2  }
0x167: {  	v4 =	vand.u32 $0x7, v4;
	v5 =	vand.u32 $0xFFFFFFE0, v5  }
0x168: {  	v4 =	vor.u32 v4, v5  }
0x169: {  	v5 =	vperm.xlane v4, v1;
	_ =	sdelay $0x1  }
0x16a: {  	v5 =	vadd.s32 v2, v5;
	_ =	sdelay $0x1  }
0x16b: {  	v4 =	vperm.xlane v4, v3;
	_ =	sdelay $0x1  }
0x16c: {  	v4 =	vadd.s32 v2, v4  }
0x16d: {  	[tilespmem:s25], [sflag:$0x1] =	stream.indirect_vreg.gather [hbm4b:s1+s3], $0x80, v5, vm0, $0xb8;
	[tilespmem:$0x10800] =	vst v63  }
0x16e: {  	s19 =	simm.s32 $0x1000  }
0x16f: {  	[tilespmem:s19], [sflag:$0x1] =	stream.indirect_vreg.gather [hbm4b:s6+s3], $0x80, v5, vm0, $0xb8;
	[tilespmem:$0x10800] =	vst v63  }
0x170: {  	s19 =	simm.s32 $0x1800  }
0x171: {  	[tilespmem:s19], [sflag:$0x1] =	stream.indirect_vreg.gather [hbm4b:s1+s3], $0x80, v4, vm0, $0xb8;
	[tilespmem:$0x10800] =	vst v63  }
0x172: {  	_ = 	snop  }
0x173: {  	[tilespmem:s22], [sflag:$0x1] =	stream.indirect_vreg.gather [hbm4b:s6+s3], $0x80, v4, vm0, $0xb8;
	[tilespmem:$0x10800] =	vst v63  }
0x174: {  	v4 =	vld [tilespmem:$0x210];
	_ =	sdelay $0x4  }
0x175: {  	v5 =	vshll.u32 v4, $0x2  }
0x176: {  	v4 =	vand.u32 $0x7, v4;
	v5 =	vand.u32 $0xFFFFFFE0, v5  }
0x177: {  	v4 =	vor.u32 v4, v5  }
0x178: {  	v5 =	vperm.xlane v4, v1;
	_ =	sdelay $0x1  }
0x179: {  	v5 =	vadd.s32 v2, v5;
	_ =	sdelay $0x1  }
0x17a: {  	v4 =	vperm.xlane v4, v3;
	_ =	sdelay $0x1  }
0x17b: {  	s22 =	simm.s32 $0x2800;
	v4 =	vadd.s32 v2, v4  }
0x17c: {  	[tilespmem:s22], [sflag:$0x1] =	stream.indirect_vreg.gather [hbm4b:s1+s3], $0x80, v5, vm0, $0xb8;
	[tilespmem:$0x10800] =	vst v63  }
0x17d: {  	s22 =	simm.s32 $0x3000  }
0x17e: {  	[tilespmem:s22], [sflag:$0x1] =	stream.indirect_vreg.gather [hbm4b:s6+s3], $0x80, v5, vm0, $0xb8;
	[tilespmem:$0x10800] =	vst v63  }
0x17f: {  	_ = 	snop  }
0x180: {  	[tilespmem:s23], [sflag:$0x1] =	stream.indirect_vreg.gather [hbm4b:s1+s3], $0x80, v4, vm0, $0xb8;
	[tilespmem:$0x10800] =	vst v63  }
0x181: {  	_ = 	snop  }
0x182: {  	[tilespmem:s26], [sflag:$0x1] =	stream.indirect_vreg.gather [hbm4b:s6+s3], $0x80, v4, vm0, $0xb8;
	[tilespmem:$0x10800] =	vst v63  }
0x183: {  	v4 =	vld [tilespmem:$0x220];
	_ =	sdelay $0x4  }
0x184: {  	v5 =	vshll.u32 v4, $0x2  }
0x185: {  	v4 =	vand.u32 $0x7, v4;
	v5 =	vand.u32 $0xFFFFFFE0, v5  }
0x186: {  	v4 =	vor.u32 v4, v5  }
0x187: {  	v5 =	vperm.xlane v4, v1;
	_ =	sdelay $0x1  }
0x188: {  	v5 =	vadd.s32 v2, v5;
	_ =	sdelay $0x1  }
0x189: {  	v4 =	vperm.xlane v4, v3;
	_ =	sdelay $0x1  }
0x18a: {  	s22 =	simm.s32 $0x4800;
	v4 =	vadd.s32 v2, v4  }
0x18b: {  	[tilespmem:s22], [sflag:$0x1] =	stream.indirect_vreg.gather [hbm4b:s1+s3], $0x80, v5, vm0, $0xb8;
	[tilespmem:$0x10800] =	vst v63  }
0x18c: {  	_ = 	snop  }
0x18d: {  	[tilespmem:s28], [sflag:$0x1] =	stream.indirect_vreg.gather [hbm4b:s6+s3], $0x80, v5, vm0, $0xb8;
	[tilespmem:$0x10800] =	vst v63  }
0x18e: {  	_ = 	snop  }
0x18f: {  	[tilespmem:s29], [sflag:$0x1] =	stream.indirect_vreg.gather [hbm4b:s1+s3], $0x80, v4, vm0, $0xb8;
	[tilespmem:$0x10800] =	vst v63  }
0x190: {  	_ = 	snop  }
0x191: {  	[tilespmem:s30], [sflag:$0x1] =	stream.indirect_vreg.gather [hbm4b:s6+s3], $0x80, v4, vm0, $0xb8;
	[tilespmem:$0x10800] =	vst v63  }
0x192: {  	v4 =	vld [tilespmem:$0x230];
	_ =	sdelay $0x4  }
0x193: {  	v5 =	vshll.u32 v4, $0x2  }
0x194: {  	v4 =	vand.u32 $0x7, v4;
	v5 =	vand.u32 $0xFFFFFFE0, v5  }
0x195: {  	v4 =	vor.u32 v4, v5  }
0x196: {  	v5 =	vperm.xlane v4, v1;
	_ =	sdelay $0x1  }
0x197: {  	v5 =	vadd.s32 v2, v5;
	_ =	sdelay $0x1  }
0x198: {  	v4 =	vperm.xlane v4, v3;
	_ =	sdelay $0x1  }
0x199: {  	v4 =	vadd.s32 v2, v4  }
0x19a: {  	[tilespmem:s31], [sflag:$0x1] =	stream.indirect_vreg.gather [hbm4b:s1+s3], $0x80, v5, vm0, $0xb8;
	[tilespmem:$0x10800] =	vst v63  }
0x19b: {  	s22 =	simm.s32 $0x7000  }
0x19c: {  	[tilespmem:s22], [sflag:$0x1] =	stream.indirect_vreg.gather [hbm4b:s6+s3], $0x80, v5, vm0, $0xb8;
	[tilespmem:$0x10800] =	vst v63  }
0x19d: {  	_ = 	snop  }
0x19e: {  	[tilespmem:s21], [sflag:$0x1] =	stream.indirect_vreg.gather [hbm4b:s1+s3], $0x80, v4, vm0, $0xb8;
	[tilespmem:$0x10800] =	vst v63  }
0x19f: {  	_ = 	snop  }
0x1a0: {  	[tilespmem:s24], [sflag:$0x1] =	stream.indirect_vreg.gather [hbm4b:s6+s3], $0x80, v4, vm0, $0xb8;
	[tilespmem:$0x10800] =	vst v63  }
0x1a1: {  	_ =	swait.ge [sflag:s5], $0x8000  }
0x1a2: {  	[sflag:s5] =	ssyncset.done $0x0  }
0x1a3: {  	s24 =	rddreg [dreg:$0x7];
	[sflag:s5] =	ssyncadd.s32 $0xFFFF8000  }
0x1a4: {  	[hbm4b:s24+s3] =	stream.linear.scatter [tilespmem:s2], [sflag:$0x2], $0x8000, $0x38;
	[tilespmem:$0x10800] =	vst v63  }
0x1a5: {  	_ =	swait.ge [sflag:s16], $0x8000  }
0x1a6: {  	[sflag:s16] =	ssyncset.done $0x0  }
0x1a7: {  	[sflag:s16] =	ssyncadd.s32 $0xFFFF8000  }
0x1a8: {  	v4 =	vld [tilespmem:$0x280];
	_ =	sdelay $0x4  }
0x1a9: {  	v5 =	vshll.u32 v4, $0x2  }
0x1aa: {  	v4 =	vand.u32 $0x7, v4;
	v5 =	vand.u32 $0xFFFFFFE0, v5  }
0x1ab: {  	v4 =	vor.u32 v4, v5  }
0x1ac: {  	v5 =	vperm.xlane v4, v1;
	_ =	sdelay $0x1  }
0x1ad: {  	v5 =	vadd.s32 v2, v5;
	_ =	sdelay $0x1  }
0x1ae: {  	v4 =	vperm.xlane v4, v3;
	_ =	sdelay $0x1  }
0x1af: {  	v4 =	vadd.s32 v2, v4  }
0x1b0: {  	[tilespmem:s2], [sflag:$0x1] =	stream.indirect_vreg.gather [hbm4b:s1+s3], $0x80, v5, vm0, $0xb8;
	[tilespmem:$0x10800] =	vst v63  }
0x1b1: {  	_ = 	snop  }
0x1b2: {  	[tilespmem:s14], [sflag:$0x1] =	stream.indirect_vreg.gather [hbm4b:s6+s3], $0x80, v5, vm0, $0xb8;
	[tilespmem:$0x10800] =	vst v63  }
0x1b3: {  	_ = 	snop  }
0x1b4: {  	[tilespmem:s15], [sflag:$0x1] =	stream.indirect_vreg.gather [hbm4b:s1+s3], $0x80, v4, vm0, $0xb8;
	[tilespmem:$0x10800] =	vst v63  }
0x1b5: {  	s17 =	simm.s32 $0xA000  }
0x1b6: {  	[tilespmem:s17], [sflag:$0x1] =	stream.indirect_vreg.gather [hbm4b:s6+s3], $0x80, v4, vm0, $0xb8;
	[tilespmem:$0x10800] =	vst v63  }
0x1b7: {  	v4 =	vld [tilespmem:$0x290];
	_ =	sdelay $0x4  }
0x1b8: {  	v5 =	vshll.u32 v4, $0x2  }
0x1b9: {  	v4 =	vand.u32 $0x7, v4;
	v5 =	vand.u32 $0xFFFFFFE0, v5  }
0x1ba: {  	v4 =	vor.u32 v4, v5  }
0x1bb: {  	v5 =	vperm.xlane v4, v1;
	_ =	sdelay $0x1  }
0x1bc: {  	v5 =	vadd.s32 v2, v5;
	_ =	sdelay $0x1  }
0x1bd: {  	v4 =	vperm.xlane v4, v3;
	_ =	sdelay $0x1  }
0x1be: {  	v4 =	vadd.s32 v2, v4  }
0x1bf: {  	[tilespmem:s10], [sflag:$0x1] =	stream.indirect_vreg.gather [hbm4b:s1+s3], $0x80, v5, vm0, $0xb8;
	[tilespmem:$0x10800] =	vst v63  }
0x1c0: {  	_ = 	snop  }
0x1c1: {  	[tilespmem:s11], [sflag:$0x1] =	stream.indirect_vreg.gather [hbm4b:s6+s3], $0x80, v5, vm0, $0xb8;
	[tilespmem:$0x10800] =	vst v63  }
0x1c2: {  	_ = 	snop  }
0x1c3: {  	[tilespmem:s13], [sflag:$0x1] =	stream.indirect_vreg.gather [hbm4b:s1+s3], $0x80, v4, vm0, $0xb8;
	[tilespmem:$0x10800] =	vst v63  }
0x1c4: {  	s17 =	simm.s32 $0xC000  }
0x1c5: {  	[tilespmem:s17], [sflag:$0x1] =	stream.indirect_vreg.gather [hbm4b:s6+s3], $0x80, v4, vm0, $0xb8;
	[tilespmem:$0x10800] =	vst v63  }
0x1c6: {  	v4 =	vld [tilespmem:$0x2A0];
	_ =	sdelay $0x4  }
0x1c7: {  	v5 =	vshll.u32 v4, $0x2  }
0x1c8: {  	v4 =	vand.u32 $0x7, v4;
	v5 =	vand.u32 $0xFFFFFFE0, v5  }
0x1c9: {  	v4 =	vor.u32 v4, v5  }
0x1ca: {  	v5 =	vperm.xlane v4, v1;
	_ =	sdelay $0x1  }
0x1cb: {  	v5 =	vadd.s32 v2, v5;
	_ =	sdelay $0x1  }
0x1cc: {  	v4 =	vperm.xlane v4, v3;
	_ =	sdelay $0x1  }
0x1cd: {  	s0 =	simm.s32 $0xC800;
	v4 =	vadd.s32 v2, v4  }
0x1ce: {  	[tilespmem:s0], [sflag:$0x1] =	stream.indirect_vreg.gather [hbm4b:s1+s3], $0x80, v5, vm0, $0xb8;
	[tilespmem:$0x10800] =	vst v63  }
0x1cf: {  	s20 =	simm.s32 $0xD000  }
0x1d0: {  	[tilespmem:s20], [sflag:$0x1] =	stream.indirect_vreg.gather [hbm4b:s6+s3], $0x80, v5, vm0, $0xb8;
	[tilespmem:$0x10800] =	vst v63  }
0x1d1: {  	s4 =	simm.s32 $0xD800  }
0x1d2: {  	[tilespmem:s4], [sflag:$0x1] =	stream.indirect_vreg.gather [hbm4b:s1+s3], $0x80, v4, vm0, $0xb8;
	[tilespmem:$0x10800] =	vst v63  }
0x1d3: {  	s9 =	simm.s32 $0xE000  }
0x1d4: {  	[tilespmem:s9], [sflag:$0x1] =	stream.indirect_vreg.gather [hbm4b:s6+s3], $0x80, v4, vm0, $0xb8;
	[tilespmem:$0x10800] =	vst v63  }
0x1d5: {  	v4 =	vld [tilespmem:$0x2B0];
	_ =	sdelay $0x4  }
0x1d6: {  	v5 =	vshll.u32 v4, $0x2  }
0x1d7: {  	v4 =	vand.u32 $0x7, v4;
	v5 =	vand.u32 $0xFFFFFFE0, v5  }
0x1d8: {  	v4 =	vor.u32 v4, v5  }
0x1d9: {  	v5 =	vperm.xlane v4, v1;
	_ =	sdelay $0x1  }
0x1da: {  	v5 =	vadd.s32 v2, v5;
	_ =	sdelay $0x1  }
0x1db: {  	v4 =	vperm.xlane v4, v3;
	_ =	sdelay $0x1  }
0x1dc: {  	s7 =	simm.s32 $0xE800;
	v4 =	vadd.s32 v2, v4  }
0x1dd: {  	[tilespmem:s7], [sflag:$0x1] =	stream.indirect_vreg.gather [hbm4b:s1+s3], $0x80, v5, vm0, $0xb8;
	[tilespmem:$0x10800] =	vst v63  }
0x1de: {  	s8 =	simm.s32 $0xF000  }
0x1df: {  	[tilespmem:s8], [sflag:$0x1] =	stream.indirect_vreg.gather [hbm4b:s6+s3], $0x80, v5, vm0, $0xb8;
	[tilespmem:$0x10800] =	vst v63  }
0x1e0: {  	s12 =	simm.s32 $0xF800  }
0x1e1: {  	[tilespmem:s12], [sflag:$0x1] =	stream.indirect_vreg.gather [hbm4b:s1+s3], $0x80, v4, vm0, $0xb8;
	[tilespmem:$0x10800] =	vst v63  }
0x1e2: {  	s18 =	simm.s32 $0x10000  }
0x1e3: {  	[tilespmem:s18], [sflag:$0x1] =	stream.indirect_vreg.gather [hbm4b:s6+s3], $0x80, v4, vm0, $0xb8;
	[tilespmem:$0x10800] =	vst v63  }
0x1e4: {  	_ =	swait.ge [sflag:s5], $0x8000  }
0x1e5: {  	[sflag:s5] =	ssyncset.done $0x0  }
0x1e6: {  	s18 =	rddreg [dreg:$0x8];
	[sflag:s5] =	ssyncadd.s32 $0xFFFF8000  }
0x1e7: {  	[hbm4b:s18+s3] =	stream.linear.scatter [tilespmem:s25], [sflag:$0x2], $0x8000, $0x38;
	[tilespmem:$0x10800] =	vst v63  }
0x1e8: {  	_ =	swait.ge [sflag:s16], $0x8000  }
0x1e9: {  	[sflag:s16] =	ssyncset.done $0x0  }
0x1ea: {  	[sflag:s16] =	ssyncadd.s32 $0xFFFF8000  }
0x1eb: {  	v4 =	vld [tilespmem:$0x300];
	_ =	sdelay $0x4  }
0x1ec: {  	v5 =	vshll.u32 v4, $0x2  }
0x1ed: {  	v4 =	vand.u32 $0x7, v4;
	v5 =	vand.u32 $0xFFFFFFE0, v5  }
0x1ee: {  	v4 =	vor.u32 v4, v5  }
0x1ef: {  	v5 =	vperm.xlane v4, v1;
	_ =	sdelay $0x1  }
0x1f0: {  	v5 =	vadd.s32 v2, v5;
	_ =	sdelay $0x1  }
0x1f1: {  	v4 =	vperm.xlane v4, v3;
	_ =	sdelay $0x1  }
0x1f2: {  	v4 =	vadd.s32 v2, v4  }
0x1f3: {  	[tilespmem:s25], [sflag:$0x1] =	stream.indirect_vreg.gather [hbm4b:s1+s3], $0x80, v5, vm0, $0xb8;
	[tilespmem:$0x10800] =	vst v63  }
0x1f4: {  	s18 =	simm.s32 $0x1000  }
0x1f5: {  	[tilespmem:s18], [sflag:$0x1] =	stream.indirect_vreg.gather [hbm4b:s6+s3], $0x80, v5, vm0, $0xb8;
	[tilespmem:$0x10800] =	vst v63  }
0x1f6: {  	s18 =	simm.s32 $0x1800  }
0x1f7: {  	[tilespmem:s18], [sflag:$0x1] =	stream.indirect_vreg.gather [hbm4b:s1+s3], $0x80, v4, vm0, $0xb8;
	[tilespmem:$0x10800] =	vst v63  }
0x1f8: {  	s19 =	simm.s32 $0x2000  }
0x1f9: {  	[tilespmem:s19], [sflag:$0x1] =	stream.indirect_vreg.gather [hbm4b:s6+s3], $0x80, v4, vm0, $0xb8;
	[tilespmem:$0x10800] =	vst v63  }
0x1fa: {  	v4 =	vld [tilespmem:$0x310];
	_ =	sdelay $0x4  }
0x1fb: {  	v5 =	vshll.u32 v4, $0x2  }
0x1fc: {  	v4 =	vand.u32 $0x7, v4;
	v5 =	vand.u32 $0xFFFFFFE0, v5  }
0x1fd: {  	v4 =	vor.u32 v4, v5  }
0x1fe: {  	v5 =	vperm.xlane v4, v1;
	_ =	sdelay $0x1  }
0x1ff: {  	v5 =	vadd.s32 v2, v5;
	_ =	sdelay $0x1  }
0x200: {  	v4 =	vperm.xlane v4, v3;
	_ =	sdelay $0x1  }
0x201: {  	s19 =	simm.s32 $0x2800;
	v4 =	vadd.s32 v2, v4  }
0x202: {  	[tilespmem:s19], [sflag:$0x1] =	stream.indirect_vreg.gather [hbm4b:s1+s3], $0x80, v5, vm0, $0xb8;
	[tilespmem:$0x10800] =	vst v63  }
0x203: {  	s19 =	simm.s32 $0x3000  }
0x204: {  	[tilespmem:s19], [sflag:$0x1] =	stream.indirect_vreg.gather [hbm4b:s6+s3], $0x80, v5, vm0, $0xb8;
	[tilespmem:$0x10800] =	vst v63  }
0x205: {  	s23 =	simm.s32 $0x3800  }
0x206: {  	[tilespmem:s23], [sflag:$0x1] =	stream.indirect_vreg.gather [hbm4b:s1+s3], $0x80, v4, vm0, $0xb8;
	[tilespmem:$0x10800] =	vst v63  }
0x207: {  	s26 =	simm.s32 $0x4000  }
0x208: {  	[tilespmem:s26], [sflag:$0x1] =	stream.indirect_vreg.gather [hbm4b:s6+s3], $0x80, v4, vm0, $0xb8;
	[tilespmem:$0x10800] =	vst v63  }
0x209: {  	v4 =	vld [tilespmem:$0x320];
	_ =	sdelay $0x4  }
0x20a: {  	v5 =	vshll.u32 v4, $0x2  }
0x20b: {  	v4 =	vand.u32 $0x7, v4;
	v5 =	vand.u32 $0xFFFFFFE0, v5  }
0x20c: {  	v4 =	vor.u32 v4, v5  }
0x20d: {  	v5 =	vperm.xlane v4, v1;
	_ =	sdelay $0x1  }
0x20e: {  	v5 =	vadd.s32 v2, v5;
	_ =	sdelay $0x1  }
0x20f: {  	v4 =	vperm.xlane v4, v3;
	_ =	sdelay $0x1  }
0x210: {  	s19 =	simm.s32 $0x4800;
	v4 =	vadd.s32 v2, v4  }
0x211: {  	[tilespmem:s19], [sflag:$0x1] =	stream.indirect_vreg.gather [hbm4b:s1+s3], $0x80, v5, vm0, $0xb8;
	[tilespmem:$0x10800] =	vst v63  }
0x212: {  	s28 =	simm.s32 $0x5000  }
0x213: {  	[tilespmem:s28], [sflag:$0x1] =	stream.indirect_vreg.gather [hbm4b:s6+s3], $0x80, v5, vm0, $0xb8;
	[tilespmem:$0x10800] =	vst v63  }
0x214: {  	s29 =	simm.s32 $0x5800  }
0x215: {  	[tilespmem:s29], [sflag:$0x1] =	stream.indirect_vreg.gather [hbm4b:s1+s3], $0x80, v4, vm0, $0xb8;
	[tilespmem:$0x10800] =	vst v63  }
0x216: {  	s30 =	simm.s32 $0x6000  }
0x217: {  	[tilespmem:s30], [sflag:$0x1] =	stream.indirect_vreg.gather [hbm4b:s6+s3], $0x80, v4, vm0, $0xb8;
	[tilespmem:$0x10800] =	vst v63  }
0x218: {  	v4 =	vld [tilespmem:$0x330];
	_ =	sdelay $0x4  }
0x219: {  	v5 =	vshll.u32 v4, $0x2  }
0x21a: {  	v4 =	vand.u32 $0x7, v4;
	v5 =	vand.u32 $0xFFFFFFE0, v5  }
0x21b: {  	v4 =	vor.u32 v4, v5  }
0x21c: {  	v5 =	vperm.xlane v4, v1;
	_ =	sdelay $0x1  }
0x21d: {  	v5 =	vadd.s32 v2, v5;
	_ =	sdelay $0x1  }
0x21e: {  	v4 =	vperm.xlane v4, v3;
	_ =	sdelay $0x1  }
0x21f: {  	s31 =	simm.s32 $0x6800;
	v4 =	vadd.s32 v2, v4  }
0x220: {  	[tilespmem:s31], [sflag:$0x1] =	stream.indirect_vreg.gather [hbm4b:s1+s3], $0x80, v5, vm0, $0xb8;
	[tilespmem:$0x10800] =	vst v63  }
0x221: {  	s19 =	simm.s32 $0x7000  }
0x222: {  	[tilespmem:s19], [sflag:$0x1] =	stream.indirect_vreg.gather [hbm4b:s6+s3], $0x80, v5, vm0, $0xb8;
	[tilespmem:$0x10800] =	vst v63  }
0x223: {  	s21 =	simm.s32 $0x7800  }
0x224: {  	[tilespmem:s21], [sflag:$0x1] =	stream.indirect_vreg.gather [hbm4b:s1+s3], $0x80, v4, vm0, $0xb8;
	[tilespmem:$0x10800] =	vst v63  }
0x225: {  	s22 =	simm.s32 $0x8000  }
0x226: {  	[tilespmem:s22], [sflag:$0x1] =	stream.indirect_vreg.gather [hbm4b:s6+s3], $0x80, v4, vm0, $0xb8;
	[tilespmem:$0x10800] =	vst v63  }
0x227: {  	_ =	swait.ge [sflag:s5], $0x8000  }
0x228: {  	[sflag:s5] =	ssyncset.done $0x0  }
0x229: {  	s22 =	rddreg [dreg:$0x9];
	[sflag:s5] =	ssyncadd.s32 $0xFFFF8000  }
0x22a: {  	[hbm4b:s22+s3] =	stream.linear.scatter [tilespmem:s2], [sflag:$0x2], $0x8000, $0x38;
	[tilespmem:$0x10800] =	vst v63  }
0x22b: {  	_ =	swait.ge [sflag:s16], $0x8000  }
0x22c: {  	[sflag:s16] =	ssyncset.done $0x0  }
0x22d: {  	[sflag:s16] =	ssyncadd.s32 $0xFFFF8000  }
0x22e: {  	v4 =	vld [tilespmem:$0x380];
	_ =	sdelay $0x4  }
0x22f: {  	v5 =	vshll.u32 v4, $0x2  }
0x230: {  	v4 =	vand.u32 $0x7, v4;
	v5 =	vand.u32 $0xFFFFFFE0, v5  }
0x231: {  	v4 =	vor.u32 v4, v5  }
0x232: {  	v5 =	vperm.xlane v4, v1;
	_ =	sdelay $0x1  }
0x233: {  	v5 =	vadd.s32 v2, v5;
	_ =	sdelay $0x1  }
0x234: {  	v4 =	vperm.xlane v4, v3;
	_ =	sdelay $0x1  }
0x235: {  	v4 =	vadd.s32 v2, v4  }
0x236: {  	[tilespmem:s2], [sflag:$0x1] =	stream.indirect_vreg.gather [hbm4b:s1+s3], $0x80, v5, vm0, $0xb8;
	[tilespmem:$0x10800] =	vst v63  }
0x237: {  	s24 =	simm.s32 $0x9000  }
0x238: {  	[tilespmem:s24], [sflag:$0x1] =	stream.indirect_vreg.gather [hbm4b:s6+s3], $0x80, v5, vm0, $0xb8;
	[tilespmem:$0x10800] =	vst v63  }
0x239: {  	s15 =	simm.s32 $0x9800  }
0x23a: {  	[tilespmem:s15], [sflag:$0x1] =	stream.indirect_vreg.gather [hbm4b:s1+s3], $0x80, v4, vm0, $0xb8;
	[tilespmem:$0x10800] =	vst v63  }
0x23b: {  	s17 =	simm.s32 $0xA000  }
0x23c: {  	[tilespmem:s17], [sflag:$0x1] =	stream.indirect_vreg.gather [hbm4b:s6+s3], $0x80, v4, vm0, $0xb8;
	[tilespmem:$0x10800] =	vst v63  }
0x23d: {  	v4 =	vld [tilespmem:$0x390];
	_ =	sdelay $0x4  }
0x23e: {  	v5 =	vshll.u32 v4, $0x2  }
0x23f: {  	v4 =	vand.u32 $0x7, v4;
	v5 =	vand.u32 $0xFFFFFFE0, v5  }
0x240: {  	v4 =	vor.u32 v4, v5  }
0x241: {  	v5 =	vperm.xlane v4, v1;
	_ =	sdelay $0x1  }
0x242: {  	v5 =	vadd.s32 v2, v5;
	_ =	sdelay $0x1  }
0x243: {  	v4 =	vperm.xlane v4, v3;
	_ =	sdelay $0x1  }
0x244: {  	s10 =	simm.s32 $0xA800;
	v4 =	vadd.s32 v2, v4  }
0x245: {  	[tilespmem:s10], [sflag:$0x1] =	stream.indirect_vreg.gather [hbm4b:s1+s3], $0x80, v5, vm0, $0xb8;
	[tilespmem:$0x10800] =	vst v63  }
0x246: {  	s11 =	simm.s32 $0xB000  }
0x247: {  	[tilespmem:s11], [sflag:$0x1] =	stream.indirect_vreg.gather [hbm4b:s6+s3], $0x80, v5, vm0, $0xb8;
	[tilespmem:$0x10800] =	vst v63  }
0x248: {  	s13 =	simm.s32 $0xB800  }
0x249: {  	[tilespmem:s13], [sflag:$0x1] =	stream.indirect_vreg.gather [hbm4b:s1+s3], $0x80, v4, vm0, $0xb8;
	[tilespmem:$0x10800] =	vst v63  }
0x24a: {  	s11 =	simm.s32 $0xC000  }
0x24b: {  	[tilespmem:s11], [sflag:$0x1] =	stream.indirect_vreg.gather [hbm4b:s6+s3], $0x80, v4, vm0, $0xb8;
	[tilespmem:$0x10800] =	vst v63  }
0x24c: {  	v4 =	vld [tilespmem:$0x3A0];
	_ =	sdelay $0x4  }
0x24d: {  	v5 =	vshll.u32 v4, $0x2  }
0x24e: {  	v4 =	vand.u32 $0x7, v4;
	v5 =	vand.u32 $0xFFFFFFE0, v5  }
0x24f: {  	v4 =	vor.u32 v4, v5  }
0x250: {  	v5 =	vperm.xlane v4, v1;
	_ =	sdelay $0x1  }
0x251: {  	v5 =	vadd.s32 v2, v5;
	_ =	sdelay $0x1  }
0x252: {  	v4 =	vperm.xlane v4, v3;
	_ =	sdelay $0x1  }
0x253: {  	s14 =	simm.s32 $0xC800;
	v4 =	vadd.s32 v2, v4  }
0x254: {  	[tilespmem:s14], [sflag:$0x1] =	stream.indirect_vreg.gather [hbm4b:s1+s3], $0x80, v5, vm0, $0xb8;
	[tilespmem:$0x10800] =	vst v63  }
0x255: {  	s0 =	simm.s32 $0xD000  }
0x256: {  	[tilespmem:s0], [sflag:$0x1] =	stream.indirect_vreg.gather [hbm4b:s6+s3], $0x80, v5, vm0, $0xb8;
	[tilespmem:$0x10800] =	vst v63  }
0x257: {  	s20 =	simm.s32 $0xD800  }
0x258: {  	[tilespmem:s20], [sflag:$0x1] =	stream.indirect_vreg.gather [hbm4b:s1+s3], $0x80, v4, vm0, $0xb8;
	[tilespmem:$0x10800] =	vst v63  }
0x259: {  	s9 =	simm.s32 $0xE000  }
0x25a: {  	[tilespmem:s9], [sflag:$0x1] =	stream.indirect_vreg.gather [hbm4b:s6+s3], $0x80, v4, vm0, $0xb8;
	[tilespmem:$0x10800] =	vst v63  }
0x25b: {  	v4 =	vld [tilespmem:$0x3B0];
	_ =	sdelay $0x4  }
0x25c: {  	v5 =	vshll.u32 v4, $0x2  }
0x25d: {  	v4 =	vand.u32 $0x7, v4;
	v5 =	vand.u32 $0xFFFFFFE0, v5  }
0x25e: {  	v4 =	vor.u32 v4, v5  }
0x25f: {  	v5 =	vperm.xlane v4, v1;
	_ =	sdelay $0x1  }
0x260: {  	v5 =	vadd.s32 v2, v5;
	_ =	sdelay $0x1  }
0x261: {  	v4 =	vperm.xlane v4, v3;
	_ =	sdelay $0x1  }
0x262: {  	s4 =	simm.s32 $0xE800;
	v4 =	vadd.s32 v2, v4  }
0x263: {  	[tilespmem:s4], [sflag:$0x1] =	stream.indirect_vreg.gather [hbm4b:s1+s3], $0x80, v5, vm0, $0xb8;
	[tilespmem:$0x10800] =	vst v63  }
0x264: {  	s7 =	simm.s32 $0xF000  }
0x265: {  	[tilespmem:s7], [sflag:$0x1] =	stream.indirect_vreg.gather [hbm4b:s6+s3], $0x80, v5, vm0, $0xb8;
	[tilespmem:$0x10800] =	vst v63  }
0x266: {  	s8 =	simm.s32 $0xF800  }
0x267: {  	[tilespmem:s8], [sflag:$0x1] =	stream.indirect_vreg.gather [hbm4b:s1+s3], $0x80, v4, vm0, $0xb8;
	[tilespmem:$0x10800] =	vst v63  }
0x268: {  	s12 =	simm.s32 $0x10000  }
0x269: {  	[tilespmem:s12], [sflag:$0x1] =	stream.indirect_vreg.gather [hbm4b:s6+s3], $0x80, v4, vm0, $0xb8;
	[tilespmem:$0x10800] =	vst v63  }
0x26a: {  	_ =	swait.ge [sflag:s5], $0x8000  }
0x26b: {  	[sflag:s5] =	ssyncset.done $0x0  }
0x26c: {  	s12 =	rddreg [dreg:$0xa];
	[sflag:s5] =	ssyncadd.s32 $0xFFFF8000  }
0x26d: {  	[hbm4b:s12+s3] =	stream.linear.scatter [tilespmem:s25], [sflag:$0x2], $0x8000, $0x38;
	[tilespmem:$0x10800] =	vst v63  }
0x26e: {  	_ =	swait.ge [sflag:s16], $0x8000  }
0x26f: {  	[sflag:s16] =	ssyncset.done $0x0  }
0x270: {  	[sflag:s16] =	ssyncadd.s32 $0xFFFF8000  }
0x271: {  	v4 =	vld [tilespmem:$0x400];
	_ =	sdelay $0x4  }
0x272: {  	v5 =	vshll.u32 v4, $0x2  }
0x273: {  	v4 =	vand.u32 $0x7, v4;
	v5 =	vand.u32 $0xFFFFFFE0, v5  }
0x274: {  	v4 =	vor.u32 v4, v5  }
0x275: {  	v5 =	vperm.xlane v4, v1;
	_ =	sdelay $0x1  }
0x276: {  	v5 =	vadd.s32 v2, v5;
	_ =	sdelay $0x1  }
0x277: {  	v4 =	vperm.xlane v4, v3;
	_ =	sdelay $0x1  }
0x278: {  	v4 =	vadd.s32 v2, v4  }
0x279: {  	[tilespmem:s25], [sflag:$0x1] =	stream.indirect_vreg.gather [hbm4b:s1+s3], $0x80, v5, vm0, $0xb8;
	[tilespmem:$0x10800] =	vst v63  }
0x27a: {  	s20 =	simm.s32 $0x1000  }
0x27b: {  	[tilespmem:s20], [sflag:$0x1] =	stream.indirect_vreg.gather [hbm4b:s6+s3], $0x80, v5, vm0, $0xb8;
	[tilespmem:$0x10800] =	vst v63  }
0x27c: {  	s17 =	simm.s32 $0x1800  }
0x27d: {  	[tilespmem:s17], [sflag:$0x1] =	stream.indirect_vreg.gather [hbm4b:s1+s3], $0x80, v4, vm0, $0xb8;
	[tilespmem:$0x10800] =	vst v63  }
0x27e: {  	s18 =	simm.s32 $0x2000  }
0x27f: {  	[tilespmem:s18], [sflag:$0x1] =	stream.indirect_vreg.gather [hbm4b:s6+s3], $0x80, v4, vm0, $0xb8;
	[tilespmem:$0x10800] =	vst v63  }
0x280: {  	v4 =	vld [tilespmem:$0x410];
	_ =	sdelay $0x4  }
0x281: {  	v5 =	vshll.u32 v4, $0x2  }
0x282: {  	v4 =	vand.u32 $0x7, v4;
	v5 =	vand.u32 $0xFFFFFFE0, v5  }
0x283: {  	v4 =	vor.u32 v4, v5  }
0x284: {  	v5 =	vperm.xlane v4, v1;
	_ =	sdelay $0x1  }
0x285: {  	v5 =	vadd.s32 v2, v5;
	_ =	sdelay $0x1  }
0x286: {  	v4 =	vperm.xlane v4, v3;
	_ =	sdelay $0x1  }
0x287: {  	s18 =	simm.s32 $0x2800;
	v4 =	vadd.s32 v2, v4  }
0x288: {  	[tilespmem:s18], [sflag:$0x1] =	stream.indirect_vreg.gather [hbm4b:s1+s3], $0x80, v5, vm0, $0xb8;
	[tilespmem:$0x10800] =	vst v63  }
0x289: {  	s20 =	simm.s32 $0x3000  }
0x28a: {  	[tilespmem:s20], [sflag:$0x1] =	stream.indirect_vreg.gather [hbm4b:s6+s3], $0x80, v5, vm0, $0xb8;
	[tilespmem:$0x10800] =	vst v63  }
0x28b: {  	s23 =	simm.s32 $0x3800  }
0x28c: {  	[tilespmem:s23], [sflag:$0x1] =	stream.indirect_vreg.gather [hbm4b:s1+s3], $0x80, v4, vm0, $0xb8;
	[tilespmem:$0x10800] =	vst v63  }
0x28d: {  	s26 =	simm.s32 $0x4000  }
0x28e: {  	[tilespmem:s26], [sflag:$0x1] =	stream.indirect_vreg.gather [hbm4b:s6+s3], $0x80, v4, vm0, $0xb8;
	[tilespmem:$0x10800] =	vst v63  }
0x28f: {  	v4 =	vld [tilespmem:$0x420];
	_ =	sdelay $0x4  }
0x290: {  	v5 =	vshll.u32 v4, $0x2  }
0x291: {  	v4 =	vand.u32 $0x7, v4;
	v5 =	vand.u32 $0xFFFFFFE0, v5  }
0x292: {  	v4 =	vor.u32 v4, v5  }
0x293: {  	v5 =	vperm.xlane v4, v1;
	_ =	sdelay $0x1  }
0x294: {  	v5 =	vadd.s32 v2, v5;
	_ =	sdelay $0x1  }
0x295: {  	v4 =	vperm.xlane v4, v3;
	_ =	sdelay $0x1  }
0x296: {  	s26 =	simm.s32 $0x4800;
	v4 =	vadd.s32 v2, v4  }
0x297: {  	[tilespmem:s26], [sflag:$0x1] =	stream.indirect_vreg.gather [hbm4b:s1+s3], $0x80, v5, vm0, $0xb8;
	[tilespmem:$0x10800] =	vst v63  }
0x298: {  	s28 =	simm.s32 $0x5000  }
0x299: {  	[tilespmem:s28], [sflag:$0x1] =	stream.indirect_vreg.gather [hbm4b:s6+s3], $0x80, v5, vm0, $0xb8;
	[tilespmem:$0x10800] =	vst v63  }
0x29a: {  	s29 =	simm.s32 $0x5800  }
0x29b: {  	[tilespmem:s29], [sflag:$0x1] =	stream.indirect_vreg.gather [hbm4b:s1+s3], $0x80, v4, vm0, $0xb8;
	[tilespmem:$0x10800] =	vst v63  }
0x29c: {  	s30 =	simm.s32 $0x6000  }
0x29d: {  	[tilespmem:s30], [sflag:$0x1] =	stream.indirect_vreg.gather [hbm4b:s6+s3], $0x80, v4, vm0, $0xb8;
	[tilespmem:$0x10800] =	vst v63  }
0x29e: {  	v4 =	vld [tilespmem:$0x430];
	_ =	sdelay $0x4  }
0x29f: {  	v5 =	vshll.u32 v4, $0x2  }
0x2a0: {  	v4 =	vand.u32 $0x7, v4;
	v5 =	vand.u32 $0xFFFFFFE0, v5  }
0x2a1: {  	v4 =	vor.u32 v4, v5  }
0x2a2: {  	v5 =	vperm.xlane v4, v1;
	_ =	sdelay $0x1  }
0x2a3: {  	v5 =	vadd.s32 v2, v5;
	_ =	sdelay $0x1  }
0x2a4: {  	v4 =	vperm.xlane v4, v3;
	_ =	sdelay $0x1  }
0x2a5: {  	s31 =	simm.s32 $0x6800;
	v4 =	vadd.s32 v2, v4  }
0x2a6: {  	[tilespmem:s31], [sflag:$0x1] =	stream.indirect_vreg.gather [hbm4b:s1+s3], $0x80, v5, vm0, $0xb8;
	[tilespmem:$0x10800] =	vst v63  }
0x2a7: {  	s18 =	simm.s32 $0x7000  }
0x2a8: {  	[tilespmem:s18], [sflag:$0x1] =	stream.indirect_vreg.gather [hbm4b:s6+s3], $0x80, v5, vm0, $0xb8;
	[tilespmem:$0x10800] =	vst v63  }
0x2a9: {  	s19 =	simm.s32 $0x7800  }
0x2aa: {  	[tilespmem:s19], [sflag:$0x1] =	stream.indirect_vreg.gather [hbm4b:s1+s3], $0x80, v4, vm0, $0xb8;
	[tilespmem:$0x10800] =	vst v63  }
0x2ab: {  	s21 =	simm.s32 $0x8000  }
0x2ac: {  	[tilespmem:s21], [sflag:$0x1] =	stream.indirect_vreg.gather [hbm4b:s6+s3], $0x80, v4, vm0, $0xb8;
	[tilespmem:$0x10800] =	vst v63  }
0x2ad: {  	_ =	swait.ge [sflag:s5], $0x8000  }
0x2ae: {  	[sflag:s5] =	ssyncset.done $0x0  }
0x2af: {  	s19 =	rddreg [dreg:$0xb];
	[sflag:s5] =	ssyncadd.s32 $0xFFFF8000  }
0x2b0: {  	[hbm4b:s19+s3] =	stream.linear.scatter [tilespmem:s2], [sflag:$0x2], $0x8000, $0x38;
	[tilespmem:$0x10800] =	vst v63  }
0x2b1: {  	_ =	swait.ge [sflag:s16], $0x8000  }
0x2b2: {  	[sflag:s16] =	ssyncset.done $0x0  }
0x2b3: {  	[sflag:s16] =	ssyncadd.s32 $0xFFFF8000  }
0x2b4: {  	v4 =	vld [tilespmem:$0x480];
	_ =	sdelay $0x4  }
0x2b5: {  	v5 =	vshll.u32 v4, $0x2  }
0x2b6: {  	v4 =	vand.u32 $0x7, v4;
	v5 =	vand.u32 $0xFFFFFFE0, v5  }
0x2b7: {  	v4 =	vor.u32 v4, v5  }
0x2b8: {  	v5 =	vperm.xlane v4, v1;
	_ =	sdelay $0x1  }
0x2b9: {  	v5 =	vadd.s32 v2, v5;
	_ =	sdelay $0x1  }
0x2ba: {  	v4 =	vperm.xlane v4, v3;
	_ =	sdelay $0x1  }
0x2bb: {  	v4 =	vadd.s32 v2, v4  }
0x2bc: {  	[tilespmem:s2], [sflag:$0x1] =	stream.indirect_vreg.gather [hbm4b:s1+s3], $0x80, v5, vm0, $0xb8;
	[tilespmem:$0x10800] =	vst v63  }
0x2bd: {  	s22 =	simm.s32 $0x9000  }
0x2be: {  	[tilespmem:s22], [sflag:$0x1] =	stream.indirect_vreg.gather [hbm4b:s6+s3], $0x80, v5, vm0, $0xb8;
	[tilespmem:$0x10800] =	vst v63  }
0x2bf: {  	s24 =	simm.s32 $0x9800  }
0x2c0: {  	[tilespmem:s24], [sflag:$0x1] =	stream.indirect_vreg.gather [hbm4b:s1+s3], $0x80, v4, vm0, $0xb8;
	[tilespmem:$0x10800] =	vst v63  }
0x2c1: {  	s21 =	simm.s32 $0xA000  }
0x2c2: {  	[tilespmem:s21], [sflag:$0x1] =	stream.indirect_vreg.gather [hbm4b:s6+s3], $0x80, v4, vm0, $0xb8;
	[tilespmem:$0x10800] =	vst v63  }
0x2c3: {  	v4 =	vld [tilespmem:$0x490];
	_ =	sdelay $0x4  }
0x2c4: {  	v5 =	vshll.u32 v4, $0x2  }
0x2c5: {  	v4 =	vand.u32 $0x7, v4;
	v5 =	vand.u32 $0xFFFFFFE0, v5  }
0x2c6: {  	v4 =	vor.u32 v4, v5  }
0x2c7: {  	v5 =	vperm.xlane v4, v1;
	_ =	sdelay $0x1  }
0x2c8: {  	v5 =	vadd.s32 v2, v5;
	_ =	sdelay $0x1  }
0x2c9: {  	v4 =	vperm.xlane v4, v3;
	_ =	sdelay $0x1  }
0x2ca: {  	s24 =	simm.s32 $0xA800;
	v4 =	vadd.s32 v2, v4  }
0x2cb: {  	[tilespmem:s24], [sflag:$0x1] =	stream.indirect_vreg.gather [hbm4b:s1+s3], $0x80, v5, vm0, $0xb8;
	[tilespmem:$0x10800] =	vst v63  }
0x2cc: {  	s15 =	simm.s32 $0xB000  }
0x2cd: {  	[tilespmem:s15], [sflag:$0x1] =	stream.indirect_vreg.gather [hbm4b:s6+s3], $0x80, v5, vm0, $0xb8;
	[tilespmem:$0x10800] =	vst v63  }
0x2ce: {  	s13 =	simm.s32 $0xB800  }
0x2cf: {  	[tilespmem:s13], [sflag:$0x1] =	stream.indirect_vreg.gather [hbm4b:s1+s3], $0x80, v4, vm0, $0xb8;
	[tilespmem:$0x10800] =	vst v63  }
0x2d0: {  	s17 =	simm.s32 $0xC000  }
0x2d1: {  	[tilespmem:s17], [sflag:$0x1] =	stream.indirect_vreg.gather [hbm4b:s6+s3], $0x80, v4, vm0, $0xb8;
	[tilespmem:$0x10800] =	vst v63  }
0x2d2: {  	v4 =	vld [tilespmem:$0x4A0];
	_ =	sdelay $0x4  }
0x2d3: {  	v5 =	vshll.u32 v4, $0x2  }
0x2d4: {  	v4 =	vand.u32 $0x7, v4;
	v5 =	vand.u32 $0xFFFFFFE0, v5  }
0x2d5: {  	v4 =	vor.u32 v4, v5  }
0x2d6: {  	v5 =	vperm.xlane v4, v1;
	_ =	sdelay $0x1  }
0x2d7: {  	v5 =	vadd.s32 v2, v5;
	_ =	sdelay $0x1  }
0x2d8: {  	v4 =	vperm.xlane v4, v3;
	_ =	sdelay $0x1  }
0x2d9: {  	s14 =	simm.s32 $0xC800;
	v4 =	vadd.s32 v2, v4  }
0x2da: {  	[tilespmem:s14], [sflag:$0x1] =	stream.indirect_vreg.gather [hbm4b:s1+s3], $0x80, v5, vm0, $0xb8;
	[tilespmem:$0x10800] =	vst v63  }
0x2db: {  	s0 =	simm.s32 $0xD000  }
0x2dc: {  	[tilespmem:s0], [sflag:$0x1] =	stream.indirect_vreg.gather [hbm4b:s6+s3], $0x80, v5, vm0, $0xb8;
	[tilespmem:$0x10800] =	vst v63  }
0x2dd: {  	s11 =	simm.s32 $0xD800  }
0x2de: {  	[tilespmem:s11], [sflag:$0x1] =	stream.indirect_vreg.gather [hbm4b:s1+s3], $0x80, v4, vm0, $0xb8;
	[tilespmem:$0x10800] =	vst v63  }
0x2df: {  	s9 =	simm.s32 $0xE000  }
0x2e0: {  	[tilespmem:s9], [sflag:$0x1] =	stream.indirect_vreg.gather [hbm4b:s6+s3], $0x80, v4, vm0, $0xb8;
	[tilespmem:$0x10800] =	vst v63  }
0x2e1: {  	v4 =	vld [tilespmem:$0x4B0];
	_ =	sdelay $0x4  }
0x2e2: {  	v5 =	vshll.u32 v4, $0x2  }
0x2e3: {  	v4 =	vand.u32 $0x7, v4;
	v5 =	vand.u32 $0xFFFFFFE0, v5  }
0x2e4: {  	v4 =	vor.u32 v4, v5  }
0x2e5: {  	v5 =	vperm.xlane v4, v1;
	_ =	sdelay $0x1  }
0x2e6: {  	v5 =	vadd.s32 v2, v5;
	_ =	sdelay $0x1  }
0x2e7: {  	v4 =	vperm.xlane v4, v3;
	_ =	sdelay $0x1  }
0x2e8: {  	s10 =	simm.s32 $0xE800;
	v4 =	vadd.s32 v2, v4  }
0x2e9: {  	[tilespmem:s10], [sflag:$0x1] =	stream.indirect_vreg.gather [hbm4b:s1+s3], $0x80, v5, vm0, $0xb8;
	[tilespmem:$0x10800] =	vst v63  }
0x2ea: {  	s4 =	simm.s32 $0xF000  }
0x2eb: {  	[tilespmem:s4], [sflag:$0x1] =	stream.indirect_vreg.gather [hbm4b:s6+s3], $0x80, v5, vm0, $0xb8;
	[tilespmem:$0x10800] =	vst v63  }
0x2ec: {  	s7 =	simm.s32 $0xF800  }
0x2ed: {  	[tilespmem:s7], [sflag:$0x1] =	stream.indirect_vreg.gather [hbm4b:s1+s3], $0x80, v4, vm0, $0xb8;
	[tilespmem:$0x10800] =	vst v63  }
0x2ee: {  	s8 =	simm.s32 $0x10000  }
0x2ef: {  	[tilespmem:s8], [sflag:$0x1] =	stream.indirect_vreg.gather [hbm4b:s6+s3], $0x80, v4, vm0, $0xb8;
	[tilespmem:$0x10800] =	vst v63  }
0x2f0: {  	_ =	swait.ge [sflag:s5], $0x8000  }
0x2f1: {  	[sflag:s5] =	ssyncset.done $0x0  }
0x2f2: {  	s8 =	rddreg [dreg:$0xc];
	[sflag:s5] =	ssyncadd.s32 $0xFFFF8000  }
0x2f3: {  	[hbm4b:s8+s3] =	stream.linear.scatter [tilespmem:s25], [sflag:$0x2], $0x8000, $0x38;
	[tilespmem:$0x10800] =	vst v63  }
0x2f4: {  	_ =	swait.ge [sflag:s16], $0x8000  }
0x2f5: {  	[sflag:s16] =	ssyncset.done $0x0  }
0x2f6: {  	[sflag:s16] =	ssyncadd.s32 $0xFFFF8000  }
0x2f7: {  	v4 =	vld [tilespmem:$0x500];
	_ =	sdelay $0x4  }
0x2f8: {  	v5 =	vshll.u32 v4, $0x2  }
0x2f9: {  	v4 =	vand.u32 $0x7, v4;
	v5 =	vand.u32 $0xFFFFFFE0, v5  }
0x2fa: {  	v4 =	vor.u32 v4, v5  }
0x2fb: {  	v5 =	vperm.xlane v4, v1;
	_ =	sdelay $0x1  }
0x2fc: {  	v5 =	vadd.s32 v2, v5;
	_ =	sdelay $0x1  }
0x2fd: {  	v4 =	vperm.xlane v4, v3;
	_ =	sdelay $0x1  }
0x2fe: {  	v4 =	vadd.s32 v2, v4  }
0x2ff: {  	[tilespmem:s25], [sflag:$0x1] =	stream.indirect_vreg.gather [hbm4b:s1+s3], $0x80, v5, vm0, $0xb8;
	[tilespmem:$0x10800] =	vst v63  }
0x300: {  	s17 =	simm.s32 $0x1000  }
0x301: {  	[tilespmem:s17], [sflag:$0x1] =	stream.indirect_vreg.gather [hbm4b:s6+s3], $0x80, v5, vm0, $0xb8;
	[tilespmem:$0x10800] =	vst v63  }
0x302: {  	s17 =	simm.s32 $0x1800  }
0x303: {  	[tilespmem:s17], [sflag:$0x1] =	stream.indirect_vreg.gather [hbm4b:s1+s3], $0x80, v4, vm0, $0xb8;
	[tilespmem:$0x10800] =	vst v63  }
0x304: {  	s12 =	simm.s32 $0x2000  }
0x305: {  	[tilespmem:s12], [sflag:$0x1] =	stream.indirect_vreg.gather [hbm4b:s6+s3], $0x80, v4, vm0, $0xb8;
	[tilespmem:$0x10800] =	vst v63  }
0x306: {  	v4 =	vld [tilespmem:$0x510];
	_ =	sdelay $0x4  }
0x307: {  	v5 =	vshll.u32 v4, $0x2  }
0x308: {  	v4 =	vand.u32 $0x7, v4;
	v5 =	vand.u32 $0xFFFFFFE0, v5  }
0x309: {  	v4 =	vor.u32 v4, v5  }
0x30a: {  	v5 =	vperm.xlane v4, v1;
	_ =	sdelay $0x1  }
0x30b: {  	v5 =	vadd.s32 v2, v5;
	_ =	sdelay $0x1  }
0x30c: {  	v4 =	vperm.xlane v4, v3;
	_ =	sdelay $0x1  }
0x30d: {  	s17 =	simm.s32 $0x2800;
	v4 =	vadd.s32 v2, v4  }
0x30e: {  	[tilespmem:s17], [sflag:$0x1] =	stream.indirect_vreg.gather [hbm4b:s1+s3], $0x80, v5, vm0, $0xb8;
	[tilespmem:$0x10800] =	vst v63  }
0x30f: {  	s17 =	simm.s32 $0x3000  }
0x310: {  	[tilespmem:s17], [sflag:$0x1] =	stream.indirect_vreg.gather [hbm4b:s6+s3], $0x80, v5, vm0, $0xb8;
	[tilespmem:$0x10800] =	vst v63  }
0x311: {  	s20 =	simm.s32 $0x3800  }
0x312: {  	[tilespmem:s20], [sflag:$0x1] =	stream.indirect_vreg.gather [hbm4b:s1+s3], $0x80, v4, vm0, $0xb8;
	[tilespmem:$0x10800] =	vst v63  }
0x313: {  	s23 =	simm.s32 $0x4000  }
0x314: {  	[tilespmem:s23], [sflag:$0x1] =	stream.indirect_vreg.gather [hbm4b:s6+s3], $0x80, v4, vm0, $0xb8;
	[tilespmem:$0x10800] =	vst v63  }
0x315: {  	v4 =	vld [tilespmem:$0x520];
	_ =	sdelay $0x4  }
0x316: {  	v5 =	vshll.u32 v4, $0x2  }
0x317: {  	v4 =	vand.u32 $0x7, v4;
	v5 =	vand.u32 $0xFFFFFFE0, v5  }
0x318: {  	v4 =	vor.u32 v4, v5  }
0x319: {  	v5 =	vperm.xlane v4, v1;
	_ =	sdelay $0x1  }
0x31a: {  	v5 =	vadd.s32 v2, v5;
	_ =	sdelay $0x1  }
0x31b: {  	v4 =	vperm.xlane v4, v3;
	_ =	sdelay $0x1  }
0x31c: {  	s17 =	simm.s32 $0x4800;
	v4 =	vadd.s32 v2, v4  }
0x31d: {  	[tilespmem:s17], [sflag:$0x1] =	stream.indirect_vreg.gather [hbm4b:s1+s3], $0x80, v5, vm0, $0xb8;
	[tilespmem:$0x10800] =	vst v63  }
0x31e: {  	s26 =	simm.s32 $0x5000  }
0x31f: {  	[tilespmem:s26], [sflag:$0x1] =	stream.indirect_vreg.gather [hbm4b:s6+s3], $0x80, v5, vm0, $0xb8;
	[tilespmem:$0x10800] =	vst v63  }
0x320: {  	s28 =	simm.s32 $0x5800  }
0x321: {  	[tilespmem:s28], [sflag:$0x1] =	stream.indirect_vreg.gather [hbm4b:s1+s3], $0x80, v4, vm0, $0xb8;
	[tilespmem:$0x10800] =	vst v63  }
0x322: {  	s29 =	simm.s32 $0x6000  }
0x323: {  	[tilespmem:s29], [sflag:$0x1] =	stream.indirect_vreg.gather [hbm4b:s6+s3], $0x80, v4, vm0, $0xb8;
	[tilespmem:$0x10800] =	vst v63  }
0x324: {  	v4 =	vld [tilespmem:$0x530];
	_ =	sdelay $0x4  }
0x325: {  	v5 =	vshll.u32 v4, $0x2  }
0x326: {  	v4 =	vand.u32 $0x7, v4;
	v5 =	vand.u32 $0xFFFFFFE0, v5  }
0x327: {  	v4 =	vor.u32 v4, v5  }
0x328: {  	v5 =	vperm.xlane v4, v1;
	_ =	sdelay $0x1  }
0x329: {  	v5 =	vadd.s32 v2, v5;
	_ =	sdelay $0x1  }
0x32a: {  	v4 =	vperm.xlane v4, v3;
	_ =	sdelay $0x1  }
0x32b: {  	s30 =	simm.s32 $0x6800;
	v4 =	vadd.s32 v2, v4  }
0x32c: {  	[tilespmem:s30], [sflag:$0x1] =	stream.indirect_vreg.gather [hbm4b:s1+s3], $0x80, v5, vm0, $0xb8;
	[tilespmem:$0x10800] =	vst v63  }
0x32d: {  	s17 =	simm.s32 $0x7000  }
0x32e: {  	[tilespmem:s17], [sflag:$0x1] =	stream.indirect_vreg.gather [hbm4b:s6+s3], $0x80, v5, vm0, $0xb8;
	[tilespmem:$0x10800] =	vst v63  }
0x32f: {  	s31 =	simm.s32 $0x7800  }
0x330: {  	[tilespmem:s31], [sflag:$0x1] =	stream.indirect_vreg.gather [hbm4b:s1+s3], $0x80, v4, vm0, $0xb8;
	[tilespmem:$0x10800] =	vst v63  }
0x331: {  	s18 =	simm.s32 $0x8000  }
0x332: {  	[tilespmem:s18], [sflag:$0x1] =	stream.indirect_vreg.gather [hbm4b:s6+s3], $0x80, v4, vm0, $0xb8;
	[tilespmem:$0x10800] =	vst v63  }
0x333: {  	_ =	swait.ge [sflag:s5], $0x8000  }
0x334: {  	[sflag:s5] =	ssyncset.done $0x0  }
0x335: {  	s18 =	rddreg [dreg:$0xd];
	[sflag:s5] =	ssyncadd.s32 $0xFFFF8000  }
0x336: {  	[hbm4b:s18+s3] =	stream.linear.scatter [tilespmem:s2], [sflag:$0x2], $0x8000, $0x38;
	[tilespmem:$0x10800] =	vst v63  }
0x337: {  	_ =	swait.ge [sflag:s16], $0x8000  }
0x338: {  	[sflag:s16] =	ssyncset.done $0x0  }
0x339: {  	[sflag:s16] =	ssyncadd.s32 $0xFFFF8000  }
0x33a: {  	v4 =	vld [tilespmem:$0x580];
	_ =	sdelay $0x4  }
0x33b: {  	v5 =	vshll.u32 v4, $0x2  }
0x33c: {  	v4 =	vand.u32 $0x7, v4;
	v5 =	vand.u32 $0xFFFFFFE0, v5  }
0x33d: {  	v4 =	vor.u32 v4, v5  }
0x33e: {  	v5 =	vperm.xlane v4, v1;
	_ =	sdelay $0x1  }
0x33f: {  	v5 =	vadd.s32 v2, v5;
	_ =	sdelay $0x1  }
0x340: {  	v4 =	vperm.xlane v4, v3;
	_ =	sdelay $0x1  }
0x341: {  	v4 =	vadd.s32 v2, v4  }
0x342: {  	[tilespmem:s2], [sflag:$0x1] =	stream.indirect_vreg.gather [hbm4b:s1+s3], $0x80, v5, vm0, $0xb8;
	[tilespmem:$0x10800] =	vst v63  }
0x343: {  	s22 =	simm.s32 $0x9000  }
0x344: {  	[tilespmem:s22], [sflag:$0x1] =	stream.indirect_vreg.gather [hbm4b:s6+s3], $0x80, v5, vm0, $0xb8;
	[tilespmem:$0x10800] =	vst v63  }
0x345: {  	s19 =	simm.s32 $0x9800  }
0x346: {  	[tilespmem:s19], [sflag:$0x1] =	stream.indirect_vreg.gather [hbm4b:s1+s3], $0x80, v4, vm0, $0xb8;
	[tilespmem:$0x10800] =	vst v63  }
0x347: {  	s22 =	simm.s32 $0xA000  }
0x348: {  	[tilespmem:s22], [sflag:$0x1] =	stream.indirect_vreg.gather [hbm4b:s6+s3], $0x80, v4, vm0, $0xb8;
	[tilespmem:$0x10800] =	vst v63  }
0x349: {  	v4 =	vld [tilespmem:$0x590];
	_ =	sdelay $0x4  }
0x34a: {  	v5 =	vshll.u32 v4, $0x2  }
0x34b: {  	v4 =	vand.u32 $0x7, v4;
	v5 =	vand.u32 $0xFFFFFFE0, v5  }
0x34c: {  	v4 =	vor.u32 v4, v5  }
0x34d: {  	v5 =	vperm.xlane v4, v1;
	_ =	sdelay $0x1  }
0x34e: {  	v5 =	vadd.s32 v2, v5;
	_ =	sdelay $0x1  }
0x34f: {  	v4 =	vperm.xlane v4, v3;
	_ =	sdelay $0x1  }
0x350: {  	s24 =	simm.s32 $0xA800;
	v4 =	vadd.s32 v2, v4  }
0x351: {  	[tilespmem:s24], [sflag:$0x1] =	stream.indirect_vreg.gather [hbm4b:s1+s3], $0x80, v5, vm0, $0xb8;
	[tilespmem:$0x10800] =	vst v63  }
0x352: {  	s15 =	simm.s32 $0xB000  }
0x353: {  	[tilespmem:s15], [sflag:$0x1] =	stream.indirect_vreg.gather [hbm4b:s6+s3], $0x80, v5, vm0, $0xb8;
	[tilespmem:$0x10800] =	vst v63  }
0x354: {  	s21 =	simm.s32 $0xB800  }
0x355: {  	[tilespmem:s21], [sflag:$0x1] =	stream.indirect_vreg.gather [hbm4b:s1+s3], $0x80, v4, vm0, $0xb8;
	[tilespmem:$0x10800] =	vst v63  }
0x356: {  	s24 =	simm.s32 $0xC000  }
0x357: {  	[tilespmem:s24], [sflag:$0x1] =	stream.indirect_vreg.gather [hbm4b:s6+s3], $0x80, v4, vm0, $0xb8;
	[tilespmem:$0x10800] =	vst v63  }
0x358: {  	v4 =	vld [tilespmem:$0x5A0];
	_ =	sdelay $0x4  }
0x359: {  	v5 =	vshll.u32 v4, $0x2  }
0x35a: {  	v4 =	vand.u32 $0x7, v4;
	v5 =	vand.u32 $0xFFFFFFE0, v5  }
0x35b: {  	v4 =	vor.u32 v4, v5  }
0x35c: {  	v5 =	vperm.xlane v4, v1;
	_ =	sdelay $0x1  }
0x35d: {  	v5 =	vadd.s32 v2, v5;
	_ =	sdelay $0x1  }
0x35e: {  	v4 =	vperm.xlane v4, v3;
	_ =	sdelay $0x1  }
0x35f: {  	s14 =	simm.s32 $0xC800;
	v4 =	vadd.s32 v2, v4  }
0x360: {  	[tilespmem:s14], [sflag:$0x1] =	stream.indirect_vreg.gather [hbm4b:s1+s3], $0x80, v5, vm0, $0xb8;
	[tilespmem:$0x10800] =	vst v63  }
0x361: {  	s13 =	simm.s32 $0xD000  }
0x362: {  	[tilespmem:s13], [sflag:$0x1] =	stream.indirect_vreg.gather [hbm4b:s6+s3], $0x80, v5, vm0, $0xb8;
	[tilespmem:$0x10800] =	vst v63  }
0x363: {  	s11 =	simm.s32 $0xD800  }
0x364: {  	[tilespmem:s11], [sflag:$0x1] =	stream.indirect_vreg.gather [hbm4b:s1+s3], $0x80, v4, vm0, $0xb8;
	[tilespmem:$0x10800] =	vst v63  }
0x365: {  	s0 =	simm.s32 $0xE000  }
0x366: {  	[tilespmem:s0], [sflag:$0x1] =	stream.indirect_vreg.gather [hbm4b:s6+s3], $0x80, v4, vm0, $0xb8;
	[tilespmem:$0x10800] =	vst v63  }
0x367: {  	v4 =	vld [tilespmem:$0x5B0];
	_ =	sdelay $0x4  }
0x368: {  	v5 =	vshll.u32 v4, $0x2  }
0x369: {  	v4 =	vand.u32 $0x7, v4;
	v5 =	vand.u32 $0xFFFFFFE0, v5  }
0x36a: {  	v4 =	vor.u32 v4, v5  }
0x36b: {  	v5 =	vperm.xlane v4, v1;
	_ =	sdelay $0x1  }
0x36c: {  	v5 =	vadd.s32 v2, v5;
	_ =	sdelay $0x1  }
0x36d: {  	v4 =	vperm.xlane v4, v3;
	_ =	sdelay $0x1  }
0x36e: {  	s9 =	simm.s32 $0xE800;
	v4 =	vadd.s32 v2, v4  }
0x36f: {  	[tilespmem:s9], [sflag:$0x1] =	stream.indirect_vreg.gather [hbm4b:s1+s3], $0x80, v5, vm0, $0xb8;
	[tilespmem:$0x10800] =	vst v63  }
0x370: {  	s10 =	simm.s32 $0xF000  }
0x371: {  	[tilespmem:s10], [sflag:$0x1] =	stream.indirect_vreg.gather [hbm4b:s6+s3], $0x80, v5, vm0, $0xb8;
	[tilespmem:$0x10800] =	vst v63  }
0x372: {  	s4 =	simm.s32 $0xF800  }
0x373: {  	[tilespmem:s4], [sflag:$0x1] =	stream.indirect_vreg.gather [hbm4b:s1+s3], $0x80, v4, vm0, $0xb8;
	[tilespmem:$0x10800] =	vst v63  }
0x374: {  	s7 =	simm.s32 $0x10000  }
0x375: {  	[tilespmem:s7], [sflag:$0x1] =	stream.indirect_vreg.gather [hbm4b:s6+s3], $0x80, v4, vm0, $0xb8;
	[tilespmem:$0x10800] =	vst v63  }
0x376: {  	_ =	swait.ge [sflag:s5], $0x8000  }
0x377: {  	[sflag:s5] =	ssyncset.done $0x0  }
0x378: {  	s4 =	rddreg [dreg:$0xe];
	[sflag:s5] =	ssyncadd.s32 $0xFFFF8000  }
0x379: {  	[hbm4b:s4+s3] =	stream.linear.scatter [tilespmem:s25], [sflag:$0x2], $0x8000, $0x38;
	[tilespmem:$0x10800] =	vst v63  }
0x37a: {  	_ =	swait.ge [sflag:s16], $0x8000  }
0x37b: {  	[sflag:s16] =	ssyncset.done $0x0  }
0x37c: {  	[sflag:s16] =	ssyncadd.s32 $0xFFFF8000  }
0x37d: {  	v4 =	vld [tilespmem:$0x600];
	_ =	sdelay $0x4  }
0x37e: {  	v5 =	vshll.u32 v4, $0x2  }
0x37f: {  	v4 =	vand.u32 $0x7, v4;
	v5 =	vand.u32 $0xFFFFFFE0, v5  }
0x380: {  	v4 =	vor.u32 v4, v5  }
0x381: {  	v5 =	vperm.xlane v4, v1;
	_ =	sdelay $0x1  }
0x382: {  	v5 =	vadd.s32 v2, v5;
	_ =	sdelay $0x1  }
0x383: {  	v4 =	vperm.xlane v4, v3;
	_ =	sdelay $0x1  }
0x384: {  	v4 =	vadd.s32 v2, v4  }
0x385: {  	[tilespmem:s25], [sflag:$0x1] =	stream.indirect_vreg.gather [hbm4b:s1+s3], $0x80, v5, vm0, $0xb8;
	[tilespmem:$0x10800] =	vst v63  }
0x386: {  	s7 =	simm.s32 $0x1000  }
0x387: {  	[tilespmem:s7], [sflag:$0x1] =	stream.indirect_vreg.gather [hbm4b:s6+s3], $0x80, v5, vm0, $0xb8;
	[tilespmem:$0x10800] =	vst v63  }
0x388: {  	s10 =	simm.s32 $0x1800  }
0x389: {  	[tilespmem:s10], [sflag:$0x1] =	stream.indirect_vreg.gather [hbm4b:s1+s3], $0x80, v4, vm0, $0xb8;
	[tilespmem:$0x10800] =	vst v63  }
0x38a: {  	s8 =	simm.s32 $0x2000  }
0x38b: {  	[tilespmem:s8], [sflag:$0x1] =	stream.indirect_vreg.gather [hbm4b:s6+s3], $0x80, v4, vm0, $0xb8;
	[tilespmem:$0x10800] =	vst v63  }
0x38c: {  	v4 =	vld [tilespmem:$0x610];
	_ =	sdelay $0x4  }
0x38d: {  	v5 =	vshll.u32 v4, $0x2  }
0x38e: {  	v4 =	vand.u32 $0x7, v4;
	v5 =	vand.u32 $0xFFFFFFE0, v5  }
0x38f: {  	v4 =	vor.u32 v4, v5  }
0x390: {  	v5 =	vperm.xlane v4, v1;
	_ =	sdelay $0x1  }
0x391: {  	v5 =	vadd.s32 v2, v5;
	_ =	sdelay $0x1  }
0x392: {  	v4 =	vperm.xlane v4, v3;
	_ =	sdelay $0x1  }
0x393: {  	s11 =	simm.s32 $0x2800;
	v4 =	vadd.s32 v2, v4  }
0x394: {  	[tilespmem:s11], [sflag:$0x1] =	stream.indirect_vreg.gather [hbm4b:s1+s3], $0x80, v5, vm0, $0xb8;
	[tilespmem:$0x10800] =	vst v63  }
0x395: {  	s17 =	simm.s32 $0x3000  }
0x396: {  	[tilespmem:s17], [sflag:$0x1] =	stream.indirect_vreg.gather [hbm4b:s6+s3], $0x80, v5, vm0, $0xb8;
	[tilespmem:$0x10800] =	vst v63  }
0x397: {  	s20 =	simm.s32 $0x3800  }
0x398: {  	[tilespmem:s20], [sflag:$0x1] =	stream.indirect_vreg.gather [hbm4b:s1+s3], $0x80, v4, vm0, $0xb8;
	[tilespmem:$0x10800] =	vst v63  }
0x399: {  	s23 =	simm.s32 $0x4000  }
0x39a: {  	[tilespmem:s23], [sflag:$0x1] =	stream.indirect_vreg.gather [hbm4b:s6+s3], $0x80, v4, vm0, $0xb8;
	[tilespmem:$0x10800] =	vst v63  }
0x39b: {  	v4 =	vld [tilespmem:$0x620];
	_ =	sdelay $0x4  }
0x39c: {  	v5 =	vshll.u32 v4, $0x2  }
0x39d: {  	v4 =	vand.u32 $0x7, v4;
	v5 =	vand.u32 $0xFFFFFFE0, v5  }
0x39e: {  	v4 =	vor.u32 v4, v5  }
0x39f: {  	v5 =	vperm.xlane v4, v1;
	_ =	sdelay $0x1  }
0x3a0: {  	v5 =	vadd.s32 v2, v5;
	_ =	sdelay $0x1  }
0x3a1: {  	v4 =	vperm.xlane v4, v3;
	_ =	sdelay $0x1  }
0x3a2: {  	s24 =	simm.s32 $0x4800;
	v4 =	vadd.s32 v2, v4  }
0x3a3: {  	[tilespmem:s24], [sflag:$0x1] =	stream.indirect_vreg.gather [hbm4b:s1+s3], $0x80, v5, vm0, $0xb8;
	[tilespmem:$0x10800] =	vst v63  }
0x3a4: {  	s26 =	simm.s32 $0x5000  }
0x3a5: {  	[tilespmem:s26], [sflag:$0x1] =	stream.indirect_vreg.gather [hbm4b:s6+s3], $0x80, v5, vm0, $0xb8;
	[tilespmem:$0x10800] =	vst v63  }
0x3a6: {  	s28 =	simm.s32 $0x5800  }
0x3a7: {  	[tilespmem:s28], [sflag:$0x1] =	stream.indirect_vreg.gather [hbm4b:s1+s3], $0x80, v4, vm0, $0xb8;
	[tilespmem:$0x10800] =	vst v63  }
0x3a8: {  	s29 =	simm.s32 $0x6000  }
0x3a9: {  	[tilespmem:s29], [sflag:$0x1] =	stream.indirect_vreg.gather [hbm4b:s6+s3], $0x80, v4, vm0, $0xb8;
	[tilespmem:$0x10800] =	vst v63  }
0x3aa: {  	v4 =	vld [tilespmem:$0x630];
	_ =	sdelay $0x4  }
0x3ab: {  	v5 =	vshll.u32 v4, $0x2  }
0x3ac: {  	v4 =	vand.u32 $0x7, v4;
	v5 =	vand.u32 $0xFFFFFFE0, v5  }
0x3ad: {  	v4 =	vor.u32 v4, v5  }
0x3ae: {  	v5 =	vperm.xlane v4, v1;
	_ =	sdelay $0x1  }
0x3af: {  	v5 =	vadd.s32 v2, v5;
	_ =	sdelay $0x1  }
0x3b0: {  	v4 =	vperm.xlane v4, v3;
	_ =	sdelay $0x1  }
0x3b1: {  	s30 =	simm.s32 $0x6800;
	v4 =	vadd.s32 v2, v4  }
0x3b2: {  	[tilespmem:s30], [sflag:$0x1] =	stream.indirect_vreg.gather [hbm4b:s1+s3], $0x80, v5, vm0, $0xb8;
	[tilespmem:$0x10800] =	vst v63  }
0x3b3: {  	s28 =	simm.s32 $0x7000  }
0x3b4: {  	[tilespmem:s28], [sflag:$0x1] =	stream.indirect_vreg.gather [hbm4b:s6+s3], $0x80, v5, vm0, $0xb8;
	[tilespmem:$0x10800] =	vst v63  }
0x3b5: {  	s29 =	simm.s32 $0x7800  }
0x3b6: {  	[tilespmem:s29], [sflag:$0x1] =	stream.indirect_vreg.gather [hbm4b:s1+s3], $0x80, v4, vm0, $0xb8;
	[tilespmem:$0x10800] =	vst v63  }
0x3b7: {  	s12 =	simm.s32 $0x8000  }
0x3b8: {  	[tilespmem:s12], [sflag:$0x1] =	stream.indirect_vreg.gather [hbm4b:s6+s3], $0x80, v4, vm0, $0xb8;
	[tilespmem:$0x10800] =	vst v63  }
0x3b9: {  	_ =	swait.ge [sflag:s5], $0x8000  }
0x3ba: {  	[sflag:s5] =	ssyncset.done $0x0  }
0x3bb: {  	s30 =	rddreg [dreg:$0xf];
	[sflag:s5] =	ssyncadd.s32 $0xFFFF8000  }
0x3bc: {  	[hbm4b:s30+s3] =	stream.linear.scatter [tilespmem:s2], [sflag:$0x2], $0x8000, $0x38;
	[tilespmem:$0x10800] =	vst v63  }
0x3bd: {  	_ =	swait.ge [sflag:s16], $0x8000  }
0x3be: {  	[sflag:s16] =	ssyncset.done $0x0  }
0x3bf: {  	[sflag:s16] =	ssyncadd.s32 $0xFFFF8000  }
0x3c0: {  	v4 =	vld [tilespmem:$0x680];
	_ =	sdelay $0x4  }
0x3c1: {  	v5 =	vshll.u32 v4, $0x2  }
0x3c2: {  	v4 =	vand.u32 $0x7, v4;
	v5 =	vand.u32 $0xFFFFFFE0, v5  }
0x3c3: {  	v4 =	vor.u32 v4, v5  }
0x3c4: {  	v5 =	vperm.xlane v4, v1;
	_ =	sdelay $0x1  }
0x3c5: {  	v5 =	vadd.s32 v2, v5;
	_ =	sdelay $0x1  }
0x3c6: {  	v4 =	vperm.xlane v4, v3;
	_ =	sdelay $0x1  }
0x3c7: {  	v4 =	vadd.s32 v2, v4  }
0x3c8: {  	[tilespmem:s2], [sflag:$0x1] =	stream.indirect_vreg.gather [hbm4b:s1+s3], $0x80, v5, vm0, $0xb8;
	[tilespmem:$0x10800] =	vst v63  }
0x3c9: {  	s31 =	simm.s32 $0x9000  }
0x3ca: {  	[tilespmem:s31], [sflag:$0x1] =	stream.indirect_vreg.gather [hbm4b:s6+s3], $0x80, v5, vm0, $0xb8;
	[tilespmem:$0x10800] =	vst v63  }
0x3cb: {  	s18 =	simm.s32 $0x9800  }
0x3cc: {  	[tilespmem:s18], [sflag:$0x1] =	stream.indirect_vreg.gather [hbm4b:s1+s3], $0x80, v4, vm0, $0xb8;
	[tilespmem:$0x10800] =	vst v63  }
0x3cd: {  	s31 =	simm.s32 $0xA000  }
0x3ce: {  	[tilespmem:s31], [sflag:$0x1] =	stream.indirect_vreg.gather [hbm4b:s6+s3], $0x80, v4, vm0, $0xb8;
	[tilespmem:$0x10800] =	vst v63  }
0x3cf: {  	v4 =	vld [tilespmem:$0x690];
	_ =	sdelay $0x4  }
0x3d0: {  	v5 =	vshll.u32 v4, $0x2  }
0x3d1: {  	v4 =	vand.u32 $0x7, v4;
	v5 =	vand.u32 $0xFFFFFFE0, v5  }
0x3d2: {  	v4 =	vor.u32 v4, v5  }
0x3d3: {  	v5 =	vperm.xlane v4, v1;
	_ =	sdelay $0x1  }
0x3d4: {  	v5 =	vadd.s32 v2, v5;
	_ =	sdelay $0x1  }
0x3d5: {  	v4 =	vperm.xlane v4, v3;
	_ =	sdelay $0x1  }
0x3d6: {  	s18 =	simm.s32 $0xA800;
	v4 =	vadd.s32 v2, v4  }
0x3d7: {  	[tilespmem:s18], [sflag:$0x1] =	stream.indirect_vreg.gather [hbm4b:s1+s3], $0x80, v5, vm0, $0xb8;
	[tilespmem:$0x10800] =	vst v63  }
0x3d8: {  	s28 =	simm.s32 $0xB000  }
0x3d9: {  	[tilespmem:s28], [sflag:$0x1] =	stream.indirect_vreg.gather [hbm4b:s6+s3], $0x80, v5, vm0, $0xb8;
	[tilespmem:$0x10800] =	vst v63  }
0x3da: {  	s22 =	simm.s32 $0xB800  }
0x3db: {  	[tilespmem:s22], [sflag:$0x1] =	stream.indirect_vreg.gather [hbm4b:s1+s3], $0x80, v4, vm0, $0xb8;
	[tilespmem:$0x10800] =	vst v63  }
0x3dc: {  	s29 =	simm.s32 $0xC000  }
0x3dd: {  	[tilespmem:s29], [sflag:$0x1] =	stream.indirect_vreg.gather [hbm4b:s6+s3], $0x80, v4, vm0, $0xb8;
	[tilespmem:$0x10800] =	vst v63  }
0x3de: {  	v4 =	vld [tilespmem:$0x6A0];
	_ =	sdelay $0x4  }
0x3df: {  	v5 =	vshll.u32 v4, $0x2  }
0x3e0: {  	v4 =	vand.u32 $0x7, v4;
	v5 =	vand.u32 $0xFFFFFFE0, v5  }
0x3e1: {  	v4 =	vor.u32 v4, v5  }
0x3e2: {  	v5 =	vperm.xlane v4, v1;
	_ =	sdelay $0x1  }
0x3e3: {  	v5 =	vadd.s32 v2, v5;
	_ =	sdelay $0x1  }
0x3e4: {  	v4 =	vperm.xlane v4, v3;
	_ =	sdelay $0x1  }
0x3e5: {  	s14 =	simm.s32 $0xC800;
	v4 =	vadd.s32 v2, v4  }
0x3e6: {  	[tilespmem:s14], [sflag:$0x1] =	stream.indirect_vreg.gather [hbm4b:s1+s3], $0x80, v5, vm0, $0xb8;
	[tilespmem:$0x10800] =	vst v63  }
0x3e7: {  	s21 =	simm.s32 $0xD000  }
0x3e8: {  	[tilespmem:s21], [sflag:$0x1] =	stream.indirect_vreg.gather [hbm4b:s6+s3], $0x80, v5, vm0, $0xb8;
	[tilespmem:$0x10800] =	vst v63  }
0x3e9: {  	s15 =	simm.s32 $0xD800  }
0x3ea: {  	[tilespmem:s15], [sflag:$0x1] =	stream.indirect_vreg.gather [hbm4b:s1+s3], $0x80, v4, vm0, $0xb8;
	[tilespmem:$0x10800] =	vst v63  }
0x3eb: {  	s13 =	simm.s32 $0xE000  }
0x3ec: {  	[tilespmem:s13], [sflag:$0x1] =	stream.indirect_vreg.gather [hbm4b:s6+s3], $0x80, v4, vm0, $0xb8;
	[tilespmem:$0x10800] =	vst v63  }
0x3ed: {  	v4 =	vld [tilespmem:$0x6B0];
	_ =	sdelay $0x4  }
0x3ee: {  	v5 =	vshll.u32 v4, $0x2  }
0x3ef: {  	v4 =	vand.u32 $0x7, v4;
	v5 =	vand.u32 $0xFFFFFFE0, v5  }
0x3f0: {  	v4 =	vor.u32 v4, v5  }
0x3f1: {  	v5 =	vperm.xlane v4, v1;
	_ =	sdelay $0x1  }
0x3f2: {  	v5 =	vadd.s32 v2, v5;
	_ =	sdelay $0x1  }
0x3f3: {  	v4 =	vperm.xlane v4, v3;
	_ =	sdelay $0x1  }
0x3f4: {  	s9 =	simm.s32 $0xE800;
	v4 =	vadd.s32 v2, v4  }
0x3f5: {  	[tilespmem:s9], [sflag:$0x1] =	stream.indirect_vreg.gather [hbm4b:s1+s3], $0x80, v5, vm0, $0xb8;
	[tilespmem:$0x10800] =	vst v63  }
0x3f6: {  	s19 =	simm.s32 $0xF000  }
0x3f7: {  	[tilespmem:s19], [sflag:$0x1] =	stream.indirect_vreg.gather [hbm4b:s6+s3], $0x80, v5, vm0, $0xb8;
	[tilespmem:$0x10800] =	vst v63  }
0x3f8: {  	s17 =	simm.s32 $0xF800  }
0x3f9: {  	[tilespmem:s17], [sflag:$0x1] =	stream.indirect_vreg.gather [hbm4b:s1+s3], $0x80, v4, vm0, $0xb8;
	[tilespmem:$0x10800] =	vst v63  }
0x3fa: {  	s19 =	simm.s32 $0x10000  }
0x3fb: {  	[tilespmem:s19], [sflag:$0x1] =	stream.indirect_vreg.gather [hbm4b:s6+s3], $0x80, v4, vm0, $0xb8;
	[tilespmem:$0x10800] =	vst v63  }
0x3fc: {  	_ =	swait.ge [sflag:s5], $0x8000  }
0x3fd: {  	[sflag:s5] =	ssyncset.done $0x0  }
0x3fe: {  	s21 =	rddreg [dreg:$0x10];
	[sflag:s5] =	ssyncadd.s32 $0xFFFF8000  }
0x3ff: {  	[hbm4b:s21+s3] =	stream.linear.scatter [tilespmem:s25], [sflag:$0x2], $0x8000, $0x38;
	[tilespmem:$0x10800] =	vst v63  }
0x400: {  	_ =	swait.ge [sflag:s16], $0x8000  }
0x401: {  	[sflag:s16] =	ssyncset.done $0x0  }
0x402: {  	[sflag:s16] =	ssyncadd.s32 $0xFFFF8000  }
0x403: {  	v4 =	vld [tilespmem:$0x700];
	_ =	sdelay $0x4  }
0x404: {  	v5 =	vshll.u32 v4, $0x2  }
0x405: {  	v4 =	vand.u32 $0x7, v4;
	v5 =	vand.u32 $0xFFFFFFE0, v5  }
0x406: {  	v4 =	vor.u32 v4, v5  }
0x407: {  	v5 =	vperm.xlane v4, v1;
	_ =	sdelay $0x1  }
0x408: {  	v5 =	vadd.s32 v2, v5;
	_ =	sdelay $0x1  }
0x409: {  	v4 =	vperm.xlane v4, v3;
	_ =	sdelay $0x1  }
0x40a: {  	v4 =	vadd.s32 v2, v4  }
0x40b: {  	[tilespmem:s25], [sflag:$0x1] =	stream.indirect_vreg.gather [hbm4b:s1+s3], $0x80, v5, vm0, $0xb8;
	[tilespmem:$0x10800] =	vst v63  }
0x40c: {  	s21 =	simm.s32 $0x1000  }
0x40d: {  	[tilespmem:s21], [sflag:$0x1] =	stream.indirect_vreg.gather [hbm4b:s6+s3], $0x80, v5, vm0, $0xb8;
	[tilespmem:$0x10800] =	vst v63  }
0x40e: {  	s21 =	simm.s32 $0x1800  }
0x40f: {  	[tilespmem:s21], [sflag:$0x1] =	stream.indirect_vreg.gather [hbm4b:s1+s3], $0x80, v4, vm0, $0xb8;
	[tilespmem:$0x10800] =	vst v63  }
0x410: {  	s0 =	simm.s32 $0x2000  }
0x411: {  	[tilespmem:s0], [sflag:$0x1] =	stream.indirect_vreg.gather [hbm4b:s6+s3], $0x80, v4, vm0, $0xb8;
	[tilespmem:$0x10800] =	vst v63  }
0x412: {  	v4 =	vld [tilespmem:$0x710];
	_ =	sdelay $0x4  }
0x413: {  	v5 =	vshll.u32 v4, $0x2  }
0x414: {  	v4 =	vand.u32 $0x7, v4;
	v5 =	vand.u32 $0xFFFFFFE0, v5  }
0x415: {  	v4 =	vor.u32 v4, v5  }
0x416: {  	v5 =	vperm.xlane v4, v1;
	_ =	sdelay $0x1  }
0x417: {  	v5 =	vadd.s32 v2, v5;
	_ =	sdelay $0x1  }
0x418: {  	v4 =	vperm.xlane v4, v3;
	_ =	sdelay $0x1  }
0x419: {  	s17 =	simm.s32 $0x2800;
	v4 =	vadd.s32 v2, v4  }
0x41a: {  	[tilespmem:s17], [sflag:$0x1] =	stream.indirect_vreg.gather [hbm4b:s1+s3], $0x80, v5, vm0, $0xb8;
	[tilespmem:$0x10800] =	vst v63  }
0x41b: {  	s21 =	simm.s32 $0x3000  }
0x41c: {  	[tilespmem:s21], [sflag:$0x1] =	stream.indirect_vreg.gather [hbm4b:s6+s3], $0x80, v5, vm0, $0xb8;
	[tilespmem:$0x10800] =	vst v63  }
0x41d: {  	s8 =	simm.s32 $0x3800  }
0x41e: {  	[tilespmem:s8], [sflag:$0x1] =	stream.indirect_vreg.gather [hbm4b:s1+s3], $0x80, v4, vm0, $0xb8;
	[tilespmem:$0x10800] =	vst v63  }
0x41f: {  	s10 =	simm.s32 $0x4000  }
0x420: {  	[tilespmem:s10], [sflag:$0x1] =	stream.indirect_vreg.gather [hbm4b:s6+s3], $0x80, v4, vm0, $0xb8;
	[tilespmem:$0x10800] =	vst v63  }
0x421: {  	v4 =	vld [tilespmem:$0x720];
	_ =	sdelay $0x4  }
0x422: {  	v5 =	vshll.u32 v4, $0x2  }
0x423: {  	v4 =	vand.u32 $0x7, v4;
	v5 =	vand.u32 $0xFFFFFFE0, v5  }
0x424: {  	v4 =	vor.u32 v4, v5  }
0x425: {  	v5 =	vperm.xlane v4, v1;
	_ =	sdelay $0x1  }
0x426: {  	v5 =	vadd.s32 v2, v5;
	_ =	sdelay $0x1  }
0x427: {  	v4 =	vperm.xlane v4, v3;
	_ =	sdelay $0x1  }
0x428: {  	s17 =	simm.s32 $0x4800;
	v4 =	vadd.s32 v2, v4  }
0x429: {  	[tilespmem:s17], [sflag:$0x1] =	stream.indirect_vreg.gather [hbm4b:s1+s3], $0x80, v5, vm0, $0xb8;
	[tilespmem:$0x10800] =	vst v63  }
0x42a: {  	s11 =	simm.s32 $0x5000  }
0x42b: {  	[tilespmem:s11], [sflag:$0x1] =	stream.indirect_vreg.gather [hbm4b:s6+s3], $0x80, v5, vm0, $0xb8;
	[tilespmem:$0x10800] =	vst v63  }
0x42c: {  	s20 =	simm.s32 $0x5800  }
0x42d: {  	[tilespmem:s20], [sflag:$0x1] =	stream.indirect_vreg.gather [hbm4b:s1+s3], $0x80, v4, vm0, $0xb8;
	[tilespmem:$0x10800] =	vst v63  }
0x42e: {  	s23 =	simm.s32 $0x6000  }
0x42f: {  	[tilespmem:s23], [sflag:$0x1] =	stream.indirect_vreg.gather [hbm4b:s6+s3], $0x80, v4, vm0, $0xb8;
	[tilespmem:$0x10800] =	vst v63  }
0x430: {  	v4 =	vld [tilespmem:$0x730];
	_ =	sdelay $0x4  }
0x431: {  	v5 =	vshll.u32 v4, $0x2  }
0x432: {  	v4 =	vand.u32 $0x7, v4;
	v5 =	vand.u32 $0xFFFFFFE0, v5  }
0x433: {  	v4 =	vor.u32 v4, v5  }
0x434: {  	v5 =	vperm.xlane v4, v1;
	_ =	sdelay $0x1  }
0x435: {  	v5 =	vadd.s32 v2, v5;
	_ =	sdelay $0x1  }
0x436: {  	v4 =	vperm.xlane v4, v3;
	_ =	sdelay $0x1  }
0x437: {  	s26 =	simm.s32 $0x6800;
	v4 =	vadd.s32 v2, v4  }
0x438: {  	[tilespmem:s26], [sflag:$0x1] =	stream.indirect_vreg.gather [hbm4b:s1+s3], $0x80, v5, vm0, $0xb8;
	[tilespmem:$0x10800] =	vst v63  }
0x439: {  	s21 =	simm.s32 $0x7000  }
0x43a: {  	[tilespmem:s21], [sflag:$0x1] =	stream.indirect_vreg.gather [hbm4b:s6+s3], $0x80, v5, vm0, $0xb8;
	[tilespmem:$0x10800] =	vst v63  }
0x43b: {  	s24 =	simm.s32 $0x7800  }
0x43c: {  	[tilespmem:s24], [sflag:$0x1] =	stream.indirect_vreg.gather [hbm4b:s1+s3], $0x80, v4, vm0, $0xb8;
	[tilespmem:$0x10800] =	vst v63  }
0x43d: {  	s7 =	simm.s32 $0x8000  }
0x43e: {  	[tilespmem:s7], [sflag:$0x1] =	stream.indirect_vreg.gather [hbm4b:s6+s3], $0x80, v4, vm0, $0xb8;
	[tilespmem:$0x10800] =	vst v63  }
0x43f: {  	_ =	swait.ge [sflag:s5], $0x8000  }
0x440: {  	[sflag:s5] =	ssyncset.done $0x0  }
0x441: {  	s23 =	rddreg [dreg:$0x11];
	[sflag:s5] =	ssyncadd.s32 $0xFFFF8000  }
0x442: {  	[hbm4b:s23+s3] =	stream.linear.scatter [tilespmem:s2], [sflag:$0x2], $0x8000, $0x38;
	[tilespmem:$0x10800] =	vst v63  }
0x443: {  	_ =	swait.ge [sflag:s16], $0x8000  }
0x444: {  	[sflag:s16] =	ssyncset.done $0x0  }
0x445: {  	[sflag:s16] =	ssyncadd.s32 $0xFFFF8000  }
0x446: {  	v4 =	vld [tilespmem:$0x780];
	_ =	sdelay $0x4  }
0x447: {  	v5 =	vshll.u32 v4, $0x2  }
0x448: {  	v4 =	vand.u32 $0x7, v4;
	v5 =	vand.u32 $0xFFFFFFE0, v5  }
0x449: {  	v4 =	vor.u32 v4, v5  }
0x44a: {  	v5 =	vperm.xlane v4, v1;
	_ =	sdelay $0x1  }
0x44b: {  	v5 =	vadd.s32 v2, v5;
	_ =	sdelay $0x1  }
0x44c: {  	v4 =	vperm.xlane v4, v3;
	_ =	sdelay $0x1  }
0x44d: {  	v4 =	vadd.s32 v2, v4  }
0x44e: {  	[tilespmem:s2], [sflag:$0x1] =	stream.indirect_vreg.gather [hbm4b:s1+s3], $0x80, v5, vm0, $0xb8;
	[tilespmem:$0x10800] =	vst v63  }
0x44f: {  	s4 =	simm.s32 $0x9000  }
0x450: {  	[tilespmem:s4], [sflag:$0x1] =	stream.indirect_vreg.gather [hbm4b:s6+s3], $0x80, v5, vm0, $0xb8;
	[tilespmem:$0x10800] =	vst v63  }
0x451: {  	s12 =	simm.s32 $0x9800  }
0x452: {  	[tilespmem:s12], [sflag:$0x1] =	stream.indirect_vreg.gather [hbm4b:s1+s3], $0x80, v4, vm0, $0xb8;
	[tilespmem:$0x10800] =	vst v63  }
0x453: {  	s24 =	simm.s32 $0xA000  }
0x454: {  	[tilespmem:s24], [sflag:$0x1] =	stream.indirect_vreg.gather [hbm4b:s6+s3], $0x80, v4, vm0, $0xb8;
	[tilespmem:$0x10800] =	vst v63  }
0x455: {  	v4 =	vld [tilespmem:$0x790];
	_ =	sdelay $0x4  }
0x456: {  	v5 =	vshll.u32 v4, $0x2  }
0x457: {  	v4 =	vand.u32 $0x7, v4;
	v5 =	vand.u32 $0xFFFFFFE0, v5  }
0x458: {  	v4 =	vor.u32 v4, v5  }
0x459: {  	v5 =	vperm.xlane v4, v1;
	_ =	sdelay $0x1  }
0x45a: {  	v5 =	vadd.s32 v2, v5;
	_ =	sdelay $0x1  }
0x45b: {  	v4 =	vperm.xlane v4, v3;
	_ =	sdelay $0x1  }
0x45c: {  	s26 =	simm.s32 $0xA800;
	v4 =	vadd.s32 v2, v4  }
0x45d: {  	[tilespmem:s26], [sflag:$0x1] =	stream.indirect_vreg.gather [hbm4b:s1+s3], $0x80, v5, vm0, $0xb8;
	[tilespmem:$0x10800] =	vst v63  }
0x45e: {  	s31 =	simm.s32 $0xB000  }
0x45f: {  	[tilespmem:s31], [sflag:$0x1] =	stream.indirect_vreg.gather [hbm4b:s6+s3], $0x80, v5, vm0, $0xb8;
	[tilespmem:$0x10800] =	vst v63  }
0x460: {  	s30 =	simm.s32 $0xB800  }
0x461: {  	[tilespmem:s30], [sflag:$0x1] =	stream.indirect_vreg.gather [hbm4b:s1+s3], $0x80, v4, vm0, $0xb8;
	[tilespmem:$0x10800] =	vst v63  }
0x462: {  	s22 =	simm.s32 $0xC000  }
0x463: {  	[tilespmem:s22], [sflag:$0x1] =	stream.indirect_vreg.gather [hbm4b:s6+s3], $0x80, v4, vm0, $0xb8;
	[tilespmem:$0x10800] =	vst v63  }
0x464: {  	v4 =	vld [tilespmem:$0x7A0];
	_ =	sdelay $0x4  }
0x465: {  	v5 =	vshll.u32 v4, $0x2  }
0x466: {  	v4 =	vand.u32 $0x7, v4;
	v5 =	vand.u32 $0xFFFFFFE0, v5  }
0x467: {  	v4 =	vor.u32 v4, v5  }
0x468: {  	v5 =	vperm.xlane v4, v1;
	_ =	sdelay $0x1  }
0x469: {  	v5 =	vadd.s32 v2, v5;
	_ =	sdelay $0x1  }
0x46a: {  	v4 =	vperm.xlane v4, v3;
	_ =	sdelay $0x1  }
0x46b: {  	s28 =	simm.s32 $0xC800;
	v4 =	vadd.s32 v2, v4  }
0x46c: {  	[tilespmem:s28], [sflag:$0x1] =	stream.indirect_vreg.gather [hbm4b:s1+s3], $0x80, v5, vm0, $0xb8;
	[tilespmem:$0x10800] =	vst v63  }
0x46d: {  	s29 =	simm.s32 $0xD000  }
0x46e: {  	[tilespmem:s29], [sflag:$0x1] =	stream.indirect_vreg.gather [hbm4b:s6+s3], $0x80, v5, vm0, $0xb8;
	[tilespmem:$0x10800] =	vst v63  }
0x46f: {  	s14 =	simm.s32 $0xD800  }
0x470: {  	[tilespmem:s14], [sflag:$0x1] =	stream.indirect_vreg.gather [hbm4b:s1+s3], $0x80, v4, vm0, $0xb8;
	[tilespmem:$0x10800] =	vst v63  }
0x471: {  	s18 =	simm.s32 $0xE000  }
0x472: {  	[tilespmem:s18], [sflag:$0x1] =	stream.indirect_vreg.gather [hbm4b:s6+s3], $0x80, v4, vm0, $0xb8;
	[tilespmem:$0x10800] =	vst v63  }
0x473: {  	v4 =	vld [tilespmem:$0x7B0];
	_ =	sdelay $0x4  }
0x474: {  	v5 =	vshll.u32 v4, $0x2  }
0x475: {  	v4 =	vand.u32 $0x7, v4;
	v5 =	vand.u32 $0xFFFFFFE0, v5  }
0x476: {  	v4 =	vor.u32 v4, v5  }
0x477: {  	v5 =	vperm.xlane v4, v1;
	_ =	sdelay $0x1  }
0x478: {  	v5 =	vadd.s32 v2, v5;
	_ =	sdelay $0x1  }
0x479: {  	v4 =	vperm.xlane v4, v3;
	_ =	sdelay $0x1  }
0x47a: {  	s13 =	simm.s32 $0xE800;
	v4 =	vadd.s32 v2, v4  }
0x47b: {  	[tilespmem:s13], [sflag:$0x1] =	stream.indirect_vreg.gather [hbm4b:s1+s3], $0x80, v5, vm0, $0xb8;
	[tilespmem:$0x10800] =	vst v63  }
0x47c: {  	s9 =	simm.s32 $0xF000  }
0x47d: {  	[tilespmem:s9], [sflag:$0x1] =	stream.indirect_vreg.gather [hbm4b:s6+s3], $0x80, v5, vm0, $0xb8;
	[tilespmem:$0x10800] =	vst v63  }
0x47e: {  	s15 =	simm.s32 $0xF800  }
0x47f: {  	[tilespmem:s15], [sflag:$0x1] =	stream.indirect_vreg.gather [hbm4b:s1+s3], $0x80, v4, vm0, $0xb8;
	[tilespmem:$0x10800] =	vst v63  }
0x480: {  	s19 =	simm.s32 $0x10000  }
0x481: {  	[tilespmem:s19], [sflag:$0x1] =	stream.indirect_vreg.gather [hbm4b:s6+s3], $0x80, v4, vm0, $0xb8;
	[tilespmem:$0x10800] =	vst v63  }
0x482: {  	s29 =	rddreg [dreg:$0x15];
	_ =	swait.ge [sflag:s5], $0x8000  }
0x483: {  	[sflag:s5] =	ssyncset.done $0x0  }
0x484: {  	s30 =	rddreg [dreg:$0x12];
	[sflag:s5] =	ssyncadd.s32 $0xFFFF8000  }
0x485: {  	[hbm4b:s30+s3] =	stream.linear.scatter [tilespmem:s25], [sflag:$0x2], $0x8000, $0x38;
	[tilespmem:$0x10800] =	vst v63  }
0x486: {  	_ =	swait.ge [sflag:s5], $0x8000  }
0x487: {  	[sflag:s5] =	ssyncset.done $0x0  }
0x488: {  	s31 =	rddreg [dreg:$0x13];
	[sflag:s5] =	ssyncadd.s32 $0xFFFF8000  }
0x489: {  	[hbm4b:s31+s3] =	stream.linear.scatter [tilespmem:s2], [sflag:$0x2], $0x8000, $0x38;
	[tilespmem:$0x10800] =	vst v63  }
0x48a: {  	p0 =	sne.s32 s29, $0x1;
	_ =	swait.ge [sflag:s16], $0x8000  }
.Ltmp0:
0x48b: {  	[sflag:s16] =	ssyncset.done $0x0;
	(pc) =	sbr.rel @p0 .LBB2_1-.Ltmp0, $4  }
0x48c: {  	[sflag:s16] =	ssyncadd.s32 $0xFFFF8000  }
0x48d: {  	_ =	swait.ge [sflag:s16], $0x8000  }
0x48e: {  	[sflag:s16] =	ssyncset.done $0x0  }
0x48f: {  	s0 =	sadd.s32 $0xFFFFFFFF, s29;
	[sflag:s16] =	ssyncadd.s32 $0xFFFF8000  }
0x490: {  	_ =	sfence.sel $0x180000  }
0x491: {  	[bflag:$0x0] =	sbarrier.arrive $0xFFFF  }
0x492: {  	_ =	strace $0x90000047  }
0x493: {  	s0 =	stileid.u32;
	[bflag:$0x2] =	sbarrier.arrive $0xFFFF  }
0x494: {  	p0 =	sne.s32 s0, $0x0;
	s0 =	rddreg [dreg:$0x3]  }
0x495: {  	s0 =	sadd.s32 @!p0 $0x100000, s0  }
0x496: {  	[sflag:s0] =	ssyncadd.tile.s32 @!p0 $0x1;
	_ =	shalt  }
.Lfunc_end2:
_tile_overlayer_lowered:
.L_overlay_start_2:
0x497: {  	(tag) =	ssettag $0x2  }
0x498: {  	s0 =	rddreg [dreg:$0x0];
	s2 =	stileid.u32  }
0x499: {  	s1 =	rddreg [dreg:$0x1];
	p0 =	sne.s32 s2, $0x0  }
0x49a: {  	s3 =	rddreg [dreg:$0x2];
	[bflag:$0x3] =	sbarrier.arrive $0xFFFF;
	s2 =	simm.s32 @!p0 $0x1C03  }
0x49b: {  	[timem:s3], [sflag:s2] =	dma.local @!p0 [hbm:s0], s1  }
0x49c: {  	s0 =	simm.s32 @!p0 $0x3  }
0x49d: {  	_ =	swait.ge @!p0 [sflag:s0], s1  }
0x49e: {  	s1 =	ssub.s32 @!p0 $0x0, s1;
	[sflag:s0] =	ssyncset.done @!p0 $0x0  }
0x49f: {  	[sflag:s0] =	ssyncadd.s32 @!p0 s1  }
0x4a0: {  	[bflag:$0x3] =	sbarrier.arrive $0xFFFF  }
0x4a1: {  	_ =	shalt  }

</sc_bundles>
